<compile_context>
chip_gen: v7x
topology: tpu7x:2x2x1
jax: 0.10.2.dev20260603
libtpu: 0.0.44.dev20260713+nightly
codegen_flags: <defaults>
</compile_context>

<pallas_src>
import functools

import jax
import jax.numpy as jnp
from jax import lax
from jax.experimental import pallas as pl
from jax.experimental.pallas import tpu as pltpu
from jax.experimental.pallas import tpu_sc as plsc

_D = 32
_L = 128
_CB = 4
_U = _CB * _L
_NC = 2
_NS = 16
_NW = _NC * _NS
_RUN = 8 * _U


@functools.lru_cache(maxsize=None)
def _build(batch: int, hist: int):
    n_bt = batch // _L
    n_cb = n_bt // _CB
    n_units = hist * n_cb
    units_per_w = n_units // _NW
    n_rt = _D // 8
    out_words = hist * _D * batch
    assert n_bt * _L == batch and n_cb * _CB == n_bt
    assert units_per_w * _NW == n_units and units_per_w % 2 == 0

    mesh = plsc.VectorSubcoreMesh(core_axis_name="c", subcore_axis_name="s")

    @functools.partial(
        pl.kernel,
        mesh=mesh,
        compiler_params=pltpu.CompilerParams(
            use_tc_tiling_on_sc=False, needs_layout_passes=False),
        out_type=jax.ShapeDtypeStruct((out_words,), jnp.float32),
        scratch_types=[
            pltpu.VMEM((2, _U), jnp.int32),
            pltpu.VMEM((2, _U, _D), jnp.float32),
            pltpu.VMEM((2, _D * _U), jnp.float32),
            pltpu.SemaphoreType.DMA,
            pltpu.SemaphoreType.DMA,
            pltpu.SemaphoreType.DMA,
            pltpu.SemaphoreType.DMA,
            pltpu.SemaphoreType.DMA,
            pltpu.SemaphoreType.DMA,
        ],
    )
    def gather_kernel(table_hbm, xt_hbm, out_hbm, idxb, slots, stage,
                      gi0, gi1, g0, g1, s0, s1):
        wid = lax.axis_index("s") * _NC + lax.axis_index("c")
        isems = (gi0, gi1)
        gsems = (g0, g1)
        ssems = (s0, s1)
        iota = lax.iota(jnp.int32, 16)
        dvec = [iota + 16 * k for k in range(_D // 16)]
        sbase = [
            lax.shift_right_logical(d, 3) * _RUN + lax.bitwise_and(d, 7) * _L
            for d in dvec
        ]

        def fire_idx(i, p):
            h = lax.div(i, n_cb)
            cb = lax.rem(i, n_cb)
            pltpu.async_copy(
                xt_hbm.at[h, pl.ds(cb * _U, _U)], idxb.at[p], isems[p])

        def fire_gathers(p):
            pltpu.make_async_copy(
                xt_hbm.at[0, pl.ds(0, _U)], idxb.at[p], isems[p]).wait()
            for b in range(_CB):
                pltpu.async_copy(
                    table_hbm.at[idxb.at[p, pl.ds(b * _L, _L)]],
                    slots.at[p, pl.ds(b * _L, _L)], gsems[p])

        def drain_gathers(p):
            pltpu.make_async_copy(
                table_hbm.at[pl.ds(0, _U)], slots.at[p], gsems[p]).wait()

        def transpose(p):
            for q in range(_CB):
                qoff = q * 8 * _L

                def tbody(li, idxs):
                    new = list(idxs)
                    for w in range(4):
                        l = q * _L + 4 * li + w
                        for k in range(_D // 16):
                            v = slots[p, l, pl.ds(16 * k, 16)]
                            plsc.store_scatter(stage.at[p], [new[k]], v)
                            new[k] = new[k] + 1
                    return tuple(new)

                lax.fori_loop(0, _L // 4, tbody,
                              tuple(b + qoff for b in sbase))

        def fire_stores(i, p):
            h = lax.div(i, n_cb)
            cb = lax.rem(i, n_cb)
            for r in range(n_rt):
                off = (h * n_rt + r) * n_bt * _L * 8 + cb * _RUN
                pltpu.async_copy(
                    stage.at[p, pl.ds(r * _RUN, _RUN)],
                    out_hbm.at[pl.ds(off, _RUN)], ssems[p])

        def wait_stores(p):
            for r in range(n_rt):
                pltpu.make_async_copy(
                    stage.at[p, pl.ds(0, _RUN)],
                    out_hbm.at[pl.ds(0, _RUN)], ssems[p]).wait()

        u0 = wid * units_per_w
        fire_idx(u0, 0)
        fire_gathers(0)
        fire_idx(u0 + 1, 1)

        def pair_body(t, carry):
            i0 = u0 + 2 * t

            fire_gathers(1)
            drain_gathers(0)

            @pl.when(t > 0)
            def _():
                wait_stores(0)

            transpose(0)
            fire_stores(i0, 0)

            @pl.when(t + 1 < units_per_w // 2)
            def _():
                fire_idx(i0 + 2, 0)

            @pl.when(t + 1 < units_per_w // 2)
            def _():
                fire_gathers(0)
            drain_gathers(1)

            @pl.when(t > 0)
            def _():
                wait_stores(1)

            transpose(1)
            fire_stores(i0 + 1, 1)

            @pl.when(t + 1 < units_per_w // 2)
            def _():
                fire_idx(i0 + 3, 1)
            return carry

        lax.fori_loop(0, units_per_w // 2, pair_body, 0)
        wait_stores(0)
        wait_stores(1)

    return gather_kernel


def kernel(x, table):
    b, h = x.shape
    v, d = table.shape
    table4 = jnp.pad(table, ((0, 0), (0, 128 - d))).reshape(4 * v, d)
    idx4 = x.T.astype(jnp.int32) * 4
    flat = _build(b, h)(table4, idx4)
    out5 = flat.reshape(h, _D // 8, b // _L, 8, _L)
    return out5.transpose((2, 4, 0, 1, 3)).reshape(b, h, _D)

# --- scband reference (transcript-rebuilt; emitter-appended) ---
"""Pipeline reference for scband-seq2-seq-18545668784870 (READ-ONLY COPY).

The authoritative reference and input builder live on the scoring server;
editing this copy changes nothing except your own understanding.
"""

import jax, jax.numpy as jnp
import numpy as np

VOCAB = 1000000
EMBED = 32
BATCH = 16384
HIST = 50

def setup_inputs(seed: int = 0) -> dict:
    key = jax.random.key(seed)
    k1, k2 = jax.random.split(key)
    x = jax.random.randint(k1, (BATCH, HIST), 0, VOCAB, dtype=jnp.int64) if jax.config.jax_enable_x64 else jax.random.randint(k1, (BATCH, HIST), 0, VOCAB, dtype=jnp.int32)
    table = jax.random.normal(k2, (VOCAB, EMBED), dtype=jnp.float32) * 0.02
    return {"x": x, "table": table}

def reference(x, table):
    # nn.Embedding forward: gather rows of the table by index
    y = jnp.take(table, x, axis=0)  # [BATCH, HIST, EMBED]
    return y

if __name__ == "__main__":
    import jax
    _d = setup_inputs()
    print(jax.jit(kernel)(*tuple(_d.values())))

</pallas_src>

<mosaic_0001>
#map = affine_map<(d0, d1) -> (0, 0)>
#map1 = affine_map<(d0, d1) -> (0)>
module attributes {stable_mosaic.version = 14 : i64} {
  func.func @gather_kernel(%arg0: i32, %arg1: i32, %arg2: memref<4000000x32xf32, #tpu.memory_space<hbm>>, %arg3: memref<50x16384xi32, #tpu.memory_space<hbm>>, %arg4: memref<26214400xf32, #tpu.memory_space<hbm>>, %arg5: memref<2x512xi32, #tpu.memory_space<vmem>>, %arg6: memref<2x512x32xf32, #tpu.memory_space<vmem>>, %arg7: memref<2x16384xf32, #tpu.memory_space<vmem>>, %arg8: memref<!tpu.dma_semaphore, #tpu.memory_space<semaphore_mem>>, %arg9: memref<!tpu.dma_semaphore, #tpu.memory_space<semaphore_mem>>, %arg10: memref<!tpu.dma_semaphore, #tpu.memory_space<semaphore_mem>>, %arg11: memref<!tpu.dma_semaphore, #tpu.memory_space<semaphore_mem>>, %arg12: memref<!tpu.dma_semaphore, #tpu.memory_space<semaphore_mem>>, %arg13: memref<!tpu.dma_semaphore, #tpu.memory_space<semaphore_mem>>) attributes {dimension_semantics = [#tpu.dimension_semantics<core_parallel>, #tpu.dimension_semantics<subcore_parallel>], iteration_bounds = array<i64: 2, 16>, scalar_prefetch = 0 : i64, scratch_operands = 9 : i64, tpu.core_type = #tpu.core_type<sc_vector_subcore>, window_params = [{transform_indices = #map}, {transform_indices = #map}, {transform_indices = #map1}]} {
    %mul3A = arith.constant 2 : i32
    %mul3A_0 = arith.muli %arg1, %mul3A : i32
    %add3A = arith.addi %mul3A_0, %arg0 : i32
    %iota3A = tpu.iota {dimensions = array<i32: 0>} : vector<16xi32>
    %add3A_1 = arith.constant 0 : i32
    %add3A_2 = vector.broadcast %add3A_1 : i32 to vector<16xi32>
    %add3A_3 = arith.addi %iota3A, %add3A_2 : vector<16xi32>
    %add3A_4 = arith.constant 16 : i32
    %add3A_5 = vector.broadcast %add3A_4 : i32 to vector<16xi32>
    %add3A_6 = arith.addi %iota3A, %add3A_5 : vector<16xi32>
    %shift_right_logical3A = arith.constant 3 : i32
    %shift_right_logical3A_7 = vector.broadcast %shift_right_logical3A : i32 to vector<16xi32>
    %shift_right_logical3A_8 = arith.shrui %add3A_3, %shift_right_logical3A_7 : vector<16xi32>
    %mul3A_9 = arith.constant 4096 : i32
    %mul3A_10 = vector.broadcast %mul3A_9 : i32 to vector<16xi32>
    %mul3A_11 = arith.muli %shift_right_logical3A_8, %mul3A_10 : vector<16xi32>
    %and3A = arith.constant 7 : i32
    %and3A_12 = vector.broadcast %and3A : i32 to vector<16xi32>
    %and3A_13 = arith.andi %add3A_3, %and3A_12 : vector<16xi32>
    %mul3A_14 = arith.constant 128 : i32
    %mul3A_15 = vector.broadcast %mul3A_14 : i32 to vector<16xi32>
    %mul3A_16 = arith.muli %and3A_13, %mul3A_15 : vector<16xi32>
    %add3A_17 = arith.addi %mul3A_11, %mul3A_16 : vector<16xi32>
    %shift_right_logical3A_18 = arith.constant 3 : i32
    %shift_right_logical3A_19 = vector.broadcast %shift_right_logical3A_18 : i32 to vector<16xi32>
    %shift_right_logical3A_20 = arith.shrui %add3A_6, %shift_right_logical3A_19 : vector<16xi32>
    %mul3A_21 = arith.constant 4096 : i32
    %mul3A_22 = vector.broadcast %mul3A_21 : i32 to vector<16xi32>
    %mul3A_23 = arith.muli %shift_right_logical3A_20, %mul3A_22 : vector<16xi32>
    %and3A_24 = arith.constant 7 : i32
    %and3A_25 = vector.broadcast %and3A_24 : i32 to vector<16xi32>
    %and3A_26 = arith.andi %add3A_6, %and3A_25 : vector<16xi32>
    %mul3A_27 = arith.constant 128 : i32
    %mul3A_28 = vector.broadcast %mul3A_27 : i32 to vector<16xi32>
    %mul3A_29 = arith.muli %and3A_26, %mul3A_28 : vector<16xi32>
    %add3A_30 = arith.addi %mul3A_23, %mul3A_29 : vector<16xi32>
    %mul3A_31 = arith.constant 50 : i32
    %mul3A_32 = arith.muli %add3A, %mul3A_31 : i32
    %div3A = arith.constant 32 : i32
    %div3A_33 = arith.divsi %mul3A_32, %div3A : i32
    %rem3A = arith.constant 32 : i32
    %rem3A_34 = arith.remsi %mul3A_32, %rem3A : i32
    %mul3A_35 = arith.constant 512 : i32
    %mul3A_36 = arith.muli %rem3A_34, %mul3A_35 : i32
    %dma_start3A = arith.constant 0 : i32
    %dma_start3A_37 = arith.constant 0 : i32
    %dma_start3A_38 = tpu.memref_slice %arg5[%dma_start3A, %dma_start3A_37] : memref<2x512xi32, #tpu.memory_space<vmem>> -> memref<1x512xi32, #tpu.memory_space<vmem>>
    %dma_start3A_39 = tpu.memref_squeeze %dma_start3A_38 : memref<1x512xi32, #tpu.memory_space<vmem>> -> memref<512xi32, #tpu.memory_space<vmem>>
    %dma_start3A_40 = tpu.memref_slice %arg3[%div3A_33, %mul3A_36] : memref<50x16384xi32, #tpu.memory_space<hbm>> -> memref<1x512xi32, #tpu.memory_space<hbm>>
    %dma_start3A_41 = tpu.memref_squeeze %dma_start3A_40 : memref<1x512xi32, #tpu.memory_space<hbm>> -> memref<512xi32, #tpu.memory_space<hbm>>
    %dma_start3A_42 = arith.constant 0 : i32
    %dma_start3A_43 = tpu.memref_slice %arg5[%dma_start3A, %dma_start3A_42] : memref<2x512xi32, #tpu.memory_space<vmem>> -> memref<1x512xi32, #tpu.memory_space<vmem>>
    %dma_start3A_44 = tpu.memref_squeeze %dma_start3A_43 : memref<1x512xi32, #tpu.memory_space<vmem>> -> memref<512xi32, #tpu.memory_space<vmem>>
    %dma_start3A_45 = tpu.memref_slice %arg3[%div3A_33, %mul3A_36] : memref<50x16384xi32, #tpu.memory_space<hbm>> -> memref<1x512xi32, #tpu.memory_space<hbm>>
    %dma_start3A_46 = tpu.memref_squeeze %dma_start3A_45 : memref<1x512xi32, #tpu.memory_space<hbm>> -> memref<512xi32, #tpu.memory_space<hbm>>
    tpu.enqueue_dma source(%dma_start3A_46 : memref<512xi32, #tpu.memory_space<hbm>>) target(%dma_start3A_44 : memref<512xi32, #tpu.memory_space<vmem>>) target_semaphore(%arg8 : memref<!tpu.dma_semaphore, #tpu.memory_space<semaphore_mem>>)
    %dma_wait3A = arith.constant 0 : i32
    %dma_wait3A_47 = arith.constant 0 : i32
    %dma_wait3A_48 = arith.constant 0 : i32
    %dma_wait3A_49 = tpu.memref_slice %arg5[%dma_wait3A_47, %dma_wait3A_48] : memref<2x512xi32, #tpu.memory_space<vmem>> -> memref<1x512xi32, #tpu.memory_space<vmem>>
    %dma_wait3A_50 = tpu.memref_squeeze %dma_wait3A_49 : memref<1x512xi32, #tpu.memory_space<vmem>> -> memref<512xi32, #tpu.memory_space<vmem>>
    %dma_wait3A_51 = arith.constant 0 : i32
    %dma_wait3A_52 = tpu.memref_slice %arg3[%dma_wait3A, %dma_wait3A_51] : memref<50x16384xi32, #tpu.memory_space<hbm>> -> memref<1x512xi32, #tpu.memory_space<hbm>>
    %dma_wait3A_53 = tpu.memref_squeeze %dma_wait3A_52 : memref<1x512xi32, #tpu.memory_space<hbm>> -> memref<512xi32, #tpu.memory_space<hbm>>
    %dma_wait3A_54 = arith.constant 0 : i32
    %dma_wait3A_55 = tpu.memref_slice %arg5[%dma_wait3A_47, %dma_wait3A_54] : memref<2x512xi32, #tpu.memory_space<vmem>> -> memref<1x512xi32, #tpu.memory_space<vmem>>
    %dma_wait3A_56 = tpu.memref_squeeze %dma_wait3A_55 : memref<1x512xi32, #tpu.memory_space<vmem>> -> memref<512xi32, #tpu.memory_space<vmem>>
    %dma_wait3A_57 = arith.constant 0 : i32
    %dma_wait3A_58 = tpu.memref_slice %arg3[%dma_wait3A, %dma_wait3A_57] : memref<50x16384xi32, #tpu.memory_space<hbm>> -> memref<1x512xi32, #tpu.memory_space<hbm>>
    %dma_wait3A_59 = tpu.memref_squeeze %dma_wait3A_58 : memref<1x512xi32, #tpu.memory_space<hbm>> -> memref<512xi32, #tpu.memory_space<hbm>>
    tpu.wait_dma2 semaphore(%arg8 : memref<!tpu.dma_semaphore, #tpu.memory_space<semaphore_mem>>) src(%dma_wait3A_59 : memref<512xi32, #tpu.memory_space<hbm>>) dst(%dma_wait3A_56 : memref<512xi32, #tpu.memory_space<vmem>>)
    %dma_start3A_60 = arith.constant 0 : i32
    %dma_start3A_61 = arith.constant 0 : i32
    %dma_start3A_62 = arith.constant 0 : i32
    %dma_start3A_63 = arith.constant 0 : i32
    %dma_start3A_64 = tpu.memref_slice %arg6[%dma_start3A_61, %dma_start3A_62, %dma_start3A_63] : memref<2x512x32xf32, #tpu.memory_space<vmem>> -> memref<1x128x32xf32, #tpu.memory_space<vmem>>
    %dma_start3A_65 = tpu.memref_squeeze %dma_start3A_64 : memref<1x128x32xf32, #tpu.memory_space<vmem>> -> memref<128x32xf32, #tpu.memory_space<vmem>>
    %dma_start3A_66 = arith.constant 0 : i32
    %dma_start3A_67 = tpu.memref_slice %arg5[%dma_start3A_60, %dma_start3A_66] : memref<2x512xi32, #tpu.memory_space<vmem>> -> memref<1x128xi32, #tpu.memory_space<vmem>>
    %dma_start3A_68 = tpu.memref_squeeze %dma_start3A_67 : memref<1x128xi32, #tpu.memory_space<vmem>> -> memref<128xi32, #tpu.memory_space<vmem>>
    %dma_start3A_69 = arith.constant 0 : i32
    %dma_start3A_70 = arith.constant 0 : i32
    %dma_start3A_71 = tpu.memref_slice %arg2[%dma_start3A_69, %dma_start3A_70] : memref<4000000x32xf32, #tpu.memory_space<hbm>> -> memref<4000000x32xf32, #tpu.memory_space<hbm>>
    tpu.enqueue_indirect_dma source(%dma_start3A_71 : memref<4000000x32xf32, #tpu.memory_space<hbm>>) target(%dma_start3A_65 : memref<128x32xf32, #tpu.memory_space<vmem>>) offsets(%dma_start3A_68 : memref<128xi32, #tpu.memory_space<vmem>>) semaphore(%arg10 : memref<!tpu.dma_semaphore, #tpu.memory_space<semaphore_mem>>)
    %dma_start3A_72 = arith.constant 0 : i32
    %dma_start3A_73 = arith.constant 0 : i32
    %dma_start3A_74 = arith.constant 128 : i32
    %dma_start3A_75 = arith.constant 0 : i32
    %dma_start3A_76 = tpu.memref_slice %arg6[%dma_start3A_73, %dma_start3A_74, %dma_start3A_75] : memref<2x512x32xf32, #tpu.memory_space<vmem>> -> memref<1x128x32xf32, #tpu.memory_space<vmem>>
    %dma_start3A_77 = tpu.memref_squeeze %dma_start3A_76 : memref<1x128x32xf32, #tpu.memory_space<vmem>> -> memref<128x32xf32, #tpu.memory_space<vmem>>
    %dma_start3A_78 = arith.constant 128 : i32
    %dma_start3A_79 = tpu.memref_slice %arg5[%dma_start3A_72, %dma_start3A_78] : memref<2x512xi32, #tpu.memory_space<vmem>> -> memref<1x128xi32, #tpu.memory_space<vmem>>
    %dma_start3A_80 = tpu.memref_squeeze %dma_start3A_79 : memref<1x128xi32, #tpu.memory_space<vmem>> -> memref<128xi32, #tpu.memory_space<vmem>>
    %dma_start3A_81 = arith.constant 0 : i32
    %dma_start3A_82 = arith.constant 0 : i32
    %dma_start3A_83 = tpu.memref_slice %arg2[%dma_start3A_81, %dma_start3A_82] : memref<4000000x32xf32, #tpu.memory_space<hbm>> -> memref<4000000x32xf32, #tpu.memory_space<hbm>>
    tpu.enqueue_indirect_dma source(%dma_start3A_83 : memref<4000000x32xf32, #tpu.memory_space<hbm>>) target(%dma_start3A_77 : memref<128x32xf32, #tpu.memory_space<vmem>>) offsets(%dma_start3A_80 : memref<128xi32, #tpu.memory_space<vmem>>) semaphore(%arg10 : memref<!tpu.dma_semaphore, #tpu.memory_space<semaphore_mem>>)
    %dma_start3A_84 = arith.constant 0 : i32
    %dma_start3A_85 = arith.constant 0 : i32
    %dma_start3A_86 = arith.constant 256 : i32
    %dma_start3A_87 = arith.constant 0 : i32
    %dma_start3A_88 = tpu.memref_slice %arg6[%dma_start3A_85, %dma_start3A_86, %dma_start3A_87] : memref<2x512x32xf32, #tpu.memory_space<vmem>> -> memref<1x128x32xf32, #tpu.memory_space<vmem>>
    %dma_start3A_89 = tpu.memref_squeeze %dma_start3A_88 : memref<1x128x32xf32, #tpu.memory_space<vmem>> -> memref<128x32xf32, #tpu.memory_space<vmem>>
    %dma_start3A_90 = arith.constant 256 : i32
    %dma_start3A_91 = tpu.memref_slice %arg5[%dma_start3A_84, %dma_start3A_90] : memref<2x512xi32, #tpu.memory_space<vmem>> -> memref<1x128xi32, #tpu.memory_space<vmem>>
    %dma_start3A_92 = tpu.memref_squeeze %dma_start3A_91 : memref<1x128xi32, #tpu.memory_space<vmem>> -> memref<128xi32, #tpu.memory_space<vmem>>
    %dma_start3A_93 = arith.constant 0 : i32
    %dma_start3A_94 = arith.constant 0 : i32
    %dma_start3A_95 = tpu.memref_slice %arg2[%dma_start3A_93, %dma_start3A_94] : memref<4000000x32xf32, #tpu.memory_space<hbm>> -> memref<4000000x32xf32, #tpu.memory_space<hbm>>
    tpu.enqueue_indirect_dma source(%dma_start3A_95 : memref<4000000x32xf32, #tpu.memory_space<hbm>>) target(%dma_start3A_89 : memref<128x32xf32, #tpu.memory_space<vmem>>) offsets(%dma_start3A_92 : memref<128xi32, #tpu.memory_space<vmem>>) semaphore(%arg10 : memref<!tpu.dma_semaphore, #tpu.memory_space<semaphore_mem>>)
    %dma_start3A_96 = arith.constant 0 : i32
    %dma_start3A_97 = arith.constant 0 : i32
    %dma_start3A_98 = arith.constant 384 : i32
    %dma_start3A_99 = arith.constant 0 : i32
    %dma_start3A_100 = tpu.memref_slice %arg6[%dma_start3A_97, %dma_start3A_98, %dma_start3A_99] : memref<2x512x32xf32, #tpu.memory_space<vmem>> -> memref<1x128x32xf32, #tpu.memory_space<vmem>>
    %dma_start3A_101 = tpu.memref_squeeze %dma_start3A_100 : memref<1x128x32xf32, #tpu.memory_space<vmem>> -> memref<128x32xf32, #tpu.memory_space<vmem>>
    %dma_start3A_102 = arith.constant 384 : i32
    %dma_start3A_103 = tpu.memref_slice %arg5[%dma_start3A_96, %dma_start3A_102] : memref<2x512xi32, #tpu.memory_space<vmem>> -> memref<1x128xi32, #tpu.memory_space<vmem>>
    %dma_start3A_104 = tpu.memref_squeeze %dma_start3A_103 : memref<1x128xi32, #tpu.memory_space<vmem>> -> memref<128xi32, #tpu.memory_space<vmem>>
    %dma_start3A_105 = arith.constant 0 : i32
    %dma_start3A_106 = arith.constant 0 : i32
    %dma_start3A_107 = tpu.memref_slice %arg2[%dma_start3A_105, %dma_start3A_106] : memref<4000000x32xf32, #tpu.memory_space<hbm>> -> memref<4000000x32xf32, #tpu.memory_space<hbm>>
    tpu.enqueue_indirect_dma source(%dma_start3A_107 : memref<4000000x32xf32, #tpu.memory_space<hbm>>) target(%dma_start3A_101 : memref<128x32xf32, #tpu.memory_space<vmem>>) offsets(%dma_start3A_104 : memref<128xi32, #tpu.memory_space<vmem>>) semaphore(%arg10 : memref<!tpu.dma_semaphore, #tpu.memory_space<semaphore_mem>>)
    %add3A_108 = arith.constant 1 : i32
    %add3A_109 = arith.addi %mul3A_32, %add3A_108 : i32
    %div3A_110 = arith.constant 32 : i32
    %div3A_111 = arith.divsi %add3A_109, %div3A_110 : i32
    %rem3A_112 = arith.constant 32 : i32
    %rem3A_113 = arith.remsi %add3A_109, %rem3A_112 : i32
    %mul3A_114 = arith.constant 512 : i32
    %mul3A_115 = arith.muli %rem3A_113, %mul3A_114 : i32
    %dma_start3A_116 = arith.constant 1 : i32
    %dma_start3A_117 = arith.constant 0 : i32
    %dma_start3A_118 = tpu.memref_slice %arg5[%dma_start3A_116, %dma_start3A_117] : memref<2x512xi32, #tpu.memory_space<vmem>> -> memref<1x512xi32, #tpu.memory_space<vmem>>
    %dma_start3A_119 = tpu.memref_squeeze %dma_start3A_118 : memref<1x512xi32, #tpu.memory_space<vmem>> -> memref<512xi32, #tpu.memory_space<vmem>>
    %dma_start3A_120 = tpu.memref_slice %arg3[%div3A_111, %mul3A_115] : memref<50x16384xi32, #tpu.memory_space<hbm>> -> memref<1x512xi32, #tpu.memory_space<hbm>>
    %dma_start3A_121 = tpu.memref_squeeze %dma_start3A_120 : memref<1x512xi32, #tpu.memory_space<hbm>> -> memref<512xi32, #tpu.memory_space<hbm>>
    %dma_start3A_122 = arith.constant 0 : i32
    %dma_start3A_123 = tpu.memref_slice %arg5[%dma_start3A_116, %dma_start3A_122] : memref<2x512xi32, #tpu.memory_space<vmem>> -> memref<1x512xi32, #tpu.memory_space<vmem>>
    %dma_start3A_124 = tpu.memref_squeeze %dma_start3A_123 : memref<1x512xi32, #tpu.memory_space<vmem>> -> memref<512xi32, #tpu.memory_space<vmem>>
    %dma_start3A_125 = tpu.memref_slice %arg3[%div3A_111, %mul3A_115] : memref<50x16384xi32, #tpu.memory_space<hbm>> -> memref<1x512xi32, #tpu.memory_space<hbm>>
    %dma_start3A_126 = tpu.memref_squeeze %dma_start3A_125 : memref<1x512xi32, #tpu.memory_space<hbm>> -> memref<512xi32, #tpu.memory_space<hbm>>
    tpu.enqueue_dma source(%dma_start3A_126 : memref<512xi32, #tpu.memory_space<hbm>>) target(%dma_start3A_124 : memref<512xi32, #tpu.memory_space<vmem>>) target_semaphore(%arg9 : memref<!tpu.dma_semaphore, #tpu.memory_space<semaphore_mem>>)
    %scan3A = arith.constant 0 : i32
    %scan3A_127 = arith.constant 0 : i32
    %scan3A_128 = arith.constant 25 : i32
    %scan3A_129 = arith.addi %scan3A_127, %scan3A_128 : i32
    %scan3A_130 = arith.constant 1 : i32
    scf.for %scan3A_220 = %scan3A_127 to %scan3A_129 step %scan3A_130  : i32 {
      %mul3A_221 = arith.constant 2 : i32
      %mul3A_222 = arith.muli %mul3A_221, %scan3A_220 : i32
      %add3A_223 = arith.addi %mul3A_32, %mul3A_222 : i32
      %dma_wait3A_224 = arith.constant 0 : i32
      %dma_wait3A_225 = arith.constant 1 : i32
      %dma_wait3A_226 = arith.constant 0 : i32
      %dma_wait3A_227 = tpu.memref_slice %arg5[%dma_wait3A_225, %dma_wait3A_226] : memref<2x512xi32, #tpu.memory_space<vmem>> -> memref<1x512xi32, #tpu.memory_space<vmem>>
      %dma_wait3A_228 = tpu.memref_squeeze %dma_wait3A_227 : memref<1x512xi32, #tpu.memory_space<vmem>> -> memref<512xi32, #tpu.memory_space<vmem>>
      %dma_wait3A_229 = arith.constant 0 : i32
      %dma_wait3A_230 = tpu.memref_slice %arg3[%dma_wait3A_224, %dma_wait3A_229] : memref<50x16384xi32, #tpu.memory_space<hbm>> -> memref<1x512xi32, #tpu.memory_space<hbm>>
      %dma_wait3A_231 = tpu.memref_squeeze %dma_wait3A_230 : memref<1x512xi32, #tpu.memory_space<hbm>> -> memref<512xi32, #tpu.memory_space<hbm>>
      %dma_wait3A_232 = arith.constant 0 : i32
      %dma_wait3A_233 = tpu.memref_slice %arg5[%dma_wait3A_225, %dma_wait3A_232] : memref<2x512xi32, #tpu.memory_space<vmem>> -> memref<1x512xi32, #tpu.memory_space<vmem>>
      %dma_wait3A_234 = tpu.memref_squeeze %dma_wait3A_233 : memref<1x512xi32, #tpu.memory_space<vmem>> -> memref<512xi32, #tpu.memory_space<vmem>>
      %dma_wait3A_235 = arith.constant 0 : i32
      %dma_wait3A_236 = tpu.memref_slice %arg3[%dma_wait3A_224, %dma_wait3A_235] : memref<50x16384xi32, #tpu.memory_space<hbm>> -> memref<1x512xi32, #tpu.memory_space<hbm>>
      %dma_wait3A_237 = tpu.memref_squeeze %dma_wait3A_236 : memref<1x512xi32, #tpu.memory_space<hbm>> -> memref<512xi32, #tpu.memory_space<hbm>>
      tpu.wait_dma2 semaphore(%arg9 : memref<!tpu.dma_semaphore, #tpu.memory_space<semaphore_mem>>) src(%dma_wait3A_237 : memref<512xi32, #tpu.memory_space<hbm>>) dst(%dma_wait3A_234 : memref<512xi32, #tpu.memory_space<vmem>>)
      %dma_start3A_238 = arith.constant 1 : i32
      %dma_start3A_239 = arith.constant 1 : i32
      %dma_start3A_240 = arith.constant 0 : i32
      %dma_start3A_241 = arith.constant 0 : i32
      %dma_start3A_242 = tpu.memref_slice %arg6[%dma_start3A_239, %dma_start3A_240, %dma_start3A_241] : memref<2x512x32xf32, #tpu.memory_space<vmem>> -> memref<1x128x32xf32, #tpu.memory_space<vmem>>
      %dma_start3A_243 = tpu.memref_squeeze %dma_start3A_242 : memref<1x128x32xf32, #tpu.memory_space<vmem>> -> memref<128x32xf32, #tpu.memory_space<vmem>>
      %dma_start3A_244 = arith.constant 0 : i32
      %dma_start3A_245 = tpu.memref_slice %arg5[%dma_start3A_238, %dma_start3A_244] : memref<2x512xi32, #tpu.memory_space<vmem>> -> memref<1x128xi32, #tpu.memory_space<vmem>>
      %dma_start3A_246 = tpu.memref_squeeze %dma_start3A_245 : memref<1x128xi32, #tpu.memory_space<vmem>> -> memref<128xi32, #tpu.memory_space<vmem>>
      %dma_start3A_247 = arith.constant 0 : i32
      %dma_start3A_248 = arith.constant 0 : i32
      %dma_start3A_249 = tpu.memref_slice %arg2[%dma_start3A_247, %dma_start3A_248] : memref<4000000x32xf32, #tpu.memory_space<hbm>> -> memref<4000000x32xf32, #tpu.memory_space<hbm>>
      tpu.enqueue_indirect_dma source(%dma_start3A_249 : memref<4000000x32xf32, #tpu.memory_space<hbm>>) target(%dma_start3A_243 : memref<128x32xf32, #tpu.memory_space<vmem>>) offsets(%dma_start3A_246 : memref<128xi32, #tpu.memory_space<vmem>>) semaphore(%arg11 : memref<!tpu.dma_semaphore, #tpu.memory_space<semaphore_mem>>)
      %dma_start3A_250 = arith.constant 1 : i32
      %dma_start3A_251 = arith.constant 1 : i32
      %dma_start3A_252 = arith.constant 128 : i32
      %dma_start3A_253 = arith.constant 0 : i32
      %dma_start3A_254 = tpu.memref_slice %arg6[%dma_start3A_251, %dma_start3A_252, %dma_start3A_253] : memref<2x512x32xf32, #tpu.memory_space<vmem>> -> memref<1x128x32xf32, #tpu.memory_space<vmem>>
      %dma_start3A_255 = tpu.memref_squeeze %dma_start3A_254 : memref<1x128x32xf32, #tpu.memory_space<vmem>> -> memref<128x32xf32, #tpu.memory_space<vmem>>
      %dma_start3A_256 = arith.constant 128 : i32
      %dma_start3A_257 = tpu.memref_slice %arg5[%dma_start3A_250, %dma_start3A_256] : memref<2x512xi32, #tpu.memory_space<vmem>> -> memref<1x128xi32, #tpu.memory_space<vmem>>
      %dma_start3A_258 = tpu.memref_squeeze %dma_start3A_257 : memref<1x128xi32, #tpu.memory_space<vmem>> -> memref<128xi32, #tpu.memory_space<vmem>>
      %dma_start3A_259 = arith.constant 0 : i32
      %dma_start3A_260 = arith.constant 0 : i32
      %dma_start3A_261 = tpu.memref_slice %arg2[%dma_start3A_259, %dma_start3A_260] : memref<4000000x32xf32, #tpu.memory_space<hbm>> -> memref<4000000x32xf32, #tpu.memory_space<hbm>>
      tpu.enqueue_indirect_dma source(%dma_start3A_261 : memref<4000000x32xf32, #tpu.memory_space<hbm>>) target(%dma_start3A_255 : memref<128x32xf32, #tpu.memory_space<vmem>>) offsets(%dma_start3A_258 : memref<128xi32, #tpu.memory_space<vmem>>) semaphore(%arg11 : memref<!tpu.dma_semaphore, #tpu.memory_space<semaphore_mem>>)
      %dma_start3A_262 = arith.constant 1 : i32
      %dma_start3A_263 = arith.constant 1 : i32
      %dma_start3A_264 = arith.constant 256 : i32
      %dma_start3A_265 = arith.constant 0 : i32
      %dma_start3A_266 = tpu.memref_slice %arg6[%dma_start3A_263, %dma_start3A_264, %dma_start3A_265] : memref<2x512x32xf32, #tpu.memory_space<vmem>> -> memref<1x128x32xf32, #tpu.memory_space<vmem>>
      %dma_start3A_267 = tpu.memref_squeeze %dma_start3A_266 : memref<1x128x32xf32, #tpu.memory_space<vmem>> -> memref<128x32xf32, #tpu.memory_space<vmem>>
      %dma_start3A_268 = arith.constant 256 : i32
      %dma_start3A_269 = tpu.memref_slice %arg5[%dma_start3A_262, %dma_start3A_268] : memref<2x512xi32, #tpu.memory_space<vmem>> -> memref<1x128xi32, #tpu.memory_space<vmem>>
      %dma_start3A_270 = tpu.memref_squeeze %dma_start3A_269 : memref<1x128xi32, #tpu.memory_space<vmem>> -> memref<128xi32, #tpu.memory_space<vmem>>
      %dma_start3A_271 = arith.constant 0 : i32
      %dma_start3A_272 = arith.constant 0 : i32
      %dma_start3A_273 = tpu.memref_slice %arg2[%dma_start3A_271, %dma_start3A_272] : memref<4000000x32xf32, #tpu.memory_space<hbm>> -> memref<4000000x32xf32, #tpu.memory_space<hbm>>
      tpu.enqueue_indirect_dma source(%dma_start3A_273 : memref<4000000x32xf32, #tpu.memory_space<hbm>>) target(%dma_start3A_267 : memref<128x32xf32, #tpu.memory_space<vmem>>) offsets(%dma_start3A_270 : memref<128xi32, #tpu.memory_space<vmem>>) semaphore(%arg11 : memref<!tpu.dma_semaphore, #tpu.memory_space<semaphore_mem>>)
      %dma_start3A_274 = arith.constant 1 : i32
      %dma_start3A_275 = arith.constant 1 : i32
      %dma_start3A_276 = arith.constant 384 : i32
      %dma_start3A_277 = arith.constant 0 : i32
      %dma_start3A_278 = tpu.memref_slice %arg6[%dma_start3A_275, %dma_start3A_276, %dma_start3A_277] : memref<2x512x32xf32, #tpu.memory_space<vmem>> -> memref<1x128x32xf32, #tpu.memory_space<vmem>>
      %dma_start3A_279 = tpu.memref_squeeze %dma_start3A_278 : memref<1x128x32xf32, #tpu.memory_space<vmem>> -> memref<128x32xf32, #tpu.memory_space<vmem>>
      %dma_start3A_280 = arith.constant 384 : i32
      %dma_start3A_281 = tpu.memref_slice %arg5[%dma_start3A_274, %dma_start3A_280] : memref<2x512xi32, #tpu.memory_space<vmem>> -> memref<1x128xi32, #tpu.memory_space<vmem>>
      %dma_start3A_282 = tpu.memref_squeeze %dma_start3A_281 : memref<1x128xi32, #tpu.memory_space<vmem>> -> memref<128xi32, #tpu.memory_space<vmem>>
      %dma_start3A_283 = arith.constant 0 : i32
      %dma_start3A_284 = arith.constant 0 : i32
      %dma_start3A_285 = tpu.memref_slice %arg2[%dma_start3A_283, %dma_start3A_284] : memref<4000000x32xf32, #tpu.memory_space<hbm>> -> memref<4000000x32xf32, #tpu.memory_space<hbm>>
      tpu.enqueue_indirect_dma source(%dma_start3A_285 : memref<4000000x32xf32, #tpu.memory_space<hbm>>) target(%dma_start3A_279 : memref<128x32xf32, #tpu.memory_space<vmem>>) offsets(%dma_start3A_282 : memref<128xi32, #tpu.memory_space<vmem>>) semaphore(%arg11 : memref<!tpu.dma_semaphore, #tpu.memory_space<semaphore_mem>>)
      %dma_wait3A_286 = arith.constant 0 : i32
      %dma_wait3A_287 = arith.constant 0 : i32
      %dma_wait3A_288 = arith.constant 0 : i32
      %dma_wait3A_289 = tpu.memref_slice %arg6[%dma_wait3A_286, %dma_wait3A_287, %dma_wait3A_288] : memref<2x512x32xf32, #tpu.memory_space<vmem>> -> memref<1x512x32xf32, #tpu.memory_space<vmem>>
      %dma_wait3A_290 = tpu.memref_squeeze %dma_wait3A_289 : memref<1x512x32xf32, #tpu.memory_space<vmem>> -> memref<512x32xf32, #tpu.memory_space<vmem>>
      %dma_wait3A_291 = arith.constant 0 : i32
      %dma_wait3A_292 = arith.constant 0 : i32
      %dma_wait3A_293 = tpu.memref_slice %arg2[%dma_wait3A_291, %dma_wait3A_292] : memref<4000000x32xf32, #tpu.memory_space<hbm>> -> memref<512x32xf32, #tpu.memory_space<hbm>>
      %dma_wait3A_294 = arith.constant 0 : i32
      %dma_wait3A_295 = arith.constant 0 : i32
      %dma_wait3A_296 = tpu.memref_slice %arg6[%dma_wait3A_286, %dma_wait3A_294, %dma_wait3A_295] : memref<2x512x32xf32, #tpu.memory_space<vmem>> -> memref<1x512x32xf32, #tpu.memory_space<vmem>>
      %dma_wait3A_297 = tpu.memref_squeeze %dma_wait3A_296 : memref<1x512x32xf32, #tpu.memory_space<vmem>> -> memref<512x32xf32, #tpu.memory_space<vmem>>
      %dma_wait3A_298 = arith.constant 0 : i32
      %dma_wait3A_299 = arith.constant 0 : i32
      %dma_wait3A_300 = tpu.memref_slice %arg2[%dma_wait3A_298, %dma_wait3A_299] : memref<4000000x32xf32, #tpu.memory_space<hbm>> -> memref<512x32xf32, #tpu.memory_space<hbm>>
      tpu.wait_dma2 semaphore(%arg10 : memref<!tpu.dma_semaphore, #tpu.memory_space<semaphore_mem>>) src(%dma_wait3A_300 : memref<512x32xf32, #tpu.memory_space<hbm>>) dst(%dma_wait3A_297 : memref<512x32xf32, #tpu.memory_space<vmem>>)
      %gt3A = arith.constant 0 : i32
      %gt3A_301 = arith.cmpi sgt, %scan3A_220, %gt3A : i32
      %convert_element_type3A = arith.extui %gt3A_301 : i1 to i32
      %cond3A = arith.constant 0 : i32
      %cond3A_302 = arith.cmpi ne, %convert_element_type3A, %cond3A : i32
      scf.if %cond3A_302 {
        %dma_wait3A_625 = arith.constant 0 : i32
        %dma_wait3A_626 = arith.constant 0 : i32
        %dma_wait3A_627 = tpu.memref_slice %arg7[%dma_wait3A_625, %dma_wait3A_626] : memref<2x16384xf32, #tpu.memory_space<vmem>> -> memref<1x4096xf32, #tpu.memory_space<vmem>>
        %dma_wait3A_628 = tpu.memref_squeeze %dma_wait3A_627 : memref<1x4096xf32, #tpu.memory_space<vmem>> -> memref<4096xf32, #tpu.memory_space<vmem>>
        %dma_wait3A_629 = arith.constant 0 : i32
        %dma_wait3A_630 = tpu.memref_slice %arg4[%dma_wait3A_629] : memref<26214400xf32, #tpu.memory_space<hbm>> -> memref<4096xf32, #tpu.memory_space<hbm>>
        %dma_wait3A_631 = arith.constant 0 : i32
        %dma_wait3A_632 = tpu.memref_slice %arg4[%dma_wait3A_631] : memref<26214400xf32, #tpu.memory_space<hbm>> -> memref<4096xf32, #tpu.memory_space<hbm>>
        %dma_wait3A_633 = arith.constant 0 : i32
        %dma_wait3A_634 = tpu.memref_slice %arg7[%dma_wait3A_625, %dma_wait3A_633] : memref<2x16384xf32, #tpu.memory_space<vmem>> -> memref<1x4096xf32, #tpu.memory_space<vmem>>
        %dma_wait3A_635 = tpu.memref_squeeze %dma_wait3A_634 : memref<1x4096xf32, #tpu.memory_space<vmem>> -> memref<4096xf32, #tpu.memory_space<vmem>>
        tpu.wait_dma2 semaphore(%arg12 : memref<!tpu.dma_semaphore, #tpu.memory_space<semaphore_mem>>) src(%dma_wait3A_635 : memref<4096xf32, #tpu.memory_space<vmem>>) dst(%dma_wait3A_632 : memref<4096xf32, #tpu.memory_space<hbm>>)
        %dma_wait3A_636 = arith.constant 0 : i32
        %dma_wait3A_637 = arith.constant 0 : i32
        %dma_wait3A_638 = tpu.memref_slice %arg7[%dma_wait3A_636, %dma_wait3A_637] : memref<2x16384xf32, #tpu.memory_space<vmem>> -> memref<1x4096xf32, #tpu.memory_space<vmem>>
        %dma_wait3A_639 = tpu.memref_squeeze %dma_wait3A_638 : memref<1x4096xf32, #tpu.memory_space<vmem>> -> memref<4096xf32, #tpu.memory_space<vmem>>
        %dma_wait3A_640 = arith.constant 0 : i32
        %dma_wait3A_641 = tpu.memref_slice %arg4[%dma_wait3A_640] : memref<26214400xf32, #tpu.memory_space<hbm>> -> memref<4096xf32, #tpu.memory_space<hbm>>
        %dma_wait3A_642 = arith.constant 0 : i32
        %dma_wait3A_643 = tpu.memref_slice %arg4[%dma_wait3A_642] : memref<26214400xf32, #tpu.memory_space<hbm>> -> memref<4096xf32, #tpu.memory_space<hbm>>
        %dma_wait3A_644 = arith.constant 0 : i32
        %dma_wait3A_645 = tpu.memref_slice %arg7[%dma_wait3A_636, %dma_wait3A_644] : memref<2x16384xf32, #tpu.memory_space<vmem>> -> memref<1x4096xf32, #tpu.memory_space<vmem>>
        %dma_wait3A_646 = tpu.memref_squeeze %dma_wait3A_645 : memref<1x4096xf32, #tpu.memory_space<vmem>> -> memref<4096xf32, #tpu.memory_space<vmem>>
        tpu.wait_dma2 semaphore(%arg12 : memref<!tpu.dma_semaphore, #tpu.memory_space<semaphore_mem>>) src(%dma_wait3A_646 : memref<4096xf32, #tpu.memory_space<vmem>>) dst(%dma_wait3A_643 : memref<4096xf32, #tpu.memory_space<hbm>>)
        %dma_wait3A_647 = arith.constant 0 : i32
        %dma_wait3A_648 = arith.constant 0 : i32
        %dma_wait3A_649 = tpu.memref_slice %arg7[%dma_wait3A_647, %dma_wait3A_648] : memref<2x16384xf32, #tpu.memory_space<vmem>> -> memref<1x4096xf32, #tpu.memory_space<vmem>>
        %dma_wait3A_650 = tpu.memref_squeeze %dma_wait3A_649 : memref<1x4096xf32, #tpu.memory_space<vmem>> -> memref<4096xf32, #tpu.memory_space<vmem>>
        %dma_wait3A_651 = arith.constant 0 : i32
        %dma_wait3A_652 = tpu.memref_slice %arg4[%dma_wait3A_651] : memref<26214400xf32, #tpu.memory_space<hbm>> -> memref<4096xf32, #tpu.memory_space<hbm>>
        %dma_wait3A_653 = arith.constant 0 : i32
        %dma_wait3A_654 = tpu.memref_slice %arg4[%dma_wait3A_653] : memref<26214400xf32, #tpu.memory_space<hbm>> -> memref<4096xf32, #tpu.memory_space<hbm>>
        %dma_wait3A_655 = arith.constant 0 : i32
        %dma_wait3A_656 = tpu.memref_slice %arg7[%dma_wait3A_647, %dma_wait3A_655] : memref<2x16384xf32, #tpu.memory_space<vmem>> -> memref<1x4096xf32, #tpu.memory_space<vmem>>
        %dma_wait3A_657 = tpu.memref_squeeze %dma_wait3A_656 : memref<1x4096xf32, #tpu.memory_space<vmem>> -> memref<4096xf32, #tpu.memory_space<vmem>>
        tpu.wait_dma2 semaphore(%arg12 : memref<!tpu.dma_semaphore, #tpu.memory_space<semaphore_mem>>) src(%dma_wait3A_657 : memref<4096xf32, #tpu.memory_space<vmem>>) dst(%dma_wait3A_654 : memref<4096xf32, #tpu.memory_space<hbm>>)
        %dma_wait3A_658 = arith.constant 0 : i32
        %dma_wait3A_659 = arith.constant 0 : i32
        %dma_wait3A_660 = tpu.memref_slice %arg7[%dma_wait3A_658, %dma_wait3A_659] : memref<2x16384xf32, #tpu.memory_space<vmem>> -> memref<1x4096xf32, #tpu.memory_space<vmem>>
        %dma_wait3A_661 = tpu.memref_squeeze %dma_wait3A_660 : memref<1x4096xf32, #tpu.memory_space<vmem>> -> memref<4096xf32, #tpu.memory_space<vmem>>
        %dma_wait3A_662 = arith.constant 0 : i32
        %dma_wait3A_663 = tpu.memref_slice %arg4[%dma_wait3A_662] : memref<26214400xf32, #tpu.memory_space<hbm>> -> memref<4096xf32, #tpu.memory_space<hbm>>
        %dma_wait3A_664 = arith.constant 0 : i32
        %dma_wait3A_665 = tpu.memref_slice %arg4[%dma_wait3A_664] : memref<26214400xf32, #tpu.memory_space<hbm>> -> memref<4096xf32, #tpu.memory_space<hbm>>
        %dma_wait3A_666 = arith.constant 0 : i32
        %dma_wait3A_667 = tpu.memref_slice %arg7[%dma_wait3A_658, %dma_wait3A_666] : memref<2x16384xf32, #tpu.memory_space<vmem>> -> memref<1x4096xf32, #tpu.memory_space<vmem>>
        %dma_wait3A_668 = tpu.memref_squeeze %dma_wait3A_667 : memref<1x4096xf32, #tpu.memory_space<vmem>> -> memref<4096xf32, #tpu.memory_space<vmem>>
        tpu.wait_dma2 semaphore(%arg12 : memref<!tpu.dma_semaphore, #tpu.memory_space<semaphore_mem>>) src(%dma_wait3A_668 : memref<4096xf32, #tpu.memory_space<vmem>>) dst(%dma_wait3A_665 : memref<4096xf32, #tpu.memory_space<hbm>>)
      } else {
      }
      %add3A_303 = arith.constant 0 : i32
      %add3A_304 = vector.broadcast %add3A_303 : i32 to vector<16xi32>
      %add3A_305 = arith.addi %add3A_17, %add3A_304 : vector<16xi32>
      %add3A_306 = arith.constant 0 : i32
      %add3A_307 = vector.broadcast %add3A_306 : i32 to vector<16xi32>
      %add3A_308 = arith.addi %add3A_30, %add3A_307 : vector<16xi32>
      %scan3A_309 = arith.constant 0 : i32
      %scan3A_310 = arith.constant 32 : i32
      %scan3A_311 = arith.addi %scan3A_309, %scan3A_310 : i32
      %scan3A_312 = arith.constant 1 : i32
      %scan3A_313:2 = scf.for %scan3A_625 = %scan3A_309 to %scan3A_311 step %scan3A_312 iter_args(%scan3A_626 = %add3A_305, %scan3A_627 = %add3A_308) -> (vector<16xi32>, vector<16xi32>)  : i32 {
        %mul3A_628 = arith.constant 4 : i32
        %mul3A_629 = arith.muli %mul3A_628, %scan3A_625 : i32
        %add3A_630 = arith.constant 0 : i32
        %add3A_631 = arith.addi %add3A_630, %mul3A_629 : i32
        %add3A_632 = arith.constant 0 : i32
        %add3A_633 = arith.addi %add3A_631, %add3A_632 : i32
        %get3A = arith.constant 0 : i32
        %get3A_634 = arith.index_cast %get3A : i32 to index
        %get3A_635 = arith.index_cast %add3A_633 : i32 to index
        %get3A_636 = arith.constant 0 : index
        %get3A_637 = tpu.vector_load %arg6[%get3A_634, %get3A_635, %get3A_636] {strides = array<i32>} : memref<2x512x32xf32, #tpu.memory_space<vmem>>, vector<16xf32>,
        %scatter3A = arith.constant 0 : i32
        %scatter3A_638 = arith.constant 0 : i32
        %scatter3A_639 = tpu.memref_slice %arg7[%scatter3A, %scatter3A_638] : memref<2x16384xf32, #tpu.memory_space<vmem>> -> memref<1x16384xf32, #tpu.memory_space<vmem>>
        %scatter3A_640 = tpu.memref_squeeze %scatter3A_639 : memref<1x16384xf32, #tpu.memory_space<vmem>> -> memref<16384xf32, #tpu.memory_space<vmem>>
        tpu.vector_store_idx %scatter3A_640[%scan3A_626], %get3A_637 : memref<16384xf32, #tpu.memory_space<vmem>>[vector<16xi32>], vector<16xf32>,
        %add3A_641 = arith.constant 1 : i32
        %add3A_642 = vector.broadcast %add3A_641 : i32 to vector<16xi32>
        %add3A_643 = arith.addi %scan3A_626, %add3A_642 : vector<16xi32>
        %get3A_644 = arith.constant 0 : i32
        %get3A_645 = arith.index_cast %get3A_644 : i32 to index
        %get3A_646 = arith.index_cast %add3A_633 : i32 to index
        %get3A_647 = arith.constant 16 : index
        %get3A_648 = tpu.vector_load %arg6[%get3A_645, %get3A_646, %get3A_647] {strides = array<i32>} : memref<2x512x32xf32, #tpu.memory_space<vmem>>, vector<16xf32>,
        %scatter3A_649 = arith.constant 0 : i32
        %scatter3A_650 = arith.constant 0 : i32
        %scatter3A_651 = tpu.memref_slice %arg7[%scatter3A_649, %scatter3A_650] : memref<2x16384xf32, #tpu.memory_space<vmem>> -> memref<1x16384xf32, #tpu.memory_space<vmem>>
        %scatter3A_652 = tpu.memref_squeeze %scatter3A_651 : memref<1x16384xf32, #tpu.memory_space<vmem>> -> memref<16384xf32, #tpu.memory_space<vmem>>
        tpu.vector_store_idx %scatter3A_652[%scan3A_627], %get3A_648 : memref<16384xf32, #tpu.memory_space<vmem>>[vector<16xi32>], vector<16xf32>,
        %add3A_653 = arith.constant 1 : i32
        %add3A_654 = vector.broadcast %add3A_653 : i32 to vector<16xi32>
        %add3A_655 = arith.addi %scan3A_627, %add3A_654 : vector<16xi32>
        %mul3A_656 = arith.constant 4 : i32
        %mul3A_657 = arith.muli %mul3A_656, %scan3A_625 : i32
        %add3A_658 = arith.constant 0 : i32
        %add3A_659 = arith.addi %add3A_658, %mul3A_657 : i32
        %add3A_660 = arith.constant 1 : i32
        %add3A_661 = arith.addi %add3A_659, %add3A_660 : i32
        %get3A_662 = arith.constant 0 : i32
        %get3A_663 = arith.index_cast %get3A_662 : i32 to index
        %get3A_664 = arith.index_cast %add3A_661 : i32 to index
        %get3A_665 = arith.constant 0 : index
        %get3A_666 = tpu.vector_load %arg6[%get3A_663, %get3A_664, %get3A_665] {strides = array<i32>} : memref<2x512x32xf32, #tpu.memory_space<vmem>>, vector<16xf32>,
        %scatter3A_667 = arith.constant 0 : i32
        %scatter3A_668 = arith.constant 0 : i32
        %scatter3A_669 = tpu.memref_slice %arg7[%scatter3A_667, %scatter3A_668] : memref<2x16384xf32, #tpu.memory_space<vmem>> -> memref<1x16384xf32, #tpu.memory_space<vmem>>
        %scatter3A_670 = tpu.memref_squeeze %scatter3A_669 : memref<1x16384xf32, #tpu.memory_space<vmem>> -> memref<16384xf32, #tpu.memory_space<vmem>>
        tpu.vector_store_idx %scatter3A_670[%add3A_643], %get3A_666 : memref<16384xf32, #tpu.memory_space<vmem>>[vector<16xi32>], vector<16xf32>,
        %add3A_671 = arith.constant 1 : i32
        %add3A_672 = vector.broadcast %add3A_671 : i32 to vector<16xi32>
        %add3A_673 = arith.addi %add3A_643, %add3A_672 : vector<16xi32>
        %get3A_674 = arith.constant 0 : i32
        %get3A_675 = arith.index_cast %get3A_674 : i32 to index
        %get3A_676 = arith.index_cast %add3A_661 : i32 to index
        %get3A_677 = arith.constant 16 : index
        %get3A_678 = tpu.vector_load %arg6[%get3A_675, %get3A_676, %get3A_677] {strides = array<i32>} : memref<2x512x32xf32, #tpu.memory_space<vmem>>, vector<16xf32>,
        %scatter3A_679 = arith.constant 0 : i32
        %scatter3A_680 = arith.constant 0 : i32
        %scatter3A_681 = tpu.memref_slice %arg7[%scatter3A_679, %scatter3A_680] : memref<2x16384xf32, #tpu.memory_space<vmem>> -> memref<1x16384xf32, #tpu.memory_space<vmem>>
        %scatter3A_682 = tpu.memref_squeeze %scatter3A_681 : memref<1x16384xf32, #tpu.memory_space<vmem>> -> memref<16384xf32, #tpu.memory_space<vmem>>
        tpu.vector_store_idx %scatter3A_682[%add3A_655], %get3A_678 : memref<16384xf32, #tpu.memory_space<vmem>>[vector<16xi32>], vector<16xf32>,
        %add3A_683 = arith.constant 1 : i32
        %add3A_684 = vector.broadcast %add3A_683 : i32 to vector<16xi32>
        %add3A_685 = arith.addi %add3A_655, %add3A_684 : vector<16xi32>
        %mul3A_686 = arith.constant 4 : i32
        %mul3A_687 = arith.muli %mul3A_686, %scan3A_625 : i32
        %add3A_688 = arith.constant 0 : i32
        %add3A_689 = arith.addi %add3A_688, %mul3A_687 : i32
        %add3A_690 = arith.constant 2 : i32
        %add3A_691 = arith.addi %add3A_689, %add3A_690 : i32
        %get3A_692 = arith.constant 0 : i32
        %get3A_693 = arith.index_cast %get3A_692 : i32 to index
        %get3A_694 = arith.index_cast %add3A_691 : i32 to index
        %get3A_695 = arith.constant 0 : index
        %get3A_696 = tpu.vector_load %arg6[%get3A_693, %get3A_694, %get3A_695] {strides = array<i32>} : memref<2x512x32xf32, #tpu.memory_space<vmem>>, vector<16xf32>,
        %scatter3A_697 = arith.constant 0 : i32
        %scatter3A_698 = arith.constant 0 : i32
        %scatter3A_699 = tpu.memref_slice %arg7[%scatter3A_697, %scatter3A_698] : memref<2x16384xf32, #tpu.memory_space<vmem>> -> memref<1x16384xf32, #tpu.memory_space<vmem>>
        %scatter3A_700 = tpu.memref_squeeze %scatter3A_699 : memref<1x16384xf32, #tpu.memory_space<vmem>> -> memref<16384xf32, #tpu.memory_space<vmem>>
        tpu.vector_store_idx %scatter3A_700[%add3A_673], %get3A_696 : memref<16384xf32, #tpu.memory_space<vmem>>[vector<16xi32>], vector<16xf32>,
        %add3A_701 = arith.constant 1 : i32
        %add3A_702 = vector.broadcast %add3A_701 : i32 to vector<16xi32>
        %add3A_703 = arith.addi %add3A_673, %add3A_702 : vector<16xi32>
        %get3A_704 = arith.constant 0 : i32
        %get3A_705 = arith.index_cast %get3A_704 : i32 to index
        %get3A_706 = arith.index_cast %add3A_691 : i32 to index
        %get3A_707 = arith.constant 16 : index
        %get3A_708 = tpu.vector_load %arg6[%get3A_705, %get3A_706, %get3A_707] {strides = array<i32>} : memref<2x512x32xf32, #tpu.memory_space<vmem>>, vector<16xf32>,
        %scatter3A_709 = arith.constant 0 : i32
        %scatter3A_710 = arith.constant 0 : i32
        %scatter3A_711 = tpu.memref_slice %arg7[%scatter3A_709, %scatter3A_710] : memref<2x16384xf32, #tpu.memory_space<vmem>> -> memref<1x16384xf32, #tpu.memory_space<vmem>>
        %scatter3A_712 = tpu.memref_squeeze %scatter3A_711 : memref<1x16384xf32, #tpu.memory_space<vmem>> -> memref<16384xf32, #tpu.memory_space<vmem>>
        tpu.vector_store_idx %scatter3A_712[%add3A_685], %get3A_708 : memref<16384xf32, #tpu.memory_space<vmem>>[vector<16xi32>], vector<16xf32>,
        %add3A_713 = arith.constant 1 : i32
        %add3A_714 = vector.broadcast %add3A_713 : i32 to vector<16xi32>
        %add3A_715 = arith.addi %add3A_685, %add3A_714 : vector<16xi32>
        %mul3A_716 = arith.constant 4 : i32
        %mul3A_717 = arith.muli %mul3A_716, %scan3A_625 : i32
        %add3A_718 = arith.constant 0 : i32
        %add3A_719 = arith.addi %add3A_718, %mul3A_717 : i32
        %add3A_720 = arith.constant 3 : i32
        %add3A_721 = arith.addi %add3A_719, %add3A_720 : i32
        %get3A_722 = arith.constant 0 : i32
        %get3A_723 = arith.index_cast %get3A_722 : i32 to index
        %get3A_724 = arith.index_cast %add3A_721 : i32 to index
        %get3A_725 = arith.constant 0 : index
        %get3A_726 = tpu.vector_load %arg6[%get3A_723, %get3A_724, %get3A_725] {strides = array<i32>} : memref<2x512x32xf32, #tpu.memory_space<vmem>>, vector<16xf32>,
        %scatter3A_727 = arith.constant 0 : i32
        %scatter3A_728 = arith.constant 0 : i32
        %scatter3A_729 = tpu.memref_slice %arg7[%scatter3A_727, %scatter3A_728] : memref<2x16384xf32, #tpu.memory_space<vmem>> -> memref<1x16384xf32, #tpu.memory_space<vmem>>
        %scatter3A_730 = tpu.memref_squeeze %scatter3A_729 : memref<1x16384xf32, #tpu.memory_space<vmem>> -> memref<16384xf32, #tpu.memory_space<vmem>>
        tpu.vector_store_idx %scatter3A_730[%add3A_703], %get3A_726 : memref<16384xf32, #tpu.memory_space<vmem>>[vector<16xi32>], vector<16xf32>,
        %add3A_731 = arith.constant 1 : i32
        %add3A_732 = vector.broadcast %add3A_731 : i32 to vector<16xi32>
        %add3A_733 = arith.addi %add3A_703, %add3A_732 : vector<16xi32>
        %get3A_734 = arith.constant 0 : i32
        %get3A_735 = arith.index_cast %get3A_734 : i32 to index
        %get3A_736 = arith.index_cast %add3A_721 : i32 to index
        %get3A_737 = arith.constant 16 : index
        %get3A_738 = tpu.vector_load %arg6[%get3A_735, %get3A_736, %get3A_737] {strides = array<i32>} : memref<2x512x32xf32, #tpu.memory_space<vmem>>, vector<16xf32>,
        %scatter3A_739 = arith.constant 0 : i32
        %scatter3A_740 = arith.constant 0 : i32
        %scatter3A_741 = tpu.memref_slice %arg7[%scatter3A_739, %scatter3A_740] : memref<2x16384xf32, #tpu.memory_space<vmem>> -> memref<1x16384xf32, #tpu.memory_space<vmem>>
        %scatter3A_742 = tpu.memref_squeeze %scatter3A_741 : memref<1x16384xf32, #tpu.memory_space<vmem>> -> memref<16384xf32, #tpu.memory_space<vmem>>
        tpu.vector_store_idx %scatter3A_742[%add3A_715], %get3A_738 : memref<16384xf32, #tpu.memory_space<vmem>>[vector<16xi32>], vector<16xf32>,
        %add3A_743 = arith.constant 1 : i32
        %add3A_744 = vector.broadcast %add3A_743 : i32 to vector<16xi32>
        %add3A_745 = arith.addi %add3A_715, %add3A_744 : vector<16xi32>
        scf.yield %add3A_733, %add3A_745 : vector<16xi32>, vector<16xi32>
      }
      %scan3A_314 = arith.constant 32 : i32
      %add3A_315 = arith.constant 1024 : i32
      %add3A_316 = vector.broadcast %add3A_315 : i32 to vector<16xi32>
      %add3A_317 = arith.addi %add3A_17, %add3A_316 : vector<16xi32>
      %add3A_318 = arith.constant 1024 : i32
      %add3A_319 = vector.broadcast %add3A_318 : i32 to vector<16xi32>
      %add3A_320 = arith.addi %add3A_30, %add3A_319 : vector<16xi32>
      %scan3A_321 = arith.constant 0 : i32
      %scan3A_322 = arith.constant 32 : i32
      %scan3A_323 = arith.addi %scan3A_321, %scan3A_322 : i32
      %scan3A_324 = arith.constant 1 : i32
      %scan3A_325:2 = scf.for %scan3A_625 = %scan3A_321 to %scan3A_323 step %scan3A_324 iter_args(%scan3A_626 = %add3A_317, %scan3A_627 = %add3A_320) -> (vector<16xi32>, vector<16xi32>)  : i32 {
        %mul3A_628 = arith.constant 4 : i32
        %mul3A_629 = arith.muli %mul3A_628, %scan3A_625 : i32
        %add3A_630 = arith.constant 128 : i32
        %add3A_631 = arith.addi %add3A_630, %mul3A_629 : i32
        %add3A_632 = arith.constant 0 : i32
        %add3A_633 = arith.addi %add3A_631, %add3A_632 : i32
        %get3A = arith.constant 0 : i32
        %get3A_634 = arith.index_cast %get3A : i32 to index
        %get3A_635 = arith.index_cast %add3A_633 : i32 to index
        %get3A_636 = arith.constant 0 : index
        %get3A_637 = tpu.vector_load %arg6[%get3A_634, %get3A_635, %get3A_636] {strides = array<i32>} : memref<2x512x32xf32, #tpu.memory_space<vmem>>, vector<16xf32>,
        %scatter3A = arith.constant 0 : i32
        %scatter3A_638 = arith.constant 0 : i32
        %scatter3A_639 = tpu.memref_slice %arg7[%scatter3A, %scatter3A_638] : memref<2x16384xf32, #tpu.memory_space<vmem>> -> memref<1x16384xf32, #tpu.memory_space<vmem>>
        %scatter3A_640 = tpu.memref_squeeze %scatter3A_639 : memref<1x16384xf32, #tpu.memory_space<vmem>> -> memref<16384xf32, #tpu.memory_space<vmem>>
        tpu.vector_store_idx %scatter3A_640[%scan3A_626], %get3A_637 : memref<16384xf32, #tpu.memory_space<vmem>>[vector<16xi32>], vector<16xf32>,
        %add3A_641 = arith.constant 1 : i32
        %add3A_642 = vector.broadcast %add3A_641 : i32 to vector<16xi32>
        %add3A_643 = arith.addi %scan3A_626, %add3A_642 : vector<16xi32>
        %get3A_644 = arith.constant 0 : i32
        %get3A_645 = arith.index_cast %get3A_644 : i32 to index
        %get3A_646 = arith.index_cast %add3A_633 : i32 to index
        %get3A_647 = arith.constant 16 : index
        %get3A_648 = tpu.vector_load %arg6[%get3A_645, %get3A_646, %get3A_647] {strides = array<i32>} : memref<2x512x32xf32, #tpu.memory_space<vmem>>, vector<16xf32>,
        %scatter3A_649 = arith.constant 0 : i32
        %scatter3A_650 = arith.constant 0 : i32
        %scatter3A_651 = tpu.memref_slice %arg7[%scatter3A_649, %scatter3A_650] : memref<2x16384xf32, #tpu.memory_space<vmem>> -> memref<1x16384xf32, #tpu.memory_space<vmem>>
        %scatter3A_652 = tpu.memref_squeeze %scatter3A_651 : memref<1x16384xf32, #tpu.memory_space<vmem>> -> memref<16384xf32, #tpu.memory_space<vmem>>
        tpu.vector_store_idx %scatter3A_652[%scan3A_627], %get3A_648 : memref<16384xf32, #tpu.memory_space<vmem>>[vector<16xi32>], vector<16xf32>,
        %add3A_653 = arith.constant 1 : i32
        %add3A_654 = vector.broadcast %add3A_653 : i32 to vector<16xi32>
        %add3A_655 = arith.addi %scan3A_627, %add3A_654 : vector<16xi32>
        %mul3A_656 = arith.constant 4 : i32
        %mul3A_657 = arith.muli %mul3A_656, %scan3A_625 : i32
        %add3A_658 = arith.constant 128 : i32
        %add3A_659 = arith.addi %add3A_658, %mul3A_657 : i32
        %add3A_660 = arith.constant 1 : i32
        %add3A_661 = arith.addi %add3A_659, %add3A_660 : i32
        %get3A_662 = arith.constant 0 : i32
        %get3A_663 = arith.index_cast %get3A_662 : i32 to index
        %get3A_664 = arith.index_cast %add3A_661 : i32 to index
        %get3A_665 = arith.constant 0 : index
        %get3A_666 = tpu.vector_load %arg6[%get3A_663, %get3A_664, %get3A_665] {strides = array<i32>} : memref<2x512x32xf32, #tpu.memory_space<vmem>>, vector<16xf32>,
        %scatter3A_667 = arith.constant 0 : i32
        %scatter3A_668 = arith.constant 0 : i32
        %scatter3A_669 = tpu.memref_slice %arg7[%scatter3A_667, %scatter3A_668] : memref<2x16384xf32, #tpu.memory_space<vmem>> -> memref<1x16384xf32, #tpu.memory_space<vmem>>
        %scatter3A_670 = tpu.memref_squeeze %scatter3A_669 : memref<1x16384xf32, #tpu.memory_space<vmem>> -> memref<16384xf32, #tpu.memory_space<vmem>>
        tpu.vector_store_idx %scatter3A_670[%add3A_643], %get3A_666 : memref<16384xf32, #tpu.memory_space<vmem>>[vector<16xi32>], vector<16xf32>,
        %add3A_671 = arith.constant 1 : i32
        %add3A_672 = vector.broadcast %add3A_671 : i32 to vector<16xi32>
        %add3A_673 = arith.addi %add3A_643, %add3A_672 : vector<16xi32>
        %get3A_674 = arith.constant 0 : i32
        %get3A_675 = arith.index_cast %get3A_674 : i32 to index
        %get3A_676 = arith.index_cast %add3A_661 : i32 to index
        %get3A_677 = arith.constant 16 : index
        %get3A_678 = tpu.vector_load %arg6[%get3A_675, %get3A_676, %get3A_677] {strides = array<i32>} : memref<2x512x32xf32, #tpu.memory_space<vmem>>, vector<16xf32>,
        %scatter3A_679 = arith.constant 0 : i32
        %scatter3A_680 = arith.constant 0 : i32
        %scatter3A_681 = tpu.memref_slice %arg7[%scatter3A_679, %scatter3A_680] : memref<2x16384xf32, #tpu.memory_space<vmem>> -> memref<1x16384xf32, #tpu.memory_space<vmem>>
        %scatter3A_682 = tpu.memref_squeeze %scatter3A_681 : memref<1x16384xf32, #tpu.memory_space<vmem>> -> memref<16384xf32, #tpu.memory_space<vmem>>
        tpu.vector_store_idx %scatter3A_682[%add3A_655], %get3A_678 : memref<16384xf32, #tpu.memory_space<vmem>>[vector<16xi32>], vector<16xf32>,
        %add3A_683 = arith.constant 1 : i32
        %add3A_684 = vector.broadcast %add3A_683 : i32 to vector<16xi32>
        %add3A_685 = arith.addi %add3A_655, %add3A_684 : vector<16xi32>
        %mul3A_686 = arith.constant 4 : i32
        %mul3A_687 = arith.muli %mul3A_686, %scan3A_625 : i32
        %add3A_688 = arith.constant 128 : i32
        %add3A_689 = arith.addi %add3A_688, %mul3A_687 : i32
        %add3A_690 = arith.constant 2 : i32
        %add3A_691 = arith.addi %add3A_689, %add3A_690 : i32
        %get3A_692 = arith.constant 0 : i32
        %get3A_693 = arith.index_cast %get3A_692 : i32 to index
        %get3A_694 = arith.index_cast %add3A_691 : i32 to index
        %get3A_695 = arith.constant 0 : index
        %get3A_696 = tpu.vector_load %arg6[%get3A_693, %get3A_694, %get3A_695] {strides = array<i32>} : memref<2x512x32xf32, #tpu.memory_space<vmem>>, vector<16xf32>,
        %scatter3A_697 = arith.constant 0 : i32
        %scatter3A_698 = arith.constant 0 : i32
        %scatter3A_699 = tpu.memref_slice %arg7[%scatter3A_697, %scatter3A_698] : memref<2x16384xf32, #tpu.memory_space<vmem>> -> memref<1x16384xf32, #tpu.memory_space<vmem>>
        %scatter3A_700 = tpu.memref_squeeze %scatter3A_699 : memref<1x16384xf32, #tpu.memory_space<vmem>> -> memref<16384xf32, #tpu.memory_space<vmem>>
        tpu.vector_store_idx %scatter3A_700[%add3A_673], %get3A_696 : memref<16384xf32, #tpu.memory_space<vmem>>[vector<16xi32>], vector<16xf32>,
        %add3A_701 = arith.constant 1 : i32
        %add3A_702 = vector.broadcast %add3A_701 : i32 to vector<16xi32>
        %add3A_703 = arith.addi %add3A_673, %add3A_702 : vector<16xi32>
        %get3A_704 = arith.constant 0 : i32
        %get3A_705 = arith.index_cast %get3A_704 : i32 to index
        %get3A_706 = arith.index_cast %add3A_691 : i32 to index
        %get3A_707 = arith.constant 16 : index
        %get3A_708 = tpu.vector_load %arg6[%get3A_705, %get3A_706, %get3A_707] {strides = array<i32>} : memref<2x512x32xf32, #tpu.memory_space<vmem>>, vector<16xf32>,
        %scatter3A_709 = arith.constant 0 : i32
        %scatter3A_710 = arith.constant 0 : i32
        %scatter3A_711 = tpu.memref_slice %arg7[%scatter3A_709, %scatter3A_710] : memref<2x16384xf32, #tpu.memory_space<vmem>> -> memref<1x16384xf32, #tpu.memory_space<vmem>>
        %scatter3A_712 = tpu.memref_squeeze %scatter3A_711 : memref<1x16384xf32, #tpu.memory_space<vmem>> -> memref<16384xf32, #tpu.memory_space<vmem>>
        tpu.vector_store_idx %scatter3A_712[%add3A_685], %get3A_708 : memref<16384xf32, #tpu.memory_space<vmem>>[vector<16xi32>], vector<16xf32>,
        %add3A_713 = arith.constant 1 : i32
        %add3A_714 = vector.broadcast %add3A_713 : i32 to vector<16xi32>
        %add3A_715 = arith.addi %add3A_685, %add3A_714 : vector<16xi32>
        %mul3A_716 = arith.constant 4 : i32
        %mul3A_717 = arith.muli %mul3A_716, %scan3A_625 : i32
        %add3A_718 = arith.constant 128 : i32
        %add3A_719 = arith.addi %add3A_718, %mul3A_717 : i32
        %add3A_720 = arith.constant 3 : i32
        %add3A_721 = arith.addi %add3A_719, %add3A_720 : i32
        %get3A_722 = arith.constant 0 : i32
        %get3A_723 = arith.index_cast %get3A_722 : i32 to index
        %get3A_724 = arith.index_cast %add3A_721 : i32 to index
        %get3A_725 = arith.constant 0 : index
        %get3A_726 = tpu.vector_load %arg6[%get3A_723, %get3A_724, %get3A_725] {strides = array<i32>} : memref<2x512x32xf32, #tpu.memory_space<vmem>>, vector<16xf32>,
        %scatter3A_727 = arith.constant 0 : i32
        %scatter3A_728 = arith.constant 0 : i32
        %scatter3A_729 = tpu.memref_slice %arg7[%scatter3A_727, %scatter3A_728] : memref<2x16384xf32, #tpu.memory_space<vmem>> -> memref<1x16384xf32, #tpu.memory_space<vmem>>
        %scatter3A_730 = tpu.memref_squeeze %scatter3A_729 : memref<1x16384xf32, #tpu.memory_space<vmem>> -> memref<16384xf32, #tpu.memory_space<vmem>>
        tpu.vector_store_idx %scatter3A_730[%add3A_703], %get3A_726 : memref<16384xf32, #tpu.memory_space<vmem>>[vector<16xi32>], vector<16xf32>,
        %add3A_731 = arith.constant 1 : i32
        %add3A_732 = vector.broadcast %add3A_731 : i32 to vector<16xi32>
        %add3A_733 = arith.addi %add3A_703, %add3A_732 : vector<16xi32>
        %get3A_734 = arith.constant 0 : i32
        %get3A_735 = arith.index_cast %get3A_734 : i32 to index
        %get3A_736 = arith.index_cast %add3A_721 : i32 to index
        %get3A_737 = arith.constant 16 : index
        %get3A_738 = tpu.vector_load %arg6[%get3A_735, %get3A_736, %get3A_737] {strides = array<i32>} : memref<2x512x32xf32, #tpu.memory_space<vmem>>, vector<16xf32>,
        %scatter3A_739 = arith.constant 0 : i32
        %scatter3A_740 = arith.constant 0 : i32
        %scatter3A_741 = tpu.memref_slice %arg7[%scatter3A_739, %scatter3A_740] : memref<2x16384xf32, #tpu.memory_space<vmem>> -> memref<1x16384xf32, #tpu.memory_space<vmem>>
        %scatter3A_742 = tpu.memref_squeeze %scatter3A_741 : memref<1x16384xf32, #tpu.memory_space<vmem>> -> memref<16384xf32, #tpu.memory_space<vmem>>
        tpu.vector_store_idx %scatter3A_742[%add3A_715], %get3A_738 : memref<16384xf32, #tpu.memory_space<vmem>>[vector<16xi32>], vector<16xf32>,
        %add3A_743 = arith.constant 1 : i32
        %add3A_744 = vector.broadcast %add3A_743 : i32 to vector<16xi32>
        %add3A_745 = arith.addi %add3A_715, %add3A_744 : vector<16xi32>
        scf.yield %add3A_733, %add3A_745 : vector<16xi32>, vector<16xi32>
      }
      %scan3A_326 = arith.constant 32 : i32
      %add3A_327 = arith.constant 2048 : i32
      %add3A_328 = vector.broadcast %add3A_327 : i32 to vector<16xi32>
      %add3A_329 = arith.addi %add3A_17, %add3A_328 : vector<16xi32>
      %add3A_330 = arith.constant 2048 : i32
      %add3A_331 = vector.broadcast %add3A_330 : i32 to vector<16xi32>
      %add3A_332 = arith.addi %add3A_30, %add3A_331 : vector<16xi32>
      %scan3A_333 = arith.constant 0 : i32
      %scan3A_334 = arith.constant 32 : i32
      %scan3A_335 = arith.addi %scan3A_333, %scan3A_334 : i32
      %scan3A_336 = arith.constant 1 : i32
      %scan3A_337:2 = scf.for %scan3A_625 = %scan3A_333 to %scan3A_335 step %scan3A_336 iter_args(%scan3A_626 = %add3A_329, %scan3A_627 = %add3A_332) -> (vector<16xi32>, vector<16xi32>)  : i32 {
        %mul3A_628 = arith.constant 4 : i32
        %mul3A_629 = arith.muli %mul3A_628, %scan3A_625 : i32
        %add3A_630 = arith.constant 256 : i32
        %add3A_631 = arith.addi %add3A_630, %mul3A_629 : i32
        %add3A_632 = arith.constant 0 : i32
        %add3A_633 = arith.addi %add3A_631, %add3A_632 : i32
        %get3A = arith.constant 0 : i32
        %get3A_634 = arith.index_cast %get3A : i32 to index
        %get3A_635 = arith.index_cast %add3A_633 : i32 to index
        %get3A_636 = arith.constant 0 : index
        %get3A_637 = tpu.vector_load %arg6[%get3A_634, %get3A_635, %get3A_636] {strides = array<i32>} : memref<2x512x32xf32, #tpu.memory_space<vmem>>, vector<16xf32>,
        %scatter3A = arith.constant 0 : i32
        %scatter3A_638 = arith.constant 0 : i32
        %scatter3A_639 = tpu.memref_slice %arg7[%scatter3A, %scatter3A_638] : memref<2x16384xf32, #tpu.memory_space<vmem>> -> memref<1x16384xf32, #tpu.memory_space<vmem>>
        %scatter3A_640 = tpu.memref_squeeze %scatter3A_639 : memref<1x16384xf32, #tpu.memory_space<vmem>> -> memref<16384xf32, #tpu.memory_space<vmem>>
        tpu.vector_store_idx %scatter3A_640[%scan3A_626], %get3A_637 : memref<16384xf32, #tpu.memory_space<vmem>>[vector<16xi32>], vector<16xf32>,
        %add3A_641 = arith.constant 1 : i32
        %add3A_642 = vector.broadcast %add3A_641 : i32 to vector<16xi32>
        %add3A_643 = arith.addi %scan3A_626, %add3A_642 : vector<16xi32>
        %get3A_644 = arith.constant 0 : i32
        %get3A_645 = arith.index_cast %get3A_644 : i32 to index
        %get3A_646 = arith.index_cast %add3A_633 : i32 to index
        %get3A_647 = arith.constant 16 : index
        %get3A_648 = tpu.vector_load %arg6[%get3A_645, %get3A_646, %get3A_647] {strides = array<i32>} : memref<2x512x32xf32, #tpu.memory_space<vmem>>, vector<16xf32>,
        %scatter3A_649 = arith.constant 0 : i32
        %scatter3A_650 = arith.constant 0 : i32
        %scatter3A_651 = tpu.memref_slice %arg7[%scatter3A_649, %scatter3A_650] : memref<2x16384xf32, #tpu.memory_space<vmem>> -> memref<1x16384xf32, #tpu.memory_space<vmem>>
        %scatter3A_652 = tpu.memref_squeeze %scatter3A_651 : memref<1x16384xf32, #tpu.memory_space<vmem>> -> memref<16384xf32, #tpu.memory_space<vmem>>
        tpu.vector_store_idx %scatter3A_652[%scan3A_627], %get3A_648 : memref<16384xf32, #tpu.memory_space<vmem>>[vector<16xi32>], vector<16xf32>,
        %add3A_653 = arith.constant 1 : i32
        %add3A_654 = vector.broadcast %add3A_653 : i32 to vector<16xi32>
        %add3A_655 = arith.addi %scan3A_627, %add3A_654 : vector<16xi32>
        %mul3A_656 = arith.constant 4 : i32
        %mul3A_657 = arith.muli %mul3A_656, %scan3A_625 : i32
        %add3A_658 = arith.constant 256 : i32
        %add3A_659 = arith.addi %add3A_658, %mul3A_657 : i32
        %add3A_660 = arith.constant 1 : i32
        %add3A_661 = arith.addi %add3A_659, %add3A_660 : i32
        %get3A_662 = arith.constant 0 : i32
        %get3A_663 = arith.index_cast %get3A_662 : i32 to index
        %get3A_664 = arith.index_cast %add3A_661 : i32 to index
        %get3A_665 = arith.constant 0 : index
        %get3A_666 = tpu.vector_load %arg6[%get3A_663, %get3A_664, %get3A_665] {strides = array<i32>} : memref<2x512x32xf32, #tpu.memory_space<vmem>>, vector<16xf32>,
        %scatter3A_667 = arith.constant 0 : i32
        %scatter3A_668 = arith.constant 0 : i32
        %scatter3A_669 = tpu.memref_slice %arg7[%scatter3A_667, %scatter3A_668] : memref<2x16384xf32, #tpu.memory_space<vmem>> -> memref<1x16384xf32, #tpu.memory_space<vmem>>
        %scatter3A_670 = tpu.memref_squeeze %scatter3A_669 : memref<1x16384xf32, #tpu.memory_space<vmem>> -> memref<16384xf32, #tpu.memory_space<vmem>>
        tpu.vector_store_idx %scatter3A_670[%add3A_643], %get3A_666 : memref<16384xf32, #tpu.memory_space<vmem>>[vector<16xi32>], vector<16xf32>,
        %add3A_671 = arith.constant 1 : i32
        %add3A_672 = vector.broadcast %add3A_671 : i32 to vector<16xi32>
        %add3A_673 = arith.addi %add3A_643, %add3A_672 : vector<16xi32>
        %get3A_674 = arith.constant 0 : i32
        %get3A_675 = arith.index_cast %get3A_674 : i32 to index
        %get3A_676 = arith.index_cast %add3A_661 : i32 to index
        %get3A_677 = arith.constant 16 : index
        %get3A_678 = tpu.vector_load %arg6[%get3A_675, %get3A_676, %get3A_677] {strides = array<i32>} : memref<2x512x32xf32, #tpu.memory_space<vmem>>, vector<16xf32>,
        %scatter3A_679 = arith.constant 0 : i32
        %scatter3A_680 = arith.constant 0 : i32
        %scatter3A_681 = tpu.memref_slice %arg7[%scatter3A_679, %scatter3A_680] : memref<2x16384xf32, #tpu.memory_space<vmem>> -> memref<1x16384xf32, #tpu.memory_space<vmem>>
        %scatter3A_682 = tpu.memref_squeeze %scatter3A_681 : memref<1x16384xf32, #tpu.memory_space<vmem>> -> memref<16384xf32, #tpu.memory_space<vmem>>
        tpu.vector_store_idx %scatter3A_682[%add3A_655], %get3A_678 : memref<16384xf32, #tpu.memory_space<vmem>>[vector<16xi32>], vector<16xf32>,
        %add3A_683 = arith.constant 1 : i32
        %add3A_684 = vector.broadcast %add3A_683 : i32 to vector<16xi32>
        %add3A_685 = arith.addi %add3A_655, %add3A_684 : vector<16xi32>
        %mul3A_686 = arith.constant 4 : i32
        %mul3A_687 = arith.muli %mul3A_686, %scan3A_625 : i32
        %add3A_688 = arith.constant 256 : i32
        %add3A_689 = arith.addi %add3A_688, %mul3A_687 : i32
        %add3A_690 = arith.constant 2 : i32
        %add3A_691 = arith.addi %add3A_689, %add3A_690 : i32
        %get3A_692 = arith.constant 0 : i32
        %get3A_693 = arith.index_cast %get3A_692 : i32 to index
        %get3A_694 = arith.index_cast %add3A_691 : i32 to index
        %get3A_695 = arith.constant 0 : index
        %get3A_696 = tpu.vector_load %arg6[%get3A_693, %get3A_694, %get3A_695] {strides = array<i32>} : memref<2x512x32xf32, #tpu.memory_space<vmem>>, vector<16xf32>,
        %scatter3A_697 = arith.constant 0 : i32
        %scatter3A_698 = arith.constant 0 : i32
        %scatter3A_699 = tpu.memref_slice %arg7[%scatter3A_697, %scatter3A_698] : memref<2x16384xf32, #tpu.memory_space<vmem>> -> memref<1x16384xf32, #tpu.memory_space<vmem>>
        %scatter3A_700 = tpu.memref_squeeze %scatter3A_699 : memref<1x16384xf32, #tpu.memory_space<vmem>> -> memref<16384xf32, #tpu.memory_space<vmem>>
        tpu.vector_store_idx %scatter3A_700[%add3A_673], %get3A_696 : memref<16384xf32, #tpu.memory_space<vmem>>[vector<16xi32>], vector<16xf32>,
        %add3A_701 = arith.constant 1 : i32
        %add3A_702 = vector.broadcast %add3A_701 : i32 to vector<16xi32>
        %add3A_703 = arith.addi %add3A_673, %add3A_702 : vector<16xi32>
        %get3A_704 = arith.constant 0 : i32
        %get3A_705 = arith.index_cast %get3A_704 : i32 to index
        %get3A_706 = arith.index_cast %add3A_691 : i32 to index
        %get3A_707 = arith.constant 16 : index
        %get3A_708 = tpu.vector_load %arg6[%get3A_705, %get3A_706, %get3A_707] {strides = array<i32>} : memref<2x512x32xf32, #tpu.memory_space<vmem>>, vector<16xf32>,
        %scatter3A_709 = arith.constant 0 : i32
        %scatter3A_710 = arith.constant 0 : i32
        %scatter3A_711 = tpu.memref_slice %arg7[%scatter3A_709, %scatter3A_710] : memref<2x16384xf32, #tpu.memory_space<vmem>> -> memref<1x16384xf32, #tpu.memory_space<vmem>>
        %scatter3A_712 = tpu.memref_squeeze %scatter3A_711 : memref<1x16384xf32, #tpu.memory_space<vmem>> -> memref<16384xf32, #tpu.memory_space<vmem>>
        tpu.vector_store_idx %scatter3A_712[%add3A_685], %get3A_708 : memref<16384xf32, #tpu.memory_space<vmem>>[vector<16xi32>], vector<16xf32>,
        %add3A_713 = arith.constant 1 : i32
        %add3A_714 = vector.broadcast %add3A_713 : i32 to vector<16xi32>
        %add3A_715 = arith.addi %add3A_685, %add3A_714 : vector<16xi32>
        %mul3A_716 = arith.constant 4 : i32
        %mul3A_717 = arith.muli %mul3A_716, %scan3A_625 : i32
        %add3A_718 = arith.constant 256 : i32
        %add3A_719 = arith.addi %add3A_718, %mul3A_717 : i32
        %add3A_720 = arith.constant 3 : i32
        %add3A_721 = arith.addi %add3A_719, %add3A_720 : i32
        %get3A_722 = arith.constant 0 : i32
        %get3A_723 = arith.index_cast %get3A_722 : i32 to index
        %get3A_724 = arith.index_cast %add3A_721 : i32 to index
        %get3A_725 = arith.constant 0 : index
        %get3A_726 = tpu.vector_load %arg6[%get3A_723, %get3A_724, %get3A_725] {strides = array<i32>} : memref<2x512x32xf32, #tpu.memory_space<vmem>>, vector<16xf32>,
        %scatter3A_727 = arith.constant 0 : i32
        %scatter3A_728 = arith.constant 0 : i32
        %scatter3A_729 = tpu.memref_slice %arg7[%scatter3A_727, %scatter3A_728] : memref<2x16384xf32, #tpu.memory_space<vmem>> -> memref<1x16384xf32, #tpu.memory_space<vmem>>
        %scatter3A_730 = tpu.memref_squeeze %scatter3A_729 : memref<1x16384xf32, #tpu.memory_space<vmem>> -> memref<16384xf32, #tpu.memory_space<vmem>>
        tpu.vector_store_idx %scatter3A_730[%add3A_703], %get3A_726 : memref<16384xf32, #tpu.memory_space<vmem>>[vector<16xi32>], vector<16xf32>,
        %add3A_731 = arith.constant 1 : i32
        %add3A_732 = vector.broadcast %add3A_731 : i32 to vector<16xi32>
        %add3A_733 = arith.addi %add3A_703, %add3A_732 : vector<16xi32>
        %get3A_734 = arith.constant 0 : i32
        %get3A_735 = arith.index_cast %get3A_734 : i32 to index
        %get3A_736 = arith.index_cast %add3A_721 : i32 to index
        %get3A_737 = arith.constant 16 : index
        %get3A_738 = tpu.vector_load %arg6[%get3A_735, %get3A_736, %get3A_737] {strides = array<i32>} : memref<2x512x32xf32, #tpu.memory_space<vmem>>, vector<16xf32>,
        %scatter3A_739 = arith.constant 0 : i32
        %scatter3A_740 = arith.constant 0 : i32
        %scatter3A_741 = tpu.memref_slice %arg7[%scatter3A_739, %scatter3A_740] : memref<2x16384xf32, #tpu.memory_space<vmem>> -> memref<1x16384xf32, #tpu.memory_space<vmem>>
        %scatter3A_742 = tpu.memref_squeeze %scatter3A_741 : memref<1x16384xf32, #tpu.memory_space<vmem>> -> memref<16384xf32, #tpu.memory_space<vmem>>
        tpu.vector_store_idx %scatter3A_742[%add3A_715], %get3A_738 : memref<16384xf32, #tpu.memory_space<vmem>>[vector<16xi32>], vector<16xf32>,
        %add3A_743 = arith.constant 1 : i32
        %add3A_744 = vector.broadcast %add3A_743 : i32 to vector<16xi32>
        %add3A_745 = arith.addi %add3A_715, %add3A_744 : vector<16xi32>
        scf.yield %add3A_733, %add3A_745 : vector<16xi32>, vector<16xi32>
      }
      %scan3A_338 = arith.constant 32 : i32
      %add3A_339 = arith.constant 3072 : i32
      %add3A_340 = vector.broadcast %add3A_339 : i32 to vector<16xi32>
      %add3A_341 = arith.addi %add3A_17, %add3A_340 : vector<16xi32>
      %add3A_342 = arith.constant 3072 : i32
      %add3A_343 = vector.broadcast %add3A_342 : i32 to vector<16xi32>
      %add3A_344 = arith.addi %add3A_30, %add3A_343 : vector<16xi32>
      %scan3A_345 = arith.constant 0 : i32
      %scan3A_346 = arith.constant 32 : i32
      %scan3A_347 = arith.addi %scan3A_345, %scan3A_346 : i32
      %scan3A_348 = arith.constant 1 : i32
      %scan3A_349:2 = scf.for %scan3A_625 = %scan3A_345 to %scan3A_347 step %scan3A_348 iter_args(%scan3A_626 = %add3A_341, %scan3A_627 = %add3A_344) -> (vector<16xi32>, vector<16xi32>)  : i32 {
        %mul3A_628 = arith.constant 4 : i32
        %mul3A_629 = arith.muli %mul3A_628, %scan3A_625 : i32
        %add3A_630 = arith.constant 384 : i32
        %add3A_631 = arith.addi %add3A_630, %mul3A_629 : i32
        %add3A_632 = arith.constant 0 : i32
        %add3A_633 = arith.addi %add3A_631, %add3A_632 : i32
        %get3A = arith.constant 0 : i32
        %get3A_634 = arith.index_cast %get3A : i32 to index
        %get3A_635 = arith.index_cast %add3A_633 : i32 to index
        %get3A_636 = arith.constant 0 : index
        %get3A_637 = tpu.vector_load %arg6[%get3A_634, %get3A_635, %get3A_636] {strides = array<i32>} : memref<2x512x32xf32, #tpu.memory_space<vmem>>, vector<16xf32>,
        %scatter3A = arith.constant 0 : i32
        %scatter3A_638 = arith.constant 0 : i32
        %scatter3A_639 = tpu.memref_slice %arg7[%scatter3A, %scatter3A_638] : memref<2x16384xf32, #tpu.memory_space<vmem>> -> memref<1x16384xf32, #tpu.memory_space<vmem>>
        %scatter3A_640 = tpu.memref_squeeze %scatter3A_639 : memref<1x16384xf32, #tpu.memory_space<vmem>> -> memref<16384xf32, #tpu.memory_space<vmem>>
        tpu.vector_store_idx %scatter3A_640[%scan3A_626], %get3A_637 : memref<16384xf32, #tpu.memory_space<vmem>>[vector<16xi32>], vector<16xf32>,
        %add3A_641 = arith.constant 1 : i32
        %add3A_642 = vector.broadcast %add3A_641 : i32 to vector<16xi32>
        %add3A_643 = arith.addi %scan3A_626, %add3A_642 : vector<16xi32>
        %get3A_644 = arith.constant 0 : i32
        %get3A_645 = arith.index_cast %get3A_644 : i32 to index
        %get3A_646 = arith.index_cast %add3A_633 : i32 to index
        %get3A_647 = arith.constant 16 : index
        %get3A_648 = tpu.vector_load %arg6[%get3A_645, %get3A_646, %get3A_647] {strides = array<i32>} : memref<2x512x32xf32, #tpu.memory_space<vmem>>, vector<16xf32>,
        %scatter3A_649 = arith.constant 0 : i32
        %scatter3A_650 = arith.constant 0 : i32
        %scatter3A_651 = tpu.memref_slice %arg7[%scatter3A_649, %scatter3A_650] : memref<2x16384xf32, #tpu.memory_space<vmem>> -> memref<1x16384xf32, #tpu.memory_space<vmem>>
        %scatter3A_652 = tpu.memref_squeeze %scatter3A_651 : memref<1x16384xf32, #tpu.memory_space<vmem>> -> memref<16384xf32, #tpu.memory_space<vmem>>
        tpu.vector_store_idx %scatter3A_652[%scan3A_627], %get3A_648 : memref<16384xf32, #tpu.memory_space<vmem>>[vector<16xi32>], vector<16xf32>,
        %add3A_653 = arith.constant 1 : i32
        %add3A_654 = vector.broadcast %add3A_653 : i32 to vector<16xi32>
        %add3A_655 = arith.addi %scan3A_627, %add3A_654 : vector<16xi32>
        %mul3A_656 = arith.constant 4 : i32
        %mul3A_657 = arith.muli %mul3A_656, %scan3A_625 : i32
        %add3A_658 = arith.constant 384 : i32
        %add3A_659 = arith.addi %add3A_658, %mul3A_657 : i32
        %add3A_660 = arith.constant 1 : i32
        %add3A_661 = arith.addi %add3A_659, %add3A_660 : i32
        %get3A_662 = arith.constant 0 : i32
        %get3A_663 = arith.index_cast %get3A_662 : i32 to index
        %get3A_664 = arith.index_cast %add3A_661 : i32 to index
        %get3A_665 = arith.constant 0 : index
        %get3A_666 = tpu.vector_load %arg6[%get3A_663, %get3A_664, %get3A_665] {strides = array<i32>} : memref<2x512x32xf32, #tpu.memory_space<vmem>>, vector<16xf32>,
        %scatter3A_667 = arith.constant 0 : i32
        %scatter3A_668 = arith.constant 0 : i32
        %scatter3A_669 = tpu.memref_slice %arg7[%scatter3A_667, %scatter3A_668] : memref<2x16384xf32, #tpu.memory_space<vmem>> -> memref<1x16384xf32, #tpu.memory_space<vmem>>
        %scatter3A_670 = tpu.memref_squeeze %scatter3A_669 : memref<1x16384xf32, #tpu.memory_space<vmem>> -> memref<16384xf32, #tpu.memory_space<vmem>>
        tpu.vector_store_idx %scatter3A_670[%add3A_643], %get3A_666 : memref<16384xf32, #tpu.memory_space<vmem>>[vector<16xi32>], vector<16xf32>,
        %add3A_671 = arith.constant 1 : i32
        %add3A_672 = vector.broadcast %add3A_671 : i32 to vector<16xi32>
        %add3A_673 = arith.addi %add3A_643, %add3A_672 : vector<16xi32>
        %get3A_674 = arith.constant 0 : i32
        %get3A_675 = arith.index_cast %get3A_674 : i32 to index
        %get3A_676 = arith.index_cast %add3A_661 : i32 to index
        %get3A_677 = arith.constant 16 : index
        %get3A_678 = tpu.vector_load %arg6[%get3A_675, %get3A_676, %get3A_677] {strides = array<i32>} : memref<2x512x32xf32, #tpu.memory_space<vmem>>, vector<16xf32>,
        %scatter3A_679 = arith.constant 0 : i32
        %scatter3A_680 = arith.constant 0 : i32
        %scatter3A_681 = tpu.memref_slice %arg7[%scatter3A_679, %scatter3A_680] : memref<2x16384xf32, #tpu.memory_space<vmem>> -> memref<1x16384xf32, #tpu.memory_space<vmem>>
        %scatter3A_682 = tpu.memref_squeeze %scatter3A_681 : memref<1x16384xf32, #tpu.memory_space<vmem>> -> memref<16384xf32, #tpu.memory_space<vmem>>
        tpu.vector_store_idx %scatter3A_682[%add3A_655], %get3A_678 : memref<16384xf32, #tpu.memory_space<vmem>>[vector<16xi32>], vector<16xf32>,
        %add3A_683 = arith.constant 1 : i32
        %add3A_684 = vector.broadcast %add3A_683 : i32 to vector<16xi32>
        %add3A_685 = arith.addi %add3A_655, %add3A_684 : vector<16xi32>
        %mul3A_686 = arith.constant 4 : i32
        %mul3A_687 = arith.muli %mul3A_686, %scan3A_625 : i32
        %add3A_688 = arith.constant 384 : i32
        %add3A_689 = arith.addi %add3A_688, %mul3A_687 : i32
        %add3A_690 = arith.constant 2 : i32
        %add3A_691 = arith.addi %add3A_689, %add3A_690 : i32
        %get3A_692 = arith.constant 0 : i32
        %get3A_693 = arith.index_cast %get3A_692 : i32 to index
        %get3A_694 = arith.index_cast %add3A_691 : i32 to index
        %get3A_695 = arith.constant 0 : index
        %get3A_696 = tpu.vector_load %arg6[%get3A_693, %get3A_694, %get3A_695] {strides = array<i32>} : memref<2x512x32xf32, #tpu.memory_space<vmem>>, vector<16xf32>,
        %scatter3A_697 = arith.constant 0 : i32
        %scatter3A_698 = arith.constant 0 : i32
        %scatter3A_699 = tpu.memref_slice %arg7[%scatter3A_697, %scatter3A_698] : memref<2x16384xf32, #tpu.memory_space<vmem>> -> memref<1x16384xf32, #tpu.memory_space<vmem>>
        %scatter3A_700 = tpu.memref_squeeze %scatter3A_699 : memref<1x16384xf32, #tpu.memory_space<vmem>> -> memref<16384xf32, #tpu.memory_space<vmem>>
        tpu.vector_store_idx %scatter3A_700[%add3A_673], %get3A_696 : memref<16384xf32, #tpu.memory_space<vmem>>[vector<16xi32>], vector<16xf32>,
        %add3A_701 = arith.constant 1 : i32
        %add3A_702 = vector.broadcast %add3A_701 : i32 to vector<16xi32>
        %add3A_703 = arith.addi %add3A_673, %add3A_702 : vector<16xi32>
        %get3A_704 = arith.constant 0 : i32
        %get3A_705 = arith.index_cast %get3A_704 : i32 to index
        %get3A_706 = arith.index_cast %add3A_691 : i32 to index
        %get3A_707 = arith.constant 16 : index
        %get3A_708 = tpu.vector_load %arg6[%get3A_705, %get3A_706, %get3A_707] {strides = array<i32>} : memref<2x512x32xf32, #tpu.memory_space<vmem>>, vector<16xf32>,
        %scatter3A_709 = arith.constant 0 : i32
        %scatter3A_710 = arith.constant 0 : i32
        %scatter3A_711 = tpu.memref_slice %arg7[%scatter3A_709, %scatter3A_710] : memref<2x16384xf32, #tpu.memory_space<vmem>> -> memref<1x16384xf32, #tpu.memory_space<vmem>>
        %scatter3A_712 = tpu.memref_squeeze %scatter3A_711 : memref<1x16384xf32, #tpu.memory_space<vmem>> -> memref<16384xf32, #tpu.memory_space<vmem>>
        tpu.vector_store_idx %scatter3A_712[%add3A_685], %get3A_708 : memref<16384xf32, #tpu.memory_space<vmem>>[vector<16xi32>], vector<16xf32>,
        %add3A_713 = arith.constant 1 : i32
        %add3A_714 = vector.broadcast %add3A_713 : i32 to vector<16xi32>
        %add3A_715 = arith.addi %add3A_685, %add3A_714 : vector<16xi32>
        %mul3A_716 = arith.constant 4 : i32
        %mul3A_717 = arith.muli %mul3A_716, %scan3A_625 : i32
        %add3A_718 = arith.constant 384 : i32
        %add3A_719 = arith.addi %add3A_718, %mul3A_717 : i32
        %add3A_720 = arith.constant 3 : i32
        %add3A_721 = arith.addi %add3A_719, %add3A_720 : i32
        %get3A_722 = arith.constant 0 : i32
        %get3A_723 = arith.index_cast %get3A_722 : i32 to index
        %get3A_724 = arith.index_cast %add3A_721 : i32 to index
        %get3A_725 = arith.constant 0 : index
        %get3A_726 = tpu.vector_load %arg6[%get3A_723, %get3A_724, %get3A_725] {strides = array<i32>} : memref<2x512x32xf32, #tpu.memory_space<vmem>>, vector<16xf32>,
        %scatter3A_727 = arith.constant 0 : i32
        %scatter3A_728 = arith.constant 0 : i32
        %scatter3A_729 = tpu.memref_slice %arg7[%scatter3A_727, %scatter3A_728] : memref<2x16384xf32, #tpu.memory_space<vmem>> -> memref<1x16384xf32, #tpu.memory_space<vmem>>
        %scatter3A_730 = tpu.memref_squeeze %scatter3A_729 : memref<1x16384xf32, #tpu.memory_space<vmem>> -> memref<16384xf32, #tpu.memory_space<vmem>>
        tpu.vector_store_idx %scatter3A_730[%add3A_703], %get3A_726 : memref<16384xf32, #tpu.memory_space<vmem>>[vector<16xi32>], vector<16xf32>,
        %add3A_731 = arith.constant 1 : i32
        %add3A_732 = vector.broadcast %add3A_731 : i32 to vector<16xi32>
        %add3A_733 = arith.addi %add3A_703, %add3A_732 : vector<16xi32>
        %get3A_734 = arith.constant 0 : i32
        %get3A_735 = arith.index_cast %get3A_734 : i32 to index
        %get3A_736 = arith.index_cast %add3A_721 : i32 to index
        %get3A_737 = arith.constant 16 : index
        %get3A_738 = tpu.vector_load %arg6[%get3A_735, %get3A_736, %get3A_737] {strides = array<i32>} : memref<2x512x32xf32, #tpu.memory_space<vmem>>, vector<16xf32>,
        %scatter3A_739 = arith.constant 0 : i32
        %scatter3A_740 = arith.constant 0 : i32
        %scatter3A_741 = tpu.memref_slice %arg7[%scatter3A_739, %scatter3A_740] : memref<2x16384xf32, #tpu.memory_space<vmem>> -> memref<1x16384xf32, #tpu.memory_space<vmem>>
        %scatter3A_742 = tpu.memref_squeeze %scatter3A_741 : memref<1x16384xf32, #tpu.memory_space<vmem>> -> memref<16384xf32, #tpu.memory_space<vmem>>
        tpu.vector_store_idx %scatter3A_742[%add3A_715], %get3A_738 : memref<16384xf32, #tpu.memory_space<vmem>>[vector<16xi32>], vector<16xf32>,
        %add3A_743 = arith.constant 1 : i32
        %add3A_744 = vector.broadcast %add3A_743 : i32 to vector<16xi32>
        %add3A_745 = arith.addi %add3A_715, %add3A_744 : vector<16xi32>
        scf.yield %add3A_733, %add3A_745 : vector<16xi32>, vector<16xi32>
      }
      %scan3A_350 = arith.constant 32 : i32
      %div3A_351 = arith.constant 32 : i32
      %div3A_352 = arith.divsi %add3A_223, %div3A_351 : i32
      %rem3A_353 = arith.constant 32 : i32
      %rem3A_354 = arith.remsi %add3A_223, %rem3A_353 : i32
      %mul3A_355 = arith.constant 4 : i32
      %mul3A_356 = arith.muli %div3A_352, %mul3A_355 : i32
      %add3A_357 = arith.constant 0 : i32
      %add3A_358 = arith.addi %mul3A_356, %add3A_357 : i32
      %mul3A_359 = arith.constant 128 : i32
      %mul3A_360 = arith.muli %add3A_358, %mul3A_359 : i32
      %mul3A_361 = arith.constant 128 : i32
      %mul3A_362 = arith.muli %mul3A_360, %mul3A_361 : i32
      %mul3A_363 = arith.constant 8 : i32
      %mul3A_364 = arith.muli %mul3A_362, %mul3A_363 : i32
      %mul3A_365 = arith.constant 4096 : i32
      %mul3A_366 = arith.muli %rem3A_354, %mul3A_365 : i32
      %add3A_367 = arith.addi %mul3A_364, %mul3A_366 : i32
      %dma_start3A_368 = arith.constant 0 : i32
      %dma_start3A_369 = arith.constant 0 : i32
      %dma_start3A_370 = tpu.memref_slice %arg7[%dma_start3A_368, %dma_start3A_369] : memref<2x16384xf32, #tpu.memory_space<vmem>> -> memref<1x4096xf32, #tpu.memory_space<vmem>>
      %dma_start3A_371 = tpu.memref_squeeze %dma_start3A_370 : memref<1x4096xf32, #tpu.memory_space<vmem>> -> memref<4096xf32, #tpu.memory_space<vmem>>
      %dma_start3A_372 = tpu.memref_slice %arg4[%add3A_367] : memref<26214400xf32, #tpu.memory_space<hbm>> -> memref<4096xf32, #tpu.memory_space<hbm>>
      %dma_start3A_373 = tpu.memref_slice %arg4[%add3A_367] : memref<26214400xf32, #tpu.memory_space<hbm>> -> memref<4096xf32, #tpu.memory_space<hbm>>
      %dma_start3A_374 = arith.constant 0 : i32
      %dma_start3A_375 = tpu.memref_slice %arg7[%dma_start3A_368, %dma_start3A_374] : memref<2x16384xf32, #tpu.memory_space<vmem>> -> memref<1x4096xf32, #tpu.memory_space<vmem>>
      %dma_start3A_376 = tpu.memref_squeeze %dma_start3A_375 : memref<1x4096xf32, #tpu.memory_space<vmem>> -> memref<4096xf32, #tpu.memory_space<vmem>>
      tpu.enqueue_dma source(%dma_start3A_376 : memref<4096xf32, #tpu.memory_space<vmem>>) target(%dma_start3A_373 : memref<4096xf32, #tpu.memory_space<hbm>>) target_semaphore(%arg12 : memref<!tpu.dma_semaphore, #tpu.memory_space<semaphore_mem>>)
      %mul3A_377 = arith.constant 4 : i32
      %mul3A_378 = arith.muli %div3A_352, %mul3A_377 : i32
      %add3A_379 = arith.constant 1 : i32
      %add3A_380 = arith.addi %mul3A_378, %add3A_379 : i32
      %mul3A_381 = arith.constant 128 : i32
      %mul3A_382 = arith.muli %add3A_380, %mul3A_381 : i32
      %mul3A_383 = arith.constant 128 : i32
      %mul3A_384 = arith.muli %mul3A_382, %mul3A_383 : i32
      %mul3A_385 = arith.constant 8 : i32
      %mul3A_386 = arith.muli %mul3A_384, %mul3A_385 : i32
      %mul3A_387 = arith.constant 4096 : i32
      %mul3A_388 = arith.muli %rem3A_354, %mul3A_387 : i32
      %add3A_389 = arith.addi %mul3A_386, %mul3A_388 : i32
      %dma_start3A_390 = arith.constant 0 : i32
      %dma_start3A_391 = arith.constant 4096 : i32
      %dma_start3A_392 = tpu.memref_slice %arg7[%dma_start3A_390, %dma_start3A_391] : memref<2x16384xf32, #tpu.memory_space<vmem>> -> memref<1x4096xf32, #tpu.memory_space<vmem>>
      %dma_start3A_393 = tpu.memref_squeeze %dma_start3A_392 : memref<1x4096xf32, #tpu.memory_space<vmem>> -> memref<4096xf32, #tpu.memory_space<vmem>>
      %dma_start3A_394 = tpu.memref_slice %arg4[%add3A_389] : memref<26214400xf32, #tpu.memory_space<hbm>> -> memref<4096xf32, #tpu.memory_space<hbm>>
      %dma_start3A_395 = tpu.memref_slice %arg4[%add3A_389] : memref<26214400xf32, #tpu.memory_space<hbm>> -> memref<4096xf32, #tpu.memory_space<hbm>>
      %dma_start3A_396 = arith.constant 4096 : i32
      %dma_start3A_397 = tpu.memref_slice %arg7[%dma_start3A_390, %dma_start3A_396] : memref<2x16384xf32, #tpu.memory_space<vmem>> -> memref<1x4096xf32, #tpu.memory_space<vmem>>
      %dma_start3A_398 = tpu.memref_squeeze %dma_start3A_397 : memref<1x4096xf32, #tpu.memory_space<vmem>> -> memref<4096xf32, #tpu.memory_space<vmem>>
      tpu.enqueue_dma source(%dma_start3A_398 : memref<4096xf32, #tpu.memory_space<vmem>>) target(%dma_start3A_395 : memref<4096xf32, #tpu.memory_space<hbm>>) target_semaphore(%arg12 : memref<!tpu.dma_semaphore, #tpu.memory_space<semaphore_mem>>)
      %mul3A_399 = arith.constant 4 : i32
      %mul3A_400 = arith.muli %div3A_352, %mul3A_399 : i32
      %add3A_401 = arith.constant 2 : i32
      %add3A_402 = arith.addi %mul3A_400, %add3A_401 : i32
      %mul3A_403 = arith.constant 128 : i32
      %mul3A_404 = arith.muli %add3A_402, %mul3A_403 : i32
      %mul3A_405 = arith.constant 128 : i32
      %mul3A_406 = arith.muli %mul3A_404, %mul3A_405 : i32
      %mul3A_407 = arith.constant 8 : i32
      %mul3A_408 = arith.muli %mul3A_406, %mul3A_407 : i32
      %mul3A_409 = arith.constant 4096 : i32
      %mul3A_410 = arith.muli %rem3A_354, %mul3A_409 : i32
      %add3A_411 = arith.addi %mul3A_408, %mul3A_410 : i32
      %dma_start3A_412 = arith.constant 0 : i32
      %dma_start3A_413 = arith.constant 8192 : i32
      %dma_start3A_414 = tpu.memref_slice %arg7[%dma_start3A_412, %dma_start3A_413] : memref<2x16384xf32, #tpu.memory_space<vmem>> -> memref<1x4096xf32, #tpu.memory_space<vmem>>
      %dma_start3A_415 = tpu.memref_squeeze %dma_start3A_414 : memref<1x4096xf32, #tpu.memory_space<vmem>> -> memref<4096xf32, #tpu.memory_space<vmem>>
      %dma_start3A_416 = tpu.memref_slice %arg4[%add3A_411] : memref<26214400xf32, #tpu.memory_space<hbm>> -> memref<4096xf32, #tpu.memory_space<hbm>>
      %dma_start3A_417 = tpu.memref_slice %arg4[%add3A_411] : memref<26214400xf32, #tpu.memory_space<hbm>> -> memref<4096xf32, #tpu.memory_space<hbm>>
      %dma_start3A_418 = arith.constant 8192 : i32
      %dma_start3A_419 = tpu.memref_slice %arg7[%dma_start3A_412, %dma_start3A_418] : memref<2x16384xf32, #tpu.memory_space<vmem>> -> memref<1x4096xf32, #tpu.memory_space<vmem>>
      %dma_start3A_420 = tpu.memref_squeeze %dma_start3A_419 : memref<1x4096xf32, #tpu.memory_space<vmem>> -> memref<4096xf32, #tpu.memory_space<vmem>>
      tpu.enqueue_dma source(%dma_start3A_420 : memref<4096xf32, #tpu.memory_space<vmem>>) target(%dma_start3A_417 : memref<4096xf32, #tpu.memory_space<hbm>>) target_semaphore(%arg12 : memref<!tpu.dma_semaphore, #tpu.memory_space<semaphore_mem>>)
      %mul3A_421 = arith.constant 4 : i32
      %mul3A_422 = arith.muli %div3A_352, %mul3A_421 : i32
      %add3A_423 = arith.constant 3 : i32
      %add3A_424 = arith.addi %mul3A_422, %add3A_423 : i32
      %mul3A_425 = arith.constant 128 : i32
      %mul3A_426 = arith.muli %add3A_424, %mul3A_425 : i32
      %mul3A_427 = arith.constant 128 : i32
      %mul3A_428 = arith.muli %mul3A_426, %mul3A_427 : i32
      %mul3A_429 = arith.constant 8 : i32
      %mul3A_430 = arith.muli %mul3A_428, %mul3A_429 : i32
      %mul3A_431 = arith.constant 4096 : i32
      %mul3A_432 = arith.muli %rem3A_354, %mul3A_431 : i32
      %add3A_433 = arith.addi %mul3A_430, %mul3A_432 : i32
      %dma_start3A_434 = arith.constant 0 : i32
      %dma_start3A_435 = arith.constant 12288 : i32
      %dma_start3A_436 = tpu.memref_slice %arg7[%dma_start3A_434, %dma_start3A_435] : memref<2x16384xf32, #tpu.memory_space<vmem>> -> memref<1x4096xf32, #tpu.memory_space<vmem>>
      %dma_start3A_437 = tpu.memref_squeeze %dma_start3A_436 : memref<1x4096xf32, #tpu.memory_space<vmem>> -> memref<4096xf32, #tpu.memory_space<vmem>>
      %dma_start3A_438 = tpu.memref_slice %arg4[%add3A_433] : memref<26214400xf32, #tpu.memory_space<hbm>> -> memref<4096xf32, #tpu.memory_space<hbm>>
      %dma_start3A_439 = tpu.memref_slice %arg4[%add3A_433] : memref<26214400xf32, #tpu.memory_space<hbm>> -> memref<4096xf32, #tpu.memory_space<hbm>>
      %dma_start3A_440 = arith.constant 12288 : i32
      %dma_start3A_441 = tpu.memref_slice %arg7[%dma_start3A_434, %dma_start3A_440] : memref<2x16384xf32, #tpu.memory_space<vmem>> -> memref<1x4096xf32, #tpu.memory_space<vmem>>
      %dma_start3A_442 = tpu.memref_squeeze %dma_start3A_441 : memref<1x4096xf32, #tpu.memory_space<vmem>> -> memref<4096xf32, #tpu.memory_space<vmem>>
      tpu.enqueue_dma source(%dma_start3A_442 : memref<4096xf32, #tpu.memory_space<vmem>>) target(%dma_start3A_439 : memref<4096xf32, #tpu.memory_space<hbm>>) target_semaphore(%arg12 : memref<!tpu.dma_semaphore, #tpu.memory_space<semaphore_mem>>)
      %add3A_443 = arith.constant 1 : i32
      %add3A_444 = arith.addi %scan3A_220, %add3A_443 : i32
      %lt3A = arith.constant 25 : i32
      %lt3A_445 = arith.cmpi slt, %add3A_444, %lt3A : i32
      %convert_element_type3A_446 = arith.extui %lt3A_445 : i1 to i32
      %cond3A_447 = arith.constant 0 : i32
      %cond3A_448 = arith.cmpi ne, %convert_element_type3A_446, %cond3A_447 : i32
      scf.if %cond3A_448 {
        %add3A_625 = arith.constant 2 : i32
        %add3A_626 = arith.addi %add3A_223, %add3A_625 : i32
        %div3A_627 = arith.constant 32 : i32
        %div3A_628 = arith.divsi %add3A_626, %div3A_627 : i32
        %rem3A_629 = arith.constant 32 : i32
        %rem3A_630 = arith.remsi %add3A_626, %rem3A_629 : i32
        %mul3A_631 = arith.constant 512 : i32
        %mul3A_632 = arith.muli %rem3A_630, %mul3A_631 : i32
        %dma_start3A_633 = arith.constant 0 : i32
        %dma_start3A_634 = arith.constant 0 : i32
        %dma_start3A_635 = tpu.memref_slice %arg5[%dma_start3A_633, %dma_start3A_634] : memref<2x512xi32, #tpu.memory_space<vmem>> -> memref<1x512xi32, #tpu.memory_space<vmem>>
        %dma_start3A_636 = tpu.memref_squeeze %dma_start3A_635 : memref<1x512xi32, #tpu.memory_space<vmem>> -> memref<512xi32, #tpu.memory_space<vmem>>
        %dma_start3A_637 = tpu.memref_slice %arg3[%div3A_628, %mul3A_632] : memref<50x16384xi32, #tpu.memory_space<hbm>> -> memref<1x512xi32, #tpu.memory_space<hbm>>
        %dma_start3A_638 = tpu.memref_squeeze %dma_start3A_637 : memref<1x512xi32, #tpu.memory_space<hbm>> -> memref<512xi32, #tpu.memory_space<hbm>>
        %dma_start3A_639 = arith.constant 0 : i32
        %dma_start3A_640 = tpu.memref_slice %arg5[%dma_start3A_633, %dma_start3A_639] : memref<2x512xi32, #tpu.memory_space<vmem>> -> memref<1x512xi32, #tpu.memory_space<vmem>>
        %dma_start3A_641 = tpu.memref_squeeze %dma_start3A_640 : memref<1x512xi32, #tpu.memory_space<vmem>> -> memref<512xi32, #tpu.memory_space<vmem>>
        %dma_start3A_642 = tpu.memref_slice %arg3[%div3A_628, %mul3A_632] : memref<50x16384xi32, #tpu.memory_space<hbm>> -> memref<1x512xi32, #tpu.memory_space<hbm>>
        %dma_start3A_643 = tpu.memref_squeeze %dma_start3A_642 : memref<1x512xi32, #tpu.memory_space<hbm>> -> memref<512xi32, #tpu.memory_space<hbm>>
        tpu.enqueue_dma source(%dma_start3A_643 : memref<512xi32, #tpu.memory_space<hbm>>) target(%dma_start3A_641 : memref<512xi32, #tpu.memory_space<vmem>>) target_semaphore(%arg8 : memref<!tpu.dma_semaphore, #tpu.memory_space<semaphore_mem>>)
      } else {
      }
      %add3A_449 = arith.constant 1 : i32
      %add3A_450 = arith.addi %scan3A_220, %add3A_449 : i32
      %lt3A_451 = arith.constant 25 : i32
      %lt3A_452 = arith.cmpi slt, %add3A_450, %lt3A_451 : i32
      %convert_element_type3A_453 = arith.extui %lt3A_452 : i1 to i32
      %cond3A_454 = arith.constant 0 : i32
      %cond3A_455 = arith.cmpi ne, %convert_element_type3A_453, %cond3A_454 : i32
      scf.if %cond3A_455 {
        %dma_wait3A_625 = arith.constant 0 : i32
        %dma_wait3A_626 = arith.constant 0 : i32
        %dma_wait3A_627 = arith.constant 0 : i32
        %dma_wait3A_628 = tpu.memref_slice %arg5[%dma_wait3A_626, %dma_wait3A_627] : memref<2x512xi32, #tpu.memory_space<vmem>> -> memref<1x512xi32, #tpu.memory_space<vmem>>
        %dma_wait3A_629 = tpu.memref_squeeze %dma_wait3A_628 : memref<1x512xi32, #tpu.memory_space<vmem>> -> memref<512xi32, #tpu.memory_space<vmem>>
        %dma_wait3A_630 = arith.constant 0 : i32
        %dma_wait3A_631 = tpu.memref_slice %arg3[%dma_wait3A_625, %dma_wait3A_630] : memref<50x16384xi32, #tpu.memory_space<hbm>> -> memref<1x512xi32, #tpu.memory_space<hbm>>
        %dma_wait3A_632 = tpu.memref_squeeze %dma_wait3A_631 : memref<1x512xi32, #tpu.memory_space<hbm>> -> memref<512xi32, #tpu.memory_space<hbm>>
        %dma_wait3A_633 = arith.constant 0 : i32
        %dma_wait3A_634 = tpu.memref_slice %arg5[%dma_wait3A_626, %dma_wait3A_633] : memref<2x512xi32, #tpu.memory_space<vmem>> -> memref<1x512xi32, #tpu.memory_space<vmem>>
        %dma_wait3A_635 = tpu.memref_squeeze %dma_wait3A_634 : memref<1x512xi32, #tpu.memory_space<vmem>> -> memref<512xi32, #tpu.memory_space<vmem>>
        %dma_wait3A_636 = arith.constant 0 : i32
        %dma_wait3A_637 = tpu.memref_slice %arg3[%dma_wait3A_625, %dma_wait3A_636] : memref<50x16384xi32, #tpu.memory_space<hbm>> -> memref<1x512xi32, #tpu.memory_space<hbm>>
        %dma_wait3A_638 = tpu.memref_squeeze %dma_wait3A_637 : memref<1x512xi32, #tpu.memory_space<hbm>> -> memref<512xi32, #tpu.memory_space<hbm>>
        tpu.wait_dma2 semaphore(%arg8 : memref<!tpu.dma_semaphore, #tpu.memory_space<semaphore_mem>>) src(%dma_wait3A_638 : memref<512xi32, #tpu.memory_space<hbm>>) dst(%dma_wait3A_635 : memref<512xi32, #tpu.memory_space<vmem>>)
        %dma_start3A_639 = arith.constant 0 : i32
        %dma_start3A_640 = arith.constant 0 : i32
        %dma_start3A_641 = arith.constant 0 : i32
        %dma_start3A_642 = arith.constant 0 : i32
        %dma_start3A_643 = tpu.memref_slice %arg6[%dma_start3A_640, %dma_start3A_641, %dma_start3A_642] : memref<2x512x32xf32, #tpu.memory_space<vmem>> -> memref<1x128x32xf32, #tpu.memory_space<vmem>>
        %dma_start3A_644 = tpu.memref_squeeze %dma_start3A_643 : memref<1x128x32xf32, #tpu.memory_space<vmem>> -> memref<128x32xf32, #tpu.memory_space<vmem>>
        %dma_start3A_645 = arith.constant 0 : i32
        %dma_start3A_646 = tpu.memref_slice %arg5[%dma_start3A_639, %dma_start3A_645] : memref<2x512xi32, #tpu.memory_space<vmem>> -> memref<1x128xi32, #tpu.memory_space<vmem>>
        %dma_start3A_647 = tpu.memref_squeeze %dma_start3A_646 : memref<1x128xi32, #tpu.memory_space<vmem>> -> memref<128xi32, #tpu.memory_space<vmem>>
        %dma_start3A_648 = arith.constant 0 : i32
        %dma_start3A_649 = arith.constant 0 : i32
        %dma_start3A_650 = tpu.memref_slice %arg2[%dma_start3A_648, %dma_start3A_649] : memref<4000000x32xf32, #tpu.memory_space<hbm>> -> memref<4000000x32xf32, #tpu.memory_space<hbm>>
        tpu.enqueue_indirect_dma source(%dma_start3A_650 : memref<4000000x32xf32, #tpu.memory_space<hbm>>) target(%dma_start3A_644 : memref<128x32xf32, #tpu.memory_space<vmem>>) offsets(%dma_start3A_647 : memref<128xi32, #tpu.memory_space<vmem>>) semaphore(%arg10 : memref<!tpu.dma_semaphore, #tpu.memory_space<semaphore_mem>>)
        %dma_start3A_651 = arith.constant 0 : i32
        %dma_start3A_652 = arith.constant 0 : i32
        %dma_start3A_653 = arith.constant 128 : i32
        %dma_start3A_654 = arith.constant 0 : i32
        %dma_start3A_655 = tpu.memref_slice %arg6[%dma_start3A_652, %dma_start3A_653, %dma_start3A_654] : memref<2x512x32xf32, #tpu.memory_space<vmem>> -> memref<1x128x32xf32, #tpu.memory_space<vmem>>
        %dma_start3A_656 = tpu.memref_squeeze %dma_start3A_655 : memref<1x128x32xf32, #tpu.memory_space<vmem>> -> memref<128x32xf32, #tpu.memory_space<vmem>>
        %dma_start3A_657 = arith.constant 128 : i32
        %dma_start3A_658 = tpu.memref_slice %arg5[%dma_start3A_651, %dma_start3A_657] : memref<2x512xi32, #tpu.memory_space<vmem>> -> memref<1x128xi32, #tpu.memory_space<vmem>>
        %dma_start3A_659 = tpu.memref_squeeze %dma_start3A_658 : memref<1x128xi32, #tpu.memory_space<vmem>> -> memref<128xi32, #tpu.memory_space<vmem>>
        %dma_start3A_660 = arith.constant 0 : i32
        %dma_start3A_661 = arith.constant 0 : i32
        %dma_start3A_662 = tpu.memref_slice %arg2[%dma_start3A_660, %dma_start3A_661] : memref<4000000x32xf32, #tpu.memory_space<hbm>> -> memref<4000000x32xf32, #tpu.memory_space<hbm>>
        tpu.enqueue_indirect_dma source(%dma_start3A_662 : memref<4000000x32xf32, #tpu.memory_space<hbm>>) target(%dma_start3A_656 : memref<128x32xf32, #tpu.memory_space<vmem>>) offsets(%dma_start3A_659 : memref<128xi32, #tpu.memory_space<vmem>>) semaphore(%arg10 : memref<!tpu.dma_semaphore, #tpu.memory_space<semaphore_mem>>)
        %dma_start3A_663 = arith.constant 0 : i32
        %dma_start3A_664 = arith.constant 0 : i32
        %dma_start3A_665 = arith.constant 256 : i32
        %dma_start3A_666 = arith.constant 0 : i32
        %dma_start3A_667 = tpu.memref_slice %arg6[%dma_start3A_664, %dma_start3A_665, %dma_start3A_666] : memref<2x512x32xf32, #tpu.memory_space<vmem>> -> memref<1x128x32xf32, #tpu.memory_space<vmem>>
        %dma_start3A_668 = tpu.memref_squeeze %dma_start3A_667 : memref<1x128x32xf32, #tpu.memory_space<vmem>> -> memref<128x32xf32, #tpu.memory_space<vmem>>
        %dma_start3A_669 = arith.constant 256 : i32
        %dma_start3A_670 = tpu.memref_slice %arg5[%dma_start3A_663, %dma_start3A_669] : memref<2x512xi32, #tpu.memory_space<vmem>> -> memref<1x128xi32, #tpu.memory_space<vmem>>
        %dma_start3A_671 = tpu.memref_squeeze %dma_start3A_670 : memref<1x128xi32, #tpu.memory_space<vmem>> -> memref<128xi32, #tpu.memory_space<vmem>>
        %dma_start3A_672 = arith.constant 0 : i32
        %dma_start3A_673 = arith.constant 0 : i32
        %dma_start3A_674 = tpu.memref_slice %arg2[%dma_start3A_672, %dma_start3A_673] : memref<4000000x32xf32, #tpu.memory_space<hbm>> -> memref<4000000x32xf32, #tpu.memory_space<hbm>>
        tpu.enqueue_indirect_dma source(%dma_start3A_674 : memref<4000000x32xf32, #tpu.memory_space<hbm>>) target(%dma_start3A_668 : memref<128x32xf32, #tpu.memory_space<vmem>>) offsets(%dma_start3A_671 : memref<128xi32, #tpu.memory_space<vmem>>) semaphore(%arg10 : memref<!tpu.dma_semaphore, #tpu.memory_space<semaphore_mem>>)
        %dma_start3A_675 = arith.constant 0 : i32
        %dma_start3A_676 = arith.constant 0 : i32
        %dma_start3A_677 = arith.constant 384 : i32
        %dma_start3A_678 = arith.constant 0 : i32
        %dma_start3A_679 = tpu.memref_slice %arg6[%dma_start3A_676, %dma_start3A_677, %dma_start3A_678] : memref<2x512x32xf32, #tpu.memory_space<vmem>> -> memref<1x128x32xf32, #tpu.memory_space<vmem>>
        %dma_start3A_680 = tpu.memref_squeeze %dma_start3A_679 : memref<1x128x32xf32, #tpu.memory_space<vmem>> -> memref<128x32xf32, #tpu.memory_space<vmem>>
        %dma_start3A_681 = arith.constant 384 : i32
        %dma_start3A_682 = tpu.memref_slice %arg5[%dma_start3A_675, %dma_start3A_681] : memref<2x512xi32, #tpu.memory_space<vmem>> -> memref<1x128xi32, #tpu.memory_space<vmem>>
        %dma_start3A_683 = tpu.memref_squeeze %dma_start3A_682 : memref<1x128xi32, #tpu.memory_space<vmem>> -> memref<128xi32, #tpu.memory_space<vmem>>
        %dma_start3A_684 = arith.constant 0 : i32
        %dma_start3A_685 = arith.constant 0 : i32
        %dma_start3A_686 = tpu.memref_slice %arg2[%dma_start3A_684, %dma_start3A_685] : memref<4000000x32xf32, #tpu.memory_space<hbm>> -> memref<4000000x32xf32, #tpu.memory_space<hbm>>
        tpu.enqueue_indirect_dma source(%dma_start3A_686 : memref<4000000x32xf32, #tpu.memory_space<hbm>>) target(%dma_start3A_680 : memref<128x32xf32, #tpu.memory_space<vmem>>) offsets(%dma_start3A_683 : memref<128xi32, #tpu.memory_space<vmem>>) semaphore(%arg10 : memref<!tpu.dma_semaphore, #tpu.memory_space<semaphore_mem>>)
      } else {
      }
      %dma_wait3A_456 = arith.constant 1 : i32
      %dma_wait3A_457 = arith.constant 0 : i32
      %dma_wait3A_458 = arith.constant 0 : i32
      %dma_wait3A_459 = tpu.memref_slice %arg6[%dma_wait3A_456, %dma_wait3A_457, %dma_wait3A_458] : memref<2x512x32xf32, #tpu.memory_space<vmem>> -> memref<1x512x32xf32, #tpu.memory_space<vmem>>
      %dma_wait3A_460 = tpu.memref_squeeze %dma_wait3A_459 : memref<1x512x32xf32, #tpu.memory_space<vmem>> -> memref<512x32xf32, #tpu.memory_space<vmem>>
      %dma_wait3A_461 = arith.constant 0 : i32
      %dma_wait3A_462 = arith.constant 0 : i32
      %dma_wait3A_463 = tpu.memref_slice %arg2[%dma_wait3A_461, %dma_wait3A_462] : memref<4000000x32xf32, #tpu.memory_space<hbm>> -> memref<512x32xf32, #tpu.memory_space<hbm>>
      %dma_wait3A_464 = arith.constant 0 : i32
      %dma_wait3A_465 = arith.constant 0 : i32
      %dma_wait3A_466 = tpu.memref_slice %arg6[%dma_wait3A_456, %dma_wait3A_464, %dma_wait3A_465] : memref<2x512x32xf32, #tpu.memory_space<vmem>> -> memref<1x512x32xf32, #tpu.memory_space<vmem>>
      %dma_wait3A_467 = tpu.memref_squeeze %dma_wait3A_466 : memref<1x512x32xf32, #tpu.memory_space<vmem>> -> memref<512x32xf32, #tpu.memory_space<vmem>>
      %dma_wait3A_468 = arith.constant 0 : i32
      %dma_wait3A_469 = arith.constant 0 : i32
      %dma_wait3A_470 = tpu.memref_slice %arg2[%dma_wait3A_468, %dma_wait3A_469] : memref<4000000x32xf32, #tpu.memory_space<hbm>> -> memref<512x32xf32, #tpu.memory_space<hbm>>
      tpu.wait_dma2 semaphore(%arg11 : memref<!tpu.dma_semaphore, #tpu.memory_space<semaphore_mem>>) src(%dma_wait3A_470 : memref<512x32xf32, #tpu.memory_space<hbm>>) dst(%dma_wait3A_467 : memref<512x32xf32, #tpu.memory_space<vmem>>)
      %gt3A_471 = arith.constant 0 : i32
      %gt3A_472 = arith.cmpi sgt, %scan3A_220, %gt3A_471 : i32
      %convert_element_type3A_473 = arith.extui %gt3A_472 : i1 to i32
      %cond3A_474 = arith.constant 0 : i32
      %cond3A_475 = arith.cmpi ne, %convert_element_type3A_473, %cond3A_474 : i32
      scf.if %cond3A_475 {
        %dma_wait3A_625 = arith.constant 1 : i32
        %dma_wait3A_626 = arith.constant 0 : i32
        %dma_wait3A_627 = tpu.memref_slice %arg7[%dma_wait3A_625, %dma_wait3A_626] : memref<2x16384xf32, #tpu.memory_space<vmem>> -> memref<1x4096xf32, #tpu.memory_space<vmem>>
        %dma_wait3A_628 = tpu.memref_squeeze %dma_wait3A_627 : memref<1x4096xf32, #tpu.memory_space<vmem>> -> memref<4096xf32, #tpu.memory_space<vmem>>
        %dma_wait3A_629 = arith.constant 0 : i32
        %dma_wait3A_630 = tpu.memref_slice %arg4[%dma_wait3A_629] : memref<26214400xf32, #tpu.memory_space<hbm>> -> memref<4096xf32, #tpu.memory_space<hbm>>
        %dma_wait3A_631 = arith.constant 0 : i32
        %dma_wait3A_632 = tpu.memref_slice %arg4[%dma_wait3A_631] : memref<26214400xf32, #tpu.memory_space<hbm>> -> memref<4096xf32, #tpu.memory_space<hbm>>
        %dma_wait3A_633 = arith.constant 0 : i32
        %dma_wait3A_634 = tpu.memref_slice %arg7[%dma_wait3A_625, %dma_wait3A_633] : memref<2x16384xf32, #tpu.memory_space<vmem>> -> memref<1x4096xf32, #tpu.memory_space<vmem>>
        %dma_wait3A_635 = tpu.memref_squeeze %dma_wait3A_634 : memref<1x4096xf32, #tpu.memory_space<vmem>> -> memref<4096xf32, #tpu.memory_space<vmem>>
        tpu.wait_dma2 semaphore(%arg13 : memref<!tpu.dma_semaphore, #tpu.memory_space<semaphore_mem>>) src(%dma_wait3A_635 : memref<4096xf32, #tpu.memory_space<vmem>>) dst(%dma_wait3A_632 : memref<4096xf32, #tpu.memory_space<hbm>>)
        %dma_wait3A_636 = arith.constant 1 : i32
        %dma_wait3A_637 = arith.constant 0 : i32
        %dma_wait3A_638 = tpu.memref_slice %arg7[%dma_wait3A_636, %dma_wait3A_637] : memref<2x16384xf32, #tpu.memory_space<vmem>> -> memref<1x4096xf32, #tpu.memory_space<vmem>>
        %dma_wait3A_639 = tpu.memref_squeeze %dma_wait3A_638 : memref<1x4096xf32, #tpu.memory_space<vmem>> -> memref<4096xf32, #tpu.memory_space<vmem>>
        %dma_wait3A_640 = arith.constant 0 : i32
        %dma_wait3A_641 = tpu.memref_slice %arg4[%dma_wait3A_640] : memref<26214400xf32, #tpu.memory_space<hbm>> -> memref<4096xf32, #tpu.memory_space<hbm>>
        %dma_wait3A_642 = arith.constant 0 : i32
        %dma_wait3A_643 = tpu.memref_slice %arg4[%dma_wait3A_642] : memref<26214400xf32, #tpu.memory_space<hbm>> -> memref<4096xf32, #tpu.memory_space<hbm>>
        %dma_wait3A_644 = arith.constant 0 : i32
        %dma_wait3A_645 = tpu.memref_slice %arg7[%dma_wait3A_636, %dma_wait3A_644] : memref<2x16384xf32, #tpu.memory_space<vmem>> -> memref<1x4096xf32, #tpu.memory_space<vmem>>
        %dma_wait3A_646 = tpu.memref_squeeze %dma_wait3A_645 : memref<1x4096xf32, #tpu.memory_space<vmem>> -> memref<4096xf32, #tpu.memory_space<vmem>>
        tpu.wait_dma2 semaphore(%arg13 : memref<!tpu.dma_semaphore, #tpu.memory_space<semaphore_mem>>) src(%dma_wait3A_646 : memref<4096xf32, #tpu.memory_space<vmem>>) dst(%dma_wait3A_643 : memref<4096xf32, #tpu.memory_space<hbm>>)
        %dma_wait3A_647 = arith.constant 1 : i32
        %dma_wait3A_648 = arith.constant 0 : i32
        %dma_wait3A_649 = tpu.memref_slice %arg7[%dma_wait3A_647, %dma_wait3A_648] : memref<2x16384xf32, #tpu.memory_space<vmem>> -> memref<1x4096xf32, #tpu.memory_space<vmem>>
        %dma_wait3A_650 = tpu.memref_squeeze %dma_wait3A_649 : memref<1x4096xf32, #tpu.memory_space<vmem>> -> memref<4096xf32, #tpu.memory_space<vmem>>
        %dma_wait3A_651 = arith.constant 0 : i32
        %dma_wait3A_652 = tpu.memref_slice %arg4[%dma_wait3A_651] : memref<26214400xf32, #tpu.memory_space<hbm>> -> memref<4096xf32, #tpu.memory_space<hbm>>
        %dma_wait3A_653 = arith.constant 0 : i32
        %dma_wait3A_654 = tpu.memref_slice %arg4[%dma_wait3A_653] : memref<26214400xf32, #tpu.memory_space<hbm>> -> memref<4096xf32, #tpu.memory_space<hbm>>
        %dma_wait3A_655 = arith.constant 0 : i32
        %dma_wait3A_656 = tpu.memref_slice %arg7[%dma_wait3A_647, %dma_wait3A_655] : memref<2x16384xf32, #tpu.memory_space<vmem>> -> memref<1x4096xf32, #tpu.memory_space<vmem>>
        %dma_wait3A_657 = tpu.memref_squeeze %dma_wait3A_656 : memref<1x4096xf32, #tpu.memory_space<vmem>> -> memref<4096xf32, #tpu.memory_space<vmem>>
        tpu.wait_dma2 semaphore(%arg13 : memref<!tpu.dma_semaphore, #tpu.memory_space<semaphore_mem>>) src(%dma_wait3A_657 : memref<4096xf32, #tpu.memory_space<vmem>>) dst(%dma_wait3A_654 : memref<4096xf32, #tpu.memory_space<hbm>>)
        %dma_wait3A_658 = arith.constant 1 : i32
        %dma_wait3A_659 = arith.constant 0 : i32
        %dma_wait3A_660 = tpu.memref_slice %arg7[%dma_wait3A_658, %dma_wait3A_659] : memref<2x16384xf32, #tpu.memory_space<vmem>> -> memref<1x4096xf32, #tpu.memory_space<vmem>>
        %dma_wait3A_661 = tpu.memref_squeeze %dma_wait3A_660 : memref<1x4096xf32, #tpu.memory_space<vmem>> -> memref<4096xf32, #tpu.memory_space<vmem>>
        %dma_wait3A_662 = arith.constant 0 : i32
        %dma_wait3A_663 = tpu.memref_slice %arg4[%dma_wait3A_662] : memref<26214400xf32, #tpu.memory_space<hbm>> -> memref<4096xf32, #tpu.memory_space<hbm>>
        %dma_wait3A_664 = arith.constant 0 : i32
        %dma_wait3A_665 = tpu.memref_slice %arg4[%dma_wait3A_664] : memref<26214400xf32, #tpu.memory_space<hbm>> -> memref<4096xf32, #tpu.memory_space<hbm>>
        %dma_wait3A_666 = arith.constant 0 : i32
        %dma_wait3A_667 = tpu.memref_slice %arg7[%dma_wait3A_658, %dma_wait3A_666] : memref<2x16384xf32, #tpu.memory_space<vmem>> -> memref<1x4096xf32, #tpu.memory_space<vmem>>
        %dma_wait3A_668 = tpu.memref_squeeze %dma_wait3A_667 : memref<1x4096xf32, #tpu.memory_space<vmem>> -> memref<4096xf32, #tpu.memory_space<vmem>>
        tpu.wait_dma2 semaphore(%arg13 : memref<!tpu.dma_semaphore, #tpu.memory_space<semaphore_mem>>) src(%dma_wait3A_668 : memref<4096xf32, #tpu.memory_space<vmem>>) dst(%dma_wait3A_665 : memref<4096xf32, #tpu.memory_space<hbm>>)
      } else {
      }
      %add3A_476 = arith.constant 0 : i32
      %add3A_477 = vector.broadcast %add3A_476 : i32 to vector<16xi32>
      %add3A_478 = arith.addi %add3A_17, %add3A_477 : vector<16xi32>
      %add3A_479 = arith.constant 0 : i32
      %add3A_480 = vector.broadcast %add3A_479 : i32 to vector<16xi32>
      %add3A_481 = arith.addi %add3A_30, %add3A_480 : vector<16xi32>
      %scan3A_482 = arith.constant 0 : i32
      %scan3A_483 = arith.constant 32 : i32
      %scan3A_484 = arith.addi %scan3A_482, %scan3A_483 : i32
      %scan3A_485 = arith.constant 1 : i32
      %scan3A_486:2 = scf.for %scan3A_625 = %scan3A_482 to %scan3A_484 step %scan3A_485 iter_args(%scan3A_626 = %add3A_478, %scan3A_627 = %add3A_481) -> (vector<16xi32>, vector<16xi32>)  : i32 {
        %mul3A_628 = arith.constant 4 : i32
        %mul3A_629 = arith.muli %mul3A_628, %scan3A_625 : i32
        %add3A_630 = arith.constant 0 : i32
        %add3A_631 = arith.addi %add3A_630, %mul3A_629 : i32
        %add3A_632 = arith.constant 0 : i32
        %add3A_633 = arith.addi %add3A_631, %add3A_632 : i32
        %get3A = arith.constant 1 : i32
        %get3A_634 = arith.index_cast %get3A : i32 to index
        %get3A_635 = arith.index_cast %add3A_633 : i32 to index
        %get3A_636 = arith.constant 0 : index
        %get3A_637 = tpu.vector_load %arg6[%get3A_634, %get3A_635, %get3A_636] {strides = array<i32>} : memref<2x512x32xf32, #tpu.memory_space<vmem>>, vector<16xf32>,
        %scatter3A = arith.constant 1 : i32
        %scatter3A_638 = arith.constant 0 : i32
        %scatter3A_639 = tpu.memref_slice %arg7[%scatter3A, %scatter3A_638] : memref<2x16384xf32, #tpu.memory_space<vmem>> -> memref<1x16384xf32, #tpu.memory_space<vmem>>
        %scatter3A_640 = tpu.memref_squeeze %scatter3A_639 : memref<1x16384xf32, #tpu.memory_space<vmem>> -> memref<16384xf32, #tpu.memory_space<vmem>>
        tpu.vector_store_idx %scatter3A_640[%scan3A_626], %get3A_637 : memref<16384xf32, #tpu.memory_space<vmem>>[vector<16xi32>], vector<16xf32>,
        %add3A_641 = arith.constant 1 : i32
        %add3A_642 = vector.broadcast %add3A_641 : i32 to vector<16xi32>
        %add3A_643 = arith.addi %scan3A_626, %add3A_642 : vector<16xi32>
        %get3A_644 = arith.constant 1 : i32
        %get3A_645 = arith.index_cast %get3A_644 : i32 to index
        %get3A_646 = arith.index_cast %add3A_633 : i32 to index
        %get3A_647 = arith.constant 16 : index
        %get3A_648 = tpu.vector_load %arg6[%get3A_645, %get3A_646, %get3A_647] {strides = array<i32>} : memref<2x512x32xf32, #tpu.memory_space<vmem>>, vector<16xf32>,
        %scatter3A_649 = arith.constant 1 : i32
        %scatter3A_650 = arith.constant 0 : i32
        %scatter3A_651 = tpu.memref_slice %arg7[%scatter3A_649, %scatter3A_650] : memref<2x16384xf32, #tpu.memory_space<vmem>> -> memref<1x16384xf32, #tpu.memory_space<vmem>>
        %scatter3A_652 = tpu.memref_squeeze %scatter3A_651 : memref<1x16384xf32, #tpu.memory_space<vmem>> -> memref<16384xf32, #tpu.memory_space<vmem>>
        tpu.vector_store_idx %scatter3A_652[%scan3A_627], %get3A_648 : memref<16384xf32, #tpu.memory_space<vmem>>[vector<16xi32>], vector<16xf32>,
        %add3A_653 = arith.constant 1 : i32
        %add3A_654 = vector.broadcast %add3A_653 : i32 to vector<16xi32>
        %add3A_655 = arith.addi %scan3A_627, %add3A_654 : vector<16xi32>
        %mul3A_656 = arith.constant 4 : i32
        %mul3A_657 = arith.muli %mul3A_656, %scan3A_625 : i32
        %add3A_658 = arith.constant 0 : i32
        %add3A_659 = arith.addi %add3A_658, %mul3A_657 : i32
        %add3A_660 = arith.constant 1 : i32
        %add3A_661 = arith.addi %add3A_659, %add3A_660 : i32
        %get3A_662 = arith.constant 1 : i32
        %get3A_663 = arith.index_cast %get3A_662 : i32 to index
        %get3A_664 = arith.index_cast %add3A_661 : i32 to index
        %get3A_665 = arith.constant 0 : index
        %get3A_666 = tpu.vector_load %arg6[%get3A_663, %get3A_664, %get3A_665] {strides = array<i32>} : memref<2x512x32xf32, #tpu.memory_space<vmem>>, vector<16xf32>,
        %scatter3A_667 = arith.constant 1 : i32
        %scatter3A_668 = arith.constant 0 : i32
        %scatter3A_669 = tpu.memref_slice %arg7[%scatter3A_667, %scatter3A_668] : memref<2x16384xf32, #tpu.memory_space<vmem>> -> memref<1x16384xf32, #tpu.memory_space<vmem>>
        %scatter3A_670 = tpu.memref_squeeze %scatter3A_669 : memref<1x16384xf32, #tpu.memory_space<vmem>> -> memref<16384xf32, #tpu.memory_space<vmem>>
        tpu.vector_store_idx %scatter3A_670[%add3A_643], %get3A_666 : memref<16384xf32, #tpu.memory_space<vmem>>[vector<16xi32>], vector<16xf32>,
        %add3A_671 = arith.constant 1 : i32
        %add3A_672 = vector.broadcast %add3A_671 : i32 to vector<16xi32>
        %add3A_673 = arith.addi %add3A_643, %add3A_672 : vector<16xi32>
        %get3A_674 = arith.constant 1 : i32
        %get3A_675 = arith.index_cast %get3A_674 : i32 to index
        %get3A_676 = arith.index_cast %add3A_661 : i32 to index
        %get3A_677 = arith.constant 16 : index
        %get3A_678 = tpu.vector_load %arg6[%get3A_675, %get3A_676, %get3A_677] {strides = array<i32>} : memref<2x512x32xf32, #tpu.memory_space<vmem>>, vector<16xf32>,
        %scatter3A_679 = arith.constant 1 : i32
        %scatter3A_680 = arith.constant 0 : i32
        %scatter3A_681 = tpu.memref_slice %arg7[%scatter3A_679, %scatter3A_680] : memref<2x16384xf32, #tpu.memory_space<vmem>> -> memref<1x16384xf32, #tpu.memory_space<vmem>>
        %scatter3A_682 = tpu.memref_squeeze %scatter3A_681 : memref<1x16384xf32, #tpu.memory_space<vmem>> -> memref<16384xf32, #tpu.memory_space<vmem>>
        tpu.vector_store_idx %scatter3A_682[%add3A_655], %get3A_678 : memref<16384xf32, #tpu.memory_space<vmem>>[vector<16xi32>], vector<16xf32>,
        %add3A_683 = arith.constant 1 : i32
        %add3A_684 = vector.broadcast %add3A_683 : i32 to vector<16xi32>
        %add3A_685 = arith.addi %add3A_655, %add3A_684 : vector<16xi32>
        %mul3A_686 = arith.constant 4 : i32
        %mul3A_687 = arith.muli %mul3A_686, %scan3A_625 : i32
        %add3A_688 = arith.constant 0 : i32
        %add3A_689 = arith.addi %add3A_688, %mul3A_687 : i32
        %add3A_690 = arith.constant 2 : i32
        %add3A_691 = arith.addi %add3A_689, %add3A_690 : i32
        %get3A_692 = arith.constant 1 : i32
        %get3A_693 = arith.index_cast %get3A_692 : i32 to index
        %get3A_694 = arith.index_cast %add3A_691 : i32 to index
        %get3A_695 = arith.constant 0 : index
        %get3A_696 = tpu.vector_load %arg6[%get3A_693, %get3A_694, %get3A_695] {strides = array<i32>} : memref<2x512x32xf32, #tpu.memory_space<vmem>>, vector<16xf32>,
        %scatter3A_697 = arith.constant 1 : i32
        %scatter3A_698 = arith.constant 0 : i32
        %scatter3A_699 = tpu.memref_slice %arg7[%scatter3A_697, %scatter3A_698] : memref<2x16384xf32, #tpu.memory_space<vmem>> -> memref<1x16384xf32, #tpu.memory_space<vmem>>
        %scatter3A_700 = tpu.memref_squeeze %scatter3A_699 : memref<1x16384xf32, #tpu.memory_space<vmem>> -> memref<16384xf32, #tpu.memory_space<vmem>>
        tpu.vector_store_idx %scatter3A_700[%add3A_673], %get3A_696 : memref<16384xf32, #tpu.memory_space<vmem>>[vector<16xi32>], vector<16xf32>,
        %add3A_701 = arith.constant 1 : i32
        %add3A_702 = vector.broadcast %add3A_701 : i32 to vector<16xi32>
        %add3A_703 = arith.addi %add3A_673, %add3A_702 : vector<16xi32>
        %get3A_704 = arith.constant 1 : i32
        %get3A_705 = arith.index_cast %get3A_704 : i32 to index
        %get3A_706 = arith.index_cast %add3A_691 : i32 to index
        %get3A_707 = arith.constant 16 : index
        %get3A_708 = tpu.vector_load %arg6[%get3A_705, %get3A_706, %get3A_707] {strides = array<i32>} : memref<2x512x32xf32, #tpu.memory_space<vmem>>, vector<16xf32>,
        %scatter3A_709 = arith.constant 1 : i32
        %scatter3A_710 = arith.constant 0 : i32
        %scatter3A_711 = tpu.memref_slice %arg7[%scatter3A_709, %scatter3A_710] : memref<2x16384xf32, #tpu.memory_space<vmem>> -> memref<1x16384xf32, #tpu.memory_space<vmem>>
        %scatter3A_712 = tpu.memref_squeeze %scatter3A_711 : memref<1x16384xf32, #tpu.memory_space<vmem>> -> memref<16384xf32, #tpu.memory_space<vmem>>
        tpu.vector_store_idx %scatter3A_712[%add3A_685], %get3A_708 : memref<16384xf32, #tpu.memory_space<vmem>>[vector<16xi32>], vector<16xf32>,
        %add3A_713 = arith.constant 1 : i32
        %add3A_714 = vector.broadcast %add3A_713 : i32 to vector<16xi32>
        %add3A_715 = arith.addi %add3A_685, %add3A_714 : vector<16xi32>
        %mul3A_716 = arith.constant 4 : i32
        %mul3A_717 = arith.muli %mul3A_716, %scan3A_625 : i32
        %add3A_718 = arith.constant 0 : i32
        %add3A_719 = arith.addi %add3A_718, %mul3A_717 : i32
        %add3A_720 = arith.constant 3 : i32
        %add3A_721 = arith.addi %add3A_719, %add3A_720 : i32
        %get3A_722 = arith.constant 1 : i32
        %get3A_723 = arith.index_cast %get3A_722 : i32 to index
        %get3A_724 = arith.index_cast %add3A_721 : i32 to index
        %get3A_725 = arith.constant 0 : index
        %get3A_726 = tpu.vector_load %arg6[%get3A_723, %get3A_724, %get3A_725] {strides = array<i32>} : memref<2x512x32xf32, #tpu.memory_space<vmem>>, vector<16xf32>,
        %scatter3A_727 = arith.constant 1 : i32
        %scatter3A_728 = arith.constant 0 : i32
        %scatter3A_729 = tpu.memref_slice %arg7[%scatter3A_727, %scatter3A_728] : memref<2x16384xf32, #tpu.memory_space<vmem>> -> memref<1x16384xf32, #tpu.memory_space<vmem>>
        %scatter3A_730 = tpu.memref_squeeze %scatter3A_729 : memref<1x16384xf32, #tpu.memory_space<vmem>> -> memref<16384xf32, #tpu.memory_space<vmem>>
        tpu.vector_store_idx %scatter3A_730[%add3A_703], %get3A_726 : memref<16384xf32, #tpu.memory_space<vmem>>[vector<16xi32>], vector<16xf32>,
        %add3A_731 = arith.constant 1 : i32
        %add3A_732 = vector.broadcast %add3A_731 : i32 to vector<16xi32>
        %add3A_733 = arith.addi %add3A_703, %add3A_732 : vector<16xi32>
        %get3A_734 = arith.constant 1 : i32
        %get3A_735 = arith.index_cast %get3A_734 : i32 to index
        %get3A_736 = arith.index_cast %add3A_721 : i32 to index
        %get3A_737 = arith.constant 16 : index
        %get3A_738 = tpu.vector_load %arg6[%get3A_735, %get3A_736, %get3A_737] {strides = array<i32>} : memref<2x512x32xf32, #tpu.memory_space<vmem>>, vector<16xf32>,
        %scatter3A_739 = arith.constant 1 : i32
        %scatter3A_740 = arith.constant 0 : i32
        %scatter3A_741 = tpu.memref_slice %arg7[%scatter3A_739, %scatter3A_740] : memref<2x16384xf32, #tpu.memory_space<vmem>> -> memref<1x16384xf32, #tpu.memory_space<vmem>>
        %scatter3A_742 = tpu.memref_squeeze %scatter3A_741 : memref<1x16384xf32, #tpu.memory_space<vmem>> -> memref<16384xf32, #tpu.memory_space<vmem>>
        tpu.vector_store_idx %scatter3A_742[%add3A_715], %get3A_738 : memref<16384xf32, #tpu.memory_space<vmem>>[vector<16xi32>], vector<16xf32>,
        %add3A_743 = arith.constant 1 : i32
        %add3A_744 = vector.broadcast %add3A_743 : i32 to vector<16xi32>
        %add3A_745 = arith.addi %add3A_715, %add3A_744 : vector<16xi32>
        scf.yield %add3A_733, %add3A_745 : vector<16xi32>, vector<16xi32>
      }
      %scan3A_487 = arith.constant 32 : i32
      %add3A_488 = arith.constant 1024 : i32
      %add3A_489 = vector.broadcast %add3A_488 : i32 to vector<16xi32>
      %add3A_490 = arith.addi %add3A_17, %add3A_489 : vector<16xi32>
      %add3A_491 = arith.constant 1024 : i32
      %add3A_492 = vector.broadcast %add3A_491 : i32 to vector<16xi32>
      %add3A_493 = arith.addi %add3A_30, %add3A_492 : vector<16xi32>
      %scan3A_494 = arith.constant 0 : i32
      %scan3A_495 = arith.constant 32 : i32
      %scan3A_496 = arith.addi %scan3A_494, %scan3A_495 : i32
      %scan3A_497 = arith.constant 1 : i32
      %scan3A_498:2 = scf.for %scan3A_625 = %scan3A_494 to %scan3A_496 step %scan3A_497 iter_args(%scan3A_626 = %add3A_490, %scan3A_627 = %add3A_493) -> (vector<16xi32>, vector<16xi32>)  : i32 {
        %mul3A_628 = arith.constant 4 : i32
        %mul3A_629 = arith.muli %mul3A_628, %scan3A_625 : i32
        %add3A_630 = arith.constant 128 : i32
        %add3A_631 = arith.addi %add3A_630, %mul3A_629 : i32
        %add3A_632 = arith.constant 0 : i32
        %add3A_633 = arith.addi %add3A_631, %add3A_632 : i32
        %get3A = arith.constant 1 : i32
        %get3A_634 = arith.index_cast %get3A : i32 to index
        %get3A_635 = arith.index_cast %add3A_633 : i32 to index
        %get3A_636 = arith.constant 0 : index
        %get3A_637 = tpu.vector_load %arg6[%get3A_634, %get3A_635, %get3A_636] {strides = array<i32>} : memref<2x512x32xf32, #tpu.memory_space<vmem>>, vector<16xf32>,
        %scatter3A = arith.constant 1 : i32
        %scatter3A_638 = arith.constant 0 : i32
        %scatter3A_639 = tpu.memref_slice %arg7[%scatter3A, %scatter3A_638] : memref<2x16384xf32, #tpu.memory_space<vmem>> -> memref<1x16384xf32, #tpu.memory_space<vmem>>
        %scatter3A_640 = tpu.memref_squeeze %scatter3A_639 : memref<1x16384xf32, #tpu.memory_space<vmem>> -> memref<16384xf32, #tpu.memory_space<vmem>>
        tpu.vector_store_idx %scatter3A_640[%scan3A_626], %get3A_637 : memref<16384xf32, #tpu.memory_space<vmem>>[vector<16xi32>], vector<16xf32>,
        %add3A_641 = arith.constant 1 : i32
        %add3A_642 = vector.broadcast %add3A_641 : i32 to vector<16xi32>
        %add3A_643 = arith.addi %scan3A_626, %add3A_642 : vector<16xi32>
        %get3A_644 = arith.constant 1 : i32
        %get3A_645 = arith.index_cast %get3A_644 : i32 to index
        %get3A_646 = arith.index_cast %add3A_633 : i32 to index
        %get3A_647 = arith.constant 16 : index
        %get3A_648 = tpu.vector_load %arg6[%get3A_645, %get3A_646, %get3A_647] {strides = array<i32>} : memref<2x512x32xf32, #tpu.memory_space<vmem>>, vector<16xf32>,
        %scatter3A_649 = arith.constant 1 : i32
        %scatter3A_650 = arith.constant 0 : i32
        %scatter3A_651 = tpu.memref_slice %arg7[%scatter3A_649, %scatter3A_650] : memref<2x16384xf32, #tpu.memory_space<vmem>> -> memref<1x16384xf32, #tpu.memory_space<vmem>>
        %scatter3A_652 = tpu.memref_squeeze %scatter3A_651 : memref<1x16384xf32, #tpu.memory_space<vmem>> -> memref<16384xf32, #tpu.memory_space<vmem>>
        tpu.vector_store_idx %scatter3A_652[%scan3A_627], %get3A_648 : memref<16384xf32, #tpu.memory_space<vmem>>[vector<16xi32>], vector<16xf32>,
        %add3A_653 = arith.constant 1 : i32
        %add3A_654 = vector.broadcast %add3A_653 : i32 to vector<16xi32>
        %add3A_655 = arith.addi %scan3A_627, %add3A_654 : vector<16xi32>
        %mul3A_656 = arith.constant 4 : i32
        %mul3A_657 = arith.muli %mul3A_656, %scan3A_625 : i32
        %add3A_658 = arith.constant 128 : i32
        %add3A_659 = arith.addi %add3A_658, %mul3A_657 : i32
        %add3A_660 = arith.constant 1 : i32
        %add3A_661 = arith.addi %add3A_659, %add3A_660 : i32
        %get3A_662 = arith.constant 1 : i32
        %get3A_663 = arith.index_cast %get3A_662 : i32 to index
        %get3A_664 = arith.index_cast %add3A_661 : i32 to index
        %get3A_665 = arith.constant 0 : index
        %get3A_666 = tpu.vector_load %arg6[%get3A_663, %get3A_664, %get3A_665] {strides = array<i32>} : memref<2x512x32xf32, #tpu.memory_space<vmem>>, vector<16xf32>,
        %scatter3A_667 = arith.constant 1 : i32
        %scatter3A_668 = arith.constant 0 : i32
        %scatter3A_669 = tpu.memref_slice %arg7[%scatter3A_667, %scatter3A_668] : memref<2x16384xf32, #tpu.memory_space<vmem>> -> memref<1x16384xf32, #tpu.memory_space<vmem>>
        %scatter3A_670 = tpu.memref_squeeze %scatter3A_669 : memref<1x16384xf32, #tpu.memory_space<vmem>> -> memref<16384xf32, #tpu.memory_space<vmem>>
        tpu.vector_store_idx %scatter3A_670[%add3A_643], %get3A_666 : memref<16384xf32, #tpu.memory_space<vmem>>[vector<16xi32>], vector<16xf32>,
        %add3A_671 = arith.constant 1 : i32
        %add3A_672 = vector.broadcast %add3A_671 : i32 to vector<16xi32>
        %add3A_673 = arith.addi %add3A_643, %add3A_672 : vector<16xi32>
        %get3A_674 = arith.constant 1 : i32
        %get3A_675 = arith.index_cast %get3A_674 : i32 to index
        %get3A_676 = arith.index_cast %add3A_661 : i32 to index
        %get3A_677 = arith.constant 16 : index
        %get3A_678 = tpu.vector_load %arg6[%get3A_675, %get3A_676, %get3A_677] {strides = array<i32>} : memref<2x512x32xf32, #tpu.memory_space<vmem>>, vector<16xf32>,
        %scatter3A_679 = arith.constant 1 : i32
        %scatter3A_680 = arith.constant 0 : i32
        %scatter3A_681 = tpu.memref_slice %arg7[%scatter3A_679, %scatter3A_680] : memref<2x16384xf32, #tpu.memory_space<vmem>> -> memref<1x16384xf32, #tpu.memory_space<vmem>>
        %scatter3A_682 = tpu.memref_squeeze %scatter3A_681 : memref<1x16384xf32, #tpu.memory_space<vmem>> -> memref<16384xf32, #tpu.memory_space<vmem>>
        tpu.vector_store_idx %scatter3A_682[%add3A_655], %get3A_678 : memref<16384xf32, #tpu.memory_space<vmem>>[vector<16xi32>], vector<16xf32>,
        %add3A_683 = arith.constant 1 : i32
        %add3A_684 = vector.broadcast %add3A_683 : i32 to vector<16xi32>
        %add3A_685 = arith.addi %add3A_655, %add3A_684 : vector<16xi32>
        %mul3A_686 = arith.constant 4 : i32
        %mul3A_687 = arith.muli %mul3A_686, %scan3A_625 : i32
        %add3A_688 = arith.constant 128 : i32
        %add3A_689 = arith.addi %add3A_688, %mul3A_687 : i32
        %add3A_690 = arith.constant 2 : i32
        %add3A_691 = arith.addi %add3A_689, %add3A_690 : i32
        %get3A_692 = arith.constant 1 : i32
        %get3A_693 = arith.index_cast %get3A_692 : i32 to index
        %get3A_694 = arith.index_cast %add3A_691 : i32 to index
        %get3A_695 = arith.constant 0 : index
        %get3A_696 = tpu.vector_load %arg6[%get3A_693, %get3A_694, %get3A_695] {strides = array<i32>} : memref<2x512x32xf32, #tpu.memory_space<vmem>>, vector<16xf32>,
        %scatter3A_697 = arith.constant 1 : i32
        %scatter3A_698 = arith.constant 0 : i32
        %scatter3A_699 = tpu.memref_slice %arg7[%scatter3A_697, %scatter3A_698] : memref<2x16384xf32, #tpu.memory_space<vmem>> -> memref<1x16384xf32, #tpu.memory_space<vmem>>
        %scatter3A_700 = tpu.memref_squeeze %scatter3A_699 : memref<1x16384xf32, #tpu.memory_space<vmem>> -> memref<16384xf32, #tpu.memory_space<vmem>>
        tpu.vector_store_idx %scatter3A_700[%add3A_673], %get3A_696 : memref<16384xf32, #tpu.memory_space<vmem>>[vector<16xi32>], vector<16xf32>,
        %add3A_701 = arith.constant 1 : i32
        %add3A_702 = vector.broadcast %add3A_701 : i32 to vector<16xi32>
        %add3A_703 = arith.addi %add3A_673, %add3A_702 : vector<16xi32>
        %get3A_704 = arith.constant 1 : i32
        %get3A_705 = arith.index_cast %get3A_704 : i32 to index
        %get3A_706 = arith.index_cast %add3A_691 : i32 to index
        %get3A_707 = arith.constant 16 : index
        %get3A_708 = tpu.vector_load %arg6[%get3A_705, %get3A_706, %get3A_707] {strides = array<i32>} : memref<2x512x32xf32, #tpu.memory_space<vmem>>, vector<16xf32>,
        %scatter3A_709 = arith.constant 1 : i32
        %scatter3A_710 = arith.constant 0 : i32
        %scatter3A_711 = tpu.memref_slice %arg7[%scatter3A_709, %scatter3A_710] : memref<2x16384xf32, #tpu.memory_space<vmem>> -> memref<1x16384xf32, #tpu.memory_space<vmem>>
        %scatter3A_712 = tpu.memref_squeeze %scatter3A_711 : memref<1x16384xf32, #tpu.memory_space<vmem>> -> memref<16384xf32, #tpu.memory_space<vmem>>
        tpu.vector_store_idx %scatter3A_712[%add3A_685], %get3A_708 : memref<16384xf32, #tpu.memory_space<vmem>>[vector<16xi32>], vector<16xf32>,
        %add3A_713 = arith.constant 1 : i32
        %add3A_714 = vector.broadcast %add3A_713 : i32 to vector<16xi32>
        %add3A_715 = arith.addi %add3A_685, %add3A_714 : vector<16xi32>
        %mul3A_716 = arith.constant 4 : i32
        %mul3A_717 = arith.muli %mul3A_716, %scan3A_625 : i32
        %add3A_718 = arith.constant 128 : i32
        %add3A_719 = arith.addi %add3A_718, %mul3A_717 : i32
        %add3A_720 = arith.constant 3 : i32
        %add3A_721 = arith.addi %add3A_719, %add3A_720 : i32
        %get3A_722 = arith.constant 1 : i32
        %get3A_723 = arith.index_cast %get3A_722 : i32 to index
        %get3A_724 = arith.index_cast %add3A_721 : i32 to index
        %get3A_725 = arith.constant 0 : index
        %get3A_726 = tpu.vector_load %arg6[%get3A_723, %get3A_724, %get3A_725] {strides = array<i32>} : memref<2x512x32xf32, #tpu.memory_space<vmem>>, vector<16xf32>,
        %scatter3A_727 = arith.constant 1 : i32
        %scatter3A_728 = arith.constant 0 : i32
        %scatter3A_729 = tpu.memref_slice %arg7[%scatter3A_727, %scatter3A_728] : memref<2x16384xf32, #tpu.memory_space<vmem>> -> memref<1x16384xf32, #tpu.memory_space<vmem>>
        %scatter3A_730 = tpu.memref_squeeze %scatter3A_729 : memref<1x16384xf32, #tpu.memory_space<vmem>> -> memref<16384xf32, #tpu.memory_space<vmem>>
        tpu.vector_store_idx %scatter3A_730[%add3A_703], %get3A_726 : memref<16384xf32, #tpu.memory_space<vmem>>[vector<16xi32>], vector<16xf32>,
        %add3A_731 = arith.constant 1 : i32
        %add3A_732 = vector.broadcast %add3A_731 : i32 to vector<16xi32>
        %add3A_733 = arith.addi %add3A_703, %add3A_732 : vector<16xi32>
        %get3A_734 = arith.constant 1 : i32
        %get3A_735 = arith.index_cast %get3A_734 : i32 to index
        %get3A_736 = arith.index_cast %add3A_721 : i32 to index
        %get3A_737 = arith.constant 16 : index
        %get3A_738 = tpu.vector_load %arg6[%get3A_735, %get3A_736, %get3A_737] {strides = array<i32>} : memref<2x512x32xf32, #tpu.memory_space<vmem>>, vector<16xf32>,
        %scatter3A_739 = arith.constant 1 : i32
        %scatter3A_740 = arith.constant 0 : i32
        %scatter3A_741 = tpu.memref_slice %arg7[%scatter3A_739, %scatter3A_740] : memref<2x16384xf32, #tpu.memory_space<vmem>> -> memref<1x16384xf32, #tpu.memory_space<vmem>>
        %scatter3A_742 = tpu.memref_squeeze %scatter3A_741 : memref<1x16384xf32, #tpu.memory_space<vmem>> -> memref<16384xf32, #tpu.memory_space<vmem>>
        tpu.vector_store_idx %scatter3A_742[%add3A_715], %get3A_738 : memref<16384xf32, #tpu.memory_space<vmem>>[vector<16xi32>], vector<16xf32>,
        %add3A_743 = arith.constant 1 : i32
        %add3A_744 = vector.broadcast %add3A_743 : i32 to vector<16xi32>
        %add3A_745 = arith.addi %add3A_715, %add3A_744 : vector<16xi32>
        scf.yield %add3A_733, %add3A_745 : vector<16xi32>, vector<16xi32>
      }
      %scan3A_499 = arith.constant 32 : i32
      %add3A_500 = arith.constant 2048 : i32
      %add3A_501 = vector.broadcast %add3A_500 : i32 to vector<16xi32>
      %add3A_502 = arith.addi %add3A_17, %add3A_501 : vector<16xi32>
      %add3A_503 = arith.constant 2048 : i32
      %add3A_504 = vector.broadcast %add3A_503 : i32 to vector<16xi32>
      %add3A_505 = arith.addi %add3A_30, %add3A_504 : vector<16xi32>
      %scan3A_506 = arith.constant 0 : i32
      %scan3A_507 = arith.constant 32 : i32
      %scan3A_508 = arith.addi %scan3A_506, %scan3A_507 : i32
      %scan3A_509 = arith.constant 1 : i32
      %scan3A_510:2 = scf.for %scan3A_625 = %scan3A_506 to %scan3A_508 step %scan3A_509 iter_args(%scan3A_626 = %add3A_502, %scan3A_627 = %add3A_505) -> (vector<16xi32>, vector<16xi32>)  : i32 {
        %mul3A_628 = arith.constant 4 : i32
        %mul3A_629 = arith.muli %mul3A_628, %scan3A_625 : i32
        %add3A_630 = arith.constant 256 : i32
        %add3A_631 = arith.addi %add3A_630, %mul3A_629 : i32
        %add3A_632 = arith.constant 0 : i32
        %add3A_633 = arith.addi %add3A_631, %add3A_632 : i32
        %get3A = arith.constant 1 : i32
        %get3A_634 = arith.index_cast %get3A : i32 to index
        %get3A_635 = arith.index_cast %add3A_633 : i32 to index
        %get3A_636 = arith.constant 0 : index
        %get3A_637 = tpu.vector_load %arg6[%get3A_634, %get3A_635, %get3A_636] {strides = array<i32>} : memref<2x512x32xf32, #tpu.memory_space<vmem>>, vector<16xf32>,
        %scatter3A = arith.constant 1 : i32
        %scatter3A_638 = arith.constant 0 : i32
        %scatter3A_639 = tpu.memref_slice %arg7[%scatter3A, %scatter3A_638] : memref<2x16384xf32, #tpu.memory_space<vmem>> -> memref<1x16384xf32, #tpu.memory_space<vmem>>
        %scatter3A_640 = tpu.memref_squeeze %scatter3A_639 : memref<1x16384xf32, #tpu.memory_space<vmem>> -> memref<16384xf32, #tpu.memory_space<vmem>>
        tpu.vector_store_idx %scatter3A_640[%scan3A_626], %get3A_637 : memref<16384xf32, #tpu.memory_space<vmem>>[vector<16xi32>], vector<16xf32>,
        %add3A_641 = arith.constant 1 : i32
        %add3A_642 = vector.broadcast %add3A_641 : i32 to vector<16xi32>
        %add3A_643 = arith.addi %scan3A_626, %add3A_642 : vector<16xi32>
        %get3A_644 = arith.constant 1 : i32
        %get3A_645 = arith.index_cast %get3A_644 : i32 to index
        %get3A_646 = arith.index_cast %add3A_633 : i32 to index
        %get3A_647 = arith.constant 16 : index
        %get3A_648 = tpu.vector_load %arg6[%get3A_645, %get3A_646, %get3A_647] {strides = array<i32>} : memref<2x512x32xf32, #tpu.memory_space<vmem>>, vector<16xf32>,
        %scatter3A_649 = arith.constant 1 : i32
        %scatter3A_650 = arith.constant 0 : i32
        %scatter3A_651 = tpu.memref_slice %arg7[%scatter3A_649, %scatter3A_650] : memref<2x16384xf32, #tpu.memory_space<vmem>> -> memref<1x16384xf32, #tpu.memory_space<vmem>>
        %scatter3A_652 = tpu.memref_squeeze %scatter3A_651 : memref<1x16384xf32, #tpu.memory_space<vmem>> -> memref<16384xf32, #tpu.memory_space<vmem>>
        tpu.vector_store_idx %scatter3A_652[%scan3A_627], %get3A_648 : memref<16384xf32, #tpu.memory_space<vmem>>[vector<16xi32>], vector<16xf32>,
        %add3A_653 = arith.constant 1 : i32
        %add3A_654 = vector.broadcast %add3A_653 : i32 to vector<16xi32>
        %add3A_655 = arith.addi %scan3A_627, %add3A_654 : vector<16xi32>
        %mul3A_656 = arith.constant 4 : i32
        %mul3A_657 = arith.muli %mul3A_656, %scan3A_625 : i32
        %add3A_658 = arith.constant 256 : i32
        %add3A_659 = arith.addi %add3A_658, %mul3A_657 : i32
        %add3A_660 = arith.constant 1 : i32
        %add3A_661 = arith.addi %add3A_659, %add3A_660 : i32
        %get3A_662 = arith.constant 1 : i32
        %get3A_663 = arith.index_cast %get3A_662 : i32 to index
        %get3A_664 = arith.index_cast %add3A_661 : i32 to index
        %get3A_665 = arith.constant 0 : index
        %get3A_666 = tpu.vector_load %arg6[%get3A_663, %get3A_664, %get3A_665] {strides = array<i32>} : memref<2x512x32xf32, #tpu.memory_space<vmem>>, vector<16xf32>,
        %scatter3A_667 = arith.constant 1 : i32
        %scatter3A_668 = arith.constant 0 : i32
        %scatter3A_669 = tpu.memref_slice %arg7[%scatter3A_667, %scatter3A_668] : memref<2x16384xf32, #tpu.memory_space<vmem>> -> memref<1x16384xf32, #tpu.memory_space<vmem>>
        %scatter3A_670 = tpu.memref_squeeze %scatter3A_669 : memref<1x16384xf32, #tpu.memory_space<vmem>> -> memref<16384xf32, #tpu.memory_space<vmem>>
        tpu.vector_store_idx %scatter3A_670[%add3A_643], %get3A_666 : memref<16384xf32, #tpu.memory_space<vmem>>[vector<16xi32>], vector<16xf32>,
        %add3A_671 = arith.constant 1 : i32
        %add3A_672 = vector.broadcast %add3A_671 : i32 to vector<16xi32>
        %add3A_673 = arith.addi %add3A_643, %add3A_672 : vector<16xi32>
        %get3A_674 = arith.constant 1 : i32
        %get3A_675 = arith.index_cast %get3A_674 : i32 to index
        %get3A_676 = arith.index_cast %add3A_661 : i32 to index
        %get3A_677 = arith.constant 16 : index
        %get3A_678 = tpu.vector_load %arg6[%get3A_675, %get3A_676, %get3A_677] {strides = array<i32>} : memref<2x512x32xf32, #tpu.memory_space<vmem>>, vector<16xf32>,
        %scatter3A_679 = arith.constant 1 : i32
        %scatter3A_680 = arith.constant 0 : i32
        %scatter3A_681 = tpu.memref_slice %arg7[%scatter3A_679, %scatter3A_680] : memref<2x16384xf32, #tpu.memory_space<vmem>> -> memref<1x16384xf32, #tpu.memory_space<vmem>>
        %scatter3A_682 = tpu.memref_squeeze %scatter3A_681 : memref<1x16384xf32, #tpu.memory_space<vmem>> -> memref<16384xf32, #tpu.memory_space<vmem>>
        tpu.vector_store_idx %scatter3A_682[%add3A_655], %get3A_678 : memref<16384xf32, #tpu.memory_space<vmem>>[vector<16xi32>], vector<16xf32>,
        %add3A_683 = arith.constant 1 : i32
        %add3A_684 = vector.broadcast %add3A_683 : i32 to vector<16xi32>
        %add3A_685 = arith.addi %add3A_655, %add3A_684 : vector<16xi32>
        %mul3A_686 = arith.constant 4 : i32
        %mul3A_687 = arith.muli %mul3A_686, %scan3A_625 : i32
        %add3A_688 = arith.constant 256 : i32
        %add3A_689 = arith.addi %add3A_688, %mul3A_687 : i32
        %add3A_690 = arith.constant 2 : i32
        %add3A_691 = arith.addi %add3A_689, %add3A_690 : i32
        %get3A_692 = arith.constant 1 : i32
        %get3A_693 = arith.index_cast %get3A_692 : i32 to index
        %get3A_694 = arith.index_cast %add3A_691 : i32 to index
        %get3A_695 = arith.constant 0 : index
        %get3A_696 = tpu.vector_load %arg6[%get3A_693, %get3A_694, %get3A_695] {strides = array<i32>} : memref<2x512x32xf32, #tpu.memory_space<vmem>>, vector<16xf32>,
        %scatter3A_697 = arith.constant 1 : i32
        %scatter3A_698 = arith.constant 0 : i32
        %scatter3A_699 = tpu.memref_slice %arg7[%scatter3A_697, %scatter3A_698] : memref<2x16384xf32, #tpu.memory_space<vmem>> -> memref<1x16384xf32, #tpu.memory_space<vmem>>
        %scatter3A_700 = tpu.memref_squeeze %scatter3A_699 : memref<1x16384xf32, #tpu.memory_space<vmem>> -> memref<16384xf32, #tpu.memory_space<vmem>>
        tpu.vector_store_idx %scatter3A_700[%add3A_673], %get3A_696 : memref<16384xf32, #tpu.memory_space<vmem>>[vector<16xi32>], vector<16xf32>,
        %add3A_701 = arith.constant 1 : i32
        %add3A_702 = vector.broadcast %add3A_701 : i32 to vector<16xi32>
        %add3A_703 = arith.addi %add3A_673, %add3A_702 : vector<16xi32>
        %get3A_704 = arith.constant 1 : i32
        %get3A_705 = arith.index_cast %get3A_704 : i32 to index
        %get3A_706 = arith.index_cast %add3A_691 : i32 to index
        %get3A_707 = arith.constant 16 : index
        %get3A_708 = tpu.vector_load %arg6[%get3A_705, %get3A_706, %get3A_707] {strides = array<i32>} : memref<2x512x32xf32, #tpu.memory_space<vmem>>, vector<16xf32>,
        %scatter3A_709 = arith.constant 1 : i32
        %scatter3A_710 = arith.constant 0 : i32
        %scatter3A_711 = tpu.memref_slice %arg7[%scatter3A_709, %scatter3A_710] : memref<2x16384xf32, #tpu.memory_space<vmem>> -> memref<1x16384xf32, #tpu.memory_space<vmem>>
        %scatter3A_712 = tpu.memref_squeeze %scatter3A_711 : memref<1x16384xf32, #tpu.memory_space<vmem>> -> memref<16384xf32, #tpu.memory_space<vmem>>
        tpu.vector_store_idx %scatter3A_712[%add3A_685], %get3A_708 : memref<16384xf32, #tpu.memory_space<vmem>>[vector<16xi32>], vector<16xf32>,
        %add3A_713 = arith.constant 1 : i32
        %add3A_714 = vector.broadcast %add3A_713 : i32 to vector<16xi32>
        %add3A_715 = arith.addi %add3A_685, %add3A_714 : vector<16xi32>
        %mul3A_716 = arith.constant 4 : i32
        %mul3A_717 = arith.muli %mul3A_716, %scan3A_625 : i32
        %add3A_718 = arith.constant 256 : i32
        %add3A_719 = arith.addi %add3A_718, %mul3A_717 : i32
        %add3A_720 = arith.constant 3 : i32
        %add3A_721 = arith.addi %add3A_719, %add3A_720 : i32
        %get3A_722 = arith.constant 1 : i32
        %get3A_723 = arith.index_cast %get3A_722 : i32 to index
        %get3A_724 = arith.index_cast %add3A_721 : i32 to index
        %get3A_725 = arith.constant 0 : index
        %get3A_726 = tpu.vector_load %arg6[%get3A_723, %get3A_724, %get3A_725] {strides = array<i32>} : memref<2x512x32xf32, #tpu.memory_space<vmem>>, vector<16xf32>,
        %scatter3A_727 = arith.constant 1 : i32
        %scatter3A_728 = arith.constant 0 : i32
        %scatter3A_729 = tpu.memref_slice %arg7[%scatter3A_727, %scatter3A_728] : memref<2x16384xf32, #tpu.memory_space<vmem>> -> memref<1x16384xf32, #tpu.memory_space<vmem>>
        %scatter3A_730 = tpu.memref_squeeze %scatter3A_729 : memref<1x16384xf32, #tpu.memory_space<vmem>> -> memref<16384xf32, #tpu.memory_space<vmem>>
        tpu.vector_store_idx %scatter3A_730[%add3A_703], %get3A_726 : memref<16384xf32, #tpu.memory_space<vmem>>[vector<16xi32>], vector<16xf32>,
        %add3A_731 = arith.constant 1 : i32
        %add3A_732 = vector.broadcast %add3A_731 : i32 to vector<16xi32>
        %add3A_733 = arith.addi %add3A_703, %add3A_732 : vector<16xi32>
        %get3A_734 = arith.constant 1 : i32
        %get3A_735 = arith.index_cast %get3A_734 : i32 to index
        %get3A_736 = arith.index_cast %add3A_721 : i32 to index
        %get3A_737 = arith.constant 16 : index
        %get3A_738 = tpu.vector_load %arg6[%get3A_735, %get3A_736, %get3A_737] {strides = array<i32>} : memref<2x512x32xf32, #tpu.memory_space<vmem>>, vector<16xf32>,
        %scatter3A_739 = arith.constant 1 : i32
        %scatter3A_740 = arith.constant 0 : i32
        %scatter3A_741 = tpu.memref_slice %arg7[%scatter3A_739, %scatter3A_740] : memref<2x16384xf32, #tpu.memory_space<vmem>> -> memref<1x16384xf32, #tpu.memory_space<vmem>>
        %scatter3A_742 = tpu.memref_squeeze %scatter3A_741 : memref<1x16384xf32, #tpu.memory_space<vmem>> -> memref<16384xf32, #tpu.memory_space<vmem>>
        tpu.vector_store_idx %scatter3A_742[%add3A_715], %get3A_738 : memref<16384xf32, #tpu.memory_space<vmem>>[vector<16xi32>], vector<16xf32>,
        %add3A_743 = arith.constant 1 : i32
        %add3A_744 = vector.broadcast %add3A_743 : i32 to vector<16xi32>
        %add3A_745 = arith.addi %add3A_715, %add3A_744 : vector<16xi32>
        scf.yield %add3A_733, %add3A_745 : vector<16xi32>, vector<16xi32>
      }
      %scan3A_511 = arith.constant 32 : i32
      %add3A_512 = arith.constant 3072 : i32
      %add3A_513 = vector.broadcast %add3A_512 : i32 to vector<16xi32>
      %add3A_514 = arith.addi %add3A_17, %add3A_513 : vector<16xi32>
      %add3A_515 = arith.constant 3072 : i32
      %add3A_516 = vector.broadcast %add3A_515 : i32 to vector<16xi32>
      %add3A_517 = arith.addi %add3A_30, %add3A_516 : vector<16xi32>
      %scan3A_518 = arith.constant 0 : i32
      %scan3A_519 = arith.constant 32 : i32
      %scan3A_520 = arith.addi %scan3A_518, %scan3A_519 : i32
      %scan3A_521 = arith.constant 1 : i32
      %scan3A_522:2 = scf.for %scan3A_625 = %scan3A_518 to %scan3A_520 step %scan3A_521 iter_args(%scan3A_626 = %add3A_514, %scan3A_627 = %add3A_517) -> (vector<16xi32>, vector<16xi32>)  : i32 {
        %mul3A_628 = arith.constant 4 : i32
        %mul3A_629 = arith.muli %mul3A_628, %scan3A_625 : i32
        %add3A_630 = arith.constant 384 : i32
        %add3A_631 = arith.addi %add3A_630, %mul3A_629 : i32
        %add3A_632 = arith.constant 0 : i32
        %add3A_633 = arith.addi %add3A_631, %add3A_632 : i32
        %get3A = arith.constant 1 : i32
        %get3A_634 = arith.index_cast %get3A : i32 to index
        %get3A_635 = arith.index_cast %add3A_633 : i32 to index
        %get3A_636 = arith.constant 0 : index
        %get3A_637 = tpu.vector_load %arg6[%get3A_634, %get3A_635, %get3A_636] {strides = array<i32>} : memref<2x512x32xf32, #tpu.memory_space<vmem>>, vector<16xf32>,
        %scatter3A = arith.constant 1 : i32
        %scatter3A_638 = arith.constant 0 : i32
        %scatter3A_639 = tpu.memref_slice %arg7[%scatter3A, %scatter3A_638] : memref<2x16384xf32, #tpu.memory_space<vmem>> -> memref<1x16384xf32, #tpu.memory_space<vmem>>
        %scatter3A_640 = tpu.memref_squeeze %scatter3A_639 : memref<1x16384xf32, #tpu.memory_space<vmem>> -> memref<16384xf32, #tpu.memory_space<vmem>>
        tpu.vector_store_idx %scatter3A_640[%scan3A_626], %get3A_637 : memref<16384xf32, #tpu.memory_space<vmem>>[vector<16xi32>], vector<16xf32>,
        %add3A_641 = arith.constant 1 : i32
        %add3A_642 = vector.broadcast %add3A_641 : i32 to vector<16xi32>
        %add3A_643 = arith.addi %scan3A_626, %add3A_642 : vector<16xi32>
        %get3A_644 = arith.constant 1 : i32
        %get3A_645 = arith.index_cast %get3A_644 : i32 to index
        %get3A_646 = arith.index_cast %add3A_633 : i32 to index
        %get3A_647 = arith.constant 16 : index
        %get3A_648 = tpu.vector_load %arg6[%get3A_645, %get3A_646, %get3A_647] {strides = array<i32>} : memref<2x512x32xf32, #tpu.memory_space<vmem>>, vector<16xf32>,
        %scatter3A_649 = arith.constant 1 : i32
        %scatter3A_650 = arith.constant 0 : i32
        %scatter3A_651 = tpu.memref_slice %arg7[%scatter3A_649, %scatter3A_650] : memref<2x16384xf32, #tpu.memory_space<vmem>> -> memref<1x16384xf32, #tpu.memory_space<vmem>>
        %scatter3A_652 = tpu.memref_squeeze %scatter3A_651 : memref<1x16384xf32, #tpu.memory_space<vmem>> -> memref<16384xf32, #tpu.memory_space<vmem>>
        tpu.vector_store_idx %scatter3A_652[%scan3A_627], %get3A_648 : memref<16384xf32, #tpu.memory_space<vmem>>[vector<16xi32>], vector<16xf32>,
        %add3A_653 = arith.constant 1 : i32
        %add3A_654 = vector.broadcast %add3A_653 : i32 to vector<16xi32>
        %add3A_655 = arith.addi %scan3A_627, %add3A_654 : vector<16xi32>
        %mul3A_656 = arith.constant 4 : i32
        %mul3A_657 = arith.muli %mul3A_656, %scan3A_625 : i32
        %add3A_658 = arith.constant 384 : i32
        %add3A_659 = arith.addi %add3A_658, %mul3A_657 : i32
        %add3A_660 = arith.constant 1 : i32
        %add3A_661 = arith.addi %add3A_659, %add3A_660 : i32
        %get3A_662 = arith.constant 1 : i32
        %get3A_663 = arith.index_cast %get3A_662 : i32 to index
        %get3A_664 = arith.index_cast %add3A_661 : i32 to index
        %get3A_665 = arith.constant 0 : index
        %get3A_666 = tpu.vector_load %arg6[%get3A_663, %get3A_664, %get3A_665] {strides = array<i32>} : memref<2x512x32xf32, #tpu.memory_space<vmem>>, vector<16xf32>,
        %scatter3A_667 = arith.constant 1 : i32
        %scatter3A_668 = arith.constant 0 : i32
        %scatter3A_669 = tpu.memref_slice %arg7[%scatter3A_667, %scatter3A_668] : memref<2x16384xf32, #tpu.memory_space<vmem>> -> memref<1x16384xf32, #tpu.memory_space<vmem>>
        %scatter3A_670 = tpu.memref_squeeze %scatter3A_669 : memref<1x16384xf32, #tpu.memory_space<vmem>> -> memref<16384xf32, #tpu.memory_space<vmem>>
        tpu.vector_store_idx %scatter3A_670[%add3A_643], %get3A_666 : memref<16384xf32, #tpu.memory_space<vmem>>[vector<16xi32>], vector<16xf32>,
        %add3A_671 = arith.constant 1 : i32
        %add3A_672 = vector.broadcast %add3A_671 : i32 to vector<16xi32>
        %add3A_673 = arith.addi %add3A_643, %add3A_672 : vector<16xi32>
        %get3A_674 = arith.constant 1 : i32
        %get3A_675 = arith.index_cast %get3A_674 : i32 to index
        %get3A_676 = arith.index_cast %add3A_661 : i32 to index
        %get3A_677 = arith.constant 16 : index
        %get3A_678 = tpu.vector_load %arg6[%get3A_675, %get3A_676, %get3A_677] {strides = array<i32>} : memref<2x512x32xf32, #tpu.memory_space<vmem>>, vector<16xf32>,
        %scatter3A_679 = arith.constant 1 : i32
        %scatter3A_680 = arith.constant 0 : i32
        %scatter3A_681 = tpu.memref_slice %arg7[%scatter3A_679, %scatter3A_680] : memref<2x16384xf32, #tpu.memory_space<vmem>> -> memref<1x16384xf32, #tpu.memory_space<vmem>>
        %scatter3A_682 = tpu.memref_squeeze %scatter3A_681 : memref<1x16384xf32, #tpu.memory_space<vmem>> -> memref<16384xf32, #tpu.memory_space<vmem>>
        tpu.vector_store_idx %scatter3A_682[%add3A_655], %get3A_678 : memref<16384xf32, #tpu.memory_space<vmem>>[vector<16xi32>], vector<16xf32>,
        %add3A_683 = arith.constant 1 : i32
        %add3A_684 = vector.broadcast %add3A_683 : i32 to vector<16xi32>
        %add3A_685 = arith.addi %add3A_655, %add3A_684 : vector<16xi32>
        %mul3A_686 = arith.constant 4 : i32
        %mul3A_687 = arith.muli %mul3A_686, %scan3A_625 : i32
        %add3A_688 = arith.constant 384 : i32
        %add3A_689 = arith.addi %add3A_688, %mul3A_687 : i32
        %add3A_690 = arith.constant 2 : i32
        %add3A_691 = arith.addi %add3A_689, %add3A_690 : i32
        %get3A_692 = arith.constant 1 : i32
        %get3A_693 = arith.index_cast %get3A_692 : i32 to index
        %get3A_694 = arith.index_cast %add3A_691 : i32 to index
        %get3A_695 = arith.constant 0 : index
        %get3A_696 = tpu.vector_load %arg6[%get3A_693, %get3A_694, %get3A_695] {strides = array<i32>} : memref<2x512x32xf32, #tpu.memory_space<vmem>>, vector<16xf32>,
        %scatter3A_697 = arith.constant 1 : i32
        %scatter3A_698 = arith.constant 0 : i32
        %scatter3A_699 = tpu.memref_slice %arg7[%scatter3A_697, %scatter3A_698] : memref<2x16384xf32, #tpu.memory_space<vmem>> -> memref<1x16384xf32, #tpu.memory_space<vmem>>
        %scatter3A_700 = tpu.memref_squeeze %scatter3A_699 : memref<1x16384xf32, #tpu.memory_space<vmem>> -> memref<16384xf32, #tpu.memory_space<vmem>>
        tpu.vector_store_idx %scatter3A_700[%add3A_673], %get3A_696 : memref<16384xf32, #tpu.memory_space<vmem>>[vector<16xi32>], vector<16xf32>,
        %add3A_701 = arith.constant 1 : i32
        %add3A_702 = vector.broadcast %add3A_701 : i32 to vector<16xi32>
        %add3A_703 = arith.addi %add3A_673, %add3A_702 : vector<16xi32>
        %get3A_704 = arith.constant 1 : i32
        %get3A_705 = arith.index_cast %get3A_704 : i32 to index
        %get3A_706 = arith.index_cast %add3A_691 : i32 to index
        %get3A_707 = arith.constant 16 : index
        %get3A_708 = tpu.vector_load %arg6[%get3A_705, %get3A_706, %get3A_707] {strides = array<i32>} : memref<2x512x32xf32, #tpu.memory_space<vmem>>, vector<16xf32>,
        %scatter3A_709 = arith.constant 1 : i32
        %scatter3A_710 = arith.constant 0 : i32
        %scatter3A_711 = tpu.memref_slice %arg7[%scatter3A_709, %scatter3A_710] : memref<2x16384xf32, #tpu.memory_space<vmem>> -> memref<1x16384xf32, #tpu.memory_space<vmem>>
        %scatter3A_712 = tpu.memref_squeeze %scatter3A_711 : memref<1x16384xf32, #tpu.memory_space<vmem>> -> memref<16384xf32, #tpu.memory_space<vmem>>
        tpu.vector_store_idx %scatter3A_712[%add3A_685], %get3A_708 : memref<16384xf32, #tpu.memory_space<vmem>>[vector<16xi32>], vector<16xf32>,
        %add3A_713 = arith.constant 1 : i32
        %add3A_714 = vector.broadcast %add3A_713 : i32 to vector<16xi32>
        %add3A_715 = arith.addi %add3A_685, %add3A_714 : vector<16xi32>
        %mul3A_716 = arith.constant 4 : i32
        %mul3A_717 = arith.muli %mul3A_716, %scan3A_625 : i32
        %add3A_718 = arith.constant 384 : i32
        %add3A_719 = arith.addi %add3A_718, %mul3A_717 : i32
        %add3A_720 = arith.constant 3 : i32
        %add3A_721 = arith.addi %add3A_719, %add3A_720 : i32
        %get3A_722 = arith.constant 1 : i32
        %get3A_723 = arith.index_cast %get3A_722 : i32 to index
        %get3A_724 = arith.index_cast %add3A_721 : i32 to index
        %get3A_725 = arith.constant 0 : index
        %get3A_726 = tpu.vector_load %arg6[%get3A_723, %get3A_724, %get3A_725] {strides = array<i32>} : memref<2x512x32xf32, #tpu.memory_space<vmem>>, vector<16xf32>,
        %scatter3A_727 = arith.constant 1 : i32
        %scatter3A_728 = arith.constant 0 : i32
        %scatter3A_729 = tpu.memref_slice %arg7[%scatter3A_727, %scatter3A_728] : memref<2x16384xf32, #tpu.memory_space<vmem>> -> memref<1x16384xf32, #tpu.memory_space<vmem>>
        %scatter3A_730 = tpu.memref_squeeze %scatter3A_729 : memref<1x16384xf32, #tpu.memory_space<vmem>> -> memref<16384xf32, #tpu.memory_space<vmem>>
        tpu.vector_store_idx %scatter3A_730[%add3A_703], %get3A_726 : memref<16384xf32, #tpu.memory_space<vmem>>[vector<16xi32>], vector<16xf32>,
        %add3A_731 = arith.constant 1 : i32
        %add3A_732 = vector.broadcast %add3A_731 : i32 to vector<16xi32>
        %add3A_733 = arith.addi %add3A_703, %add3A_732 : vector<16xi32>
        %get3A_734 = arith.constant 1 : i32
        %get3A_735 = arith.index_cast %get3A_734 : i32 to index
        %get3A_736 = arith.index_cast %add3A_721 : i32 to index
        %get3A_737 = arith.constant 16 : index
        %get3A_738 = tpu.vector_load %arg6[%get3A_735, %get3A_736, %get3A_737] {strides = array<i32>} : memref<2x512x32xf32, #tpu.memory_space<vmem>>, vector<16xf32>,
        %scatter3A_739 = arith.constant 1 : i32
        %scatter3A_740 = arith.constant 0 : i32
        %scatter3A_741 = tpu.memref_slice %arg7[%scatter3A_739, %scatter3A_740] : memref<2x16384xf32, #tpu.memory_space<vmem>> -> memref<1x16384xf32, #tpu.memory_space<vmem>>
        %scatter3A_742 = tpu.memref_squeeze %scatter3A_741 : memref<1x16384xf32, #tpu.memory_space<vmem>> -> memref<16384xf32, #tpu.memory_space<vmem>>
        tpu.vector_store_idx %scatter3A_742[%add3A_715], %get3A_738 : memref<16384xf32, #tpu.memory_space<vmem>>[vector<16xi32>], vector<16xf32>,
        %add3A_743 = arith.constant 1 : i32
        %add3A_744 = vector.broadcast %add3A_743 : i32 to vector<16xi32>
        %add3A_745 = arith.addi %add3A_715, %add3A_744 : vector<16xi32>
        scf.yield %add3A_733, %add3A_745 : vector<16xi32>, vector<16xi32>
      }
      %scan3A_523 = arith.constant 32 : i32
      %add3A_524 = arith.constant 1 : i32
      %add3A_525 = arith.addi %add3A_223, %add3A_524 : i32
      %div3A_526 = arith.constant 32 : i32
      %div3A_527 = arith.divsi %add3A_525, %div3A_526 : i32
      %rem3A_528 = arith.constant 32 : i32
      %rem3A_529 = arith.remsi %add3A_525, %rem3A_528 : i32
      %mul3A_530 = arith.constant 4 : i32
      %mul3A_531 = arith.muli %div3A_527, %mul3A_530 : i32
      %add3A_532 = arith.constant 0 : i32
      %add3A_533 = arith.addi %mul3A_531, %add3A_532 : i32
      %mul3A_534 = arith.constant 128 : i32
      %mul3A_535 = arith.muli %add3A_533, %mul3A_534 : i32
      %mul3A_536 = arith.constant 128 : i32
      %mul3A_537 = arith.muli %mul3A_535, %mul3A_536 : i32
      %mul3A_538 = arith.constant 8 : i32
      %mul3A_539 = arith.muli %mul3A_537, %mul3A_538 : i32
      %mul3A_540 = arith.constant 4096 : i32
      %mul3A_541 = arith.muli %rem3A_529, %mul3A_540 : i32
      %add3A_542 = arith.addi %mul3A_539, %mul3A_541 : i32
      %dma_start3A_543 = arith.constant 1 : i32
      %dma_start3A_544 = arith.constant 0 : i32
      %dma_start3A_545 = tpu.memref_slice %arg7[%dma_start3A_543, %dma_start3A_544] : memref<2x16384xf32, #tpu.memory_space<vmem>> -> memref<1x4096xf32, #tpu.memory_space<vmem>>
      %dma_start3A_546 = tpu.memref_squeeze %dma_start3A_545 : memref<1x4096xf32, #tpu.memory_space<vmem>> -> memref<4096xf32, #tpu.memory_space<vmem>>
      %dma_start3A_547 = tpu.memref_slice %arg4[%add3A_542] : memref<26214400xf32, #tpu.memory_space<hbm>> -> memref<4096xf32, #tpu.memory_space<hbm>>
      %dma_start3A_548 = tpu.memref_slice %arg4[%add3A_542] : memref<26214400xf32, #tpu.memory_space<hbm>> -> memref<4096xf32, #tpu.memory_space<hbm>>
      %dma_start3A_549 = arith.constant 0 : i32
      %dma_start3A_550 = tpu.memref_slice %arg7[%dma_start3A_543, %dma_start3A_549] : memref<2x16384xf32, #tpu.memory_space<vmem>> -> memref<1x4096xf32, #tpu.memory_space<vmem>>
      %dma_start3A_551 = tpu.memref_squeeze %dma_start3A_550 : memref<1x4096xf32, #tpu.memory_space<vmem>> -> memref<4096xf32, #tpu.memory_space<vmem>>
      tpu.enqueue_dma source(%dma_start3A_551 : memref<4096xf32, #tpu.memory_space<vmem>>) target(%dma_start3A_548 : memref<4096xf32, #tpu.memory_space<hbm>>) target_semaphore(%arg13 : memref<!tpu.dma_semaphore, #tpu.memory_space<semaphore_mem>>)
      %mul3A_552 = arith.constant 4 : i32
      %mul3A_553 = arith.muli %div3A_527, %mul3A_552 : i32
      %add3A_554 = arith.constant 1 : i32
      %add3A_555 = arith.addi %mul3A_553, %add3A_554 : i32
      %mul3A_556 = arith.constant 128 : i32
      %mul3A_557 = arith.muli %add3A_555, %mul3A_556 : i32
      %mul3A_558 = arith.constant 128 : i32
      %mul3A_559 = arith.muli %mul3A_557, %mul3A_558 : i32
      %mul3A_560 = arith.constant 8 : i32
      %mul3A_561 = arith.muli %mul3A_559, %mul3A_560 : i32
      %mul3A_562 = arith.constant 4096 : i32
      %mul3A_563 = arith.muli %rem3A_529, %mul3A_562 : i32
      %add3A_564 = arith.addi %mul3A_561, %mul3A_563 : i32
      %dma_start3A_565 = arith.constant 1 : i32
      %dma_start3A_566 = arith.constant 4096 : i32
      %dma_start3A_567 = tpu.memref_slice %arg7[%dma_start3A_565, %dma_start3A_566] : memref<2x16384xf32, #tpu.memory_space<vmem>> -> memref<1x4096xf32, #tpu.memory_space<vmem>>
      %dma_start3A_568 = tpu.memref_squeeze %dma_start3A_567 : memref<1x4096xf32, #tpu.memory_space<vmem>> -> memref<4096xf32, #tpu.memory_space<vmem>>
      %dma_start3A_569 = tpu.memref_slice %arg4[%add3A_564] : memref<26214400xf32, #tpu.memory_space<hbm>> -> memref<4096xf32, #tpu.memory_space<hbm>>
      %dma_start3A_570 = tpu.memref_slice %arg4[%add3A_564] : memref<26214400xf32, #tpu.memory_space<hbm>> -> memref<4096xf32, #tpu.memory_space<hbm>>
      %dma_start3A_571 = arith.constant 4096 : i32
      %dma_start3A_572 = tpu.memref_slice %arg7[%dma_start3A_565, %dma_start3A_571] : memref<2x16384xf32, #tpu.memory_space<vmem>> -> memref<1x4096xf32, #tpu.memory_space<vmem>>
      %dma_start3A_573 = tpu.memref_squeeze %dma_start3A_572 : memref<1x4096xf32, #tpu.memory_space<vmem>> -> memref<4096xf32, #tpu.memory_space<vmem>>
      tpu.enqueue_dma source(%dma_start3A_573 : memref<4096xf32, #tpu.memory_space<vmem>>) target(%dma_start3A_570 : memref<4096xf32, #tpu.memory_space<hbm>>) target_semaphore(%arg13 : memref<!tpu.dma_semaphore, #tpu.memory_space<semaphore_mem>>)
      %mul3A_574 = arith.constant 4 : i32
      %mul3A_575 = arith.muli %div3A_527, %mul3A_574 : i32
      %add3A_576 = arith.constant 2 : i32
      %add3A_577 = arith.addi %mul3A_575, %add3A_576 : i32
      %mul3A_578 = arith.constant 128 : i32
      %mul3A_579 = arith.muli %add3A_577, %mul3A_578 : i32
      %mul3A_580 = arith.constant 128 : i32
      %mul3A_581 = arith.muli %mul3A_579, %mul3A_580 : i32
      %mul3A_582 = arith.constant 8 : i32
      %mul3A_583 = arith.muli %mul3A_581, %mul3A_582 : i32
      %mul3A_584 = arith.constant 4096 : i32
      %mul3A_585 = arith.muli %rem3A_529, %mul3A_584 : i32
      %add3A_586 = arith.addi %mul3A_583, %mul3A_585 : i32
      %dma_start3A_587 = arith.constant 1 : i32
      %dma_start3A_588 = arith.constant 8192 : i32
      %dma_start3A_589 = tpu.memref_slice %arg7[%dma_start3A_587, %dma_start3A_588] : memref<2x16384xf32, #tpu.memory_space<vmem>> -> memref<1x4096xf32, #tpu.memory_space<vmem>>
      %dma_start3A_590 = tpu.memref_squeeze %dma_start3A_589 : memref<1x4096xf32, #tpu.memory_space<vmem>> -> memref<4096xf32, #tpu.memory_space<vmem>>
      %dma_start3A_591 = tpu.memref_slice %arg4[%add3A_586] : memref<26214400xf32, #tpu.memory_space<hbm>> -> memref<4096xf32, #tpu.memory_space<hbm>>
      %dma_start3A_592 = tpu.memref_slice %arg4[%add3A_586] : memref<26214400xf32, #tpu.memory_space<hbm>> -> memref<4096xf32, #tpu.memory_space<hbm>>
      %dma_start3A_593 = arith.constant 8192 : i32
      %dma_start3A_594 = tpu.memref_slice %arg7[%dma_start3A_587, %dma_start3A_593] : memref<2x16384xf32, #tpu.memory_space<vmem>> -> memref<1x4096xf32, #tpu.memory_space<vmem>>
      %dma_start3A_595 = tpu.memref_squeeze %dma_start3A_594 : memref<1x4096xf32, #tpu.memory_space<vmem>> -> memref<4096xf32, #tpu.memory_space<vmem>>
      tpu.enqueue_dma source(%dma_start3A_595 : memref<4096xf32, #tpu.memory_space<vmem>>) target(%dma_start3A_592 : memref<4096xf32, #tpu.memory_space<hbm>>) target_semaphore(%arg13 : memref<!tpu.dma_semaphore, #tpu.memory_space<semaphore_mem>>)
      %mul3A_596 = arith.constant 4 : i32
      %mul3A_597 = arith.muli %div3A_527, %mul3A_596 : i32
      %add3A_598 = arith.constant 3 : i32
      %add3A_599 = arith.addi %mul3A_597, %add3A_598 : i32
      %mul3A_600 = arith.constant 128 : i32
      %mul3A_601 = arith.muli %add3A_599, %mul3A_600 : i32
      %mul3A_602 = arith.constant 128 : i32
      %mul3A_603 = arith.muli %mul3A_601, %mul3A_602 : i32
      %mul3A_604 = arith.constant 8 : i32
      %mul3A_605 = arith.muli %mul3A_603, %mul3A_604 : i32
      %mul3A_606 = arith.constant 4096 : i32
      %mul3A_607 = arith.muli %rem3A_529, %mul3A_606 : i32
      %add3A_608 = arith.addi %mul3A_605, %mul3A_607 : i32
      %dma_start3A_609 = arith.constant 1 : i32
      %dma_start3A_610 = arith.constant 12288 : i32
      %dma_start3A_611 = tpu.memref_slice %arg7[%dma_start3A_609, %dma_start3A_610] : memref<2x16384xf32, #tpu.memory_space<vmem>> -> memref<1x4096xf32, #tpu.memory_space<vmem>>
      %dma_start3A_612 = tpu.memref_squeeze %dma_start3A_611 : memref<1x4096xf32, #tpu.memory_space<vmem>> -> memref<4096xf32, #tpu.memory_space<vmem>>
      %dma_start3A_613 = tpu.memref_slice %arg4[%add3A_608] : memref<26214400xf32, #tpu.memory_space<hbm>> -> memref<4096xf32, #tpu.memory_space<hbm>>
      %dma_start3A_614 = tpu.memref_slice %arg4[%add3A_608] : memref<26214400xf32, #tpu.memory_space<hbm>> -> memref<4096xf32, #tpu.memory_space<hbm>>
      %dma_start3A_615 = arith.constant 12288 : i32
      %dma_start3A_616 = tpu.memref_slice %arg7[%dma_start3A_609, %dma_start3A_615] : memref<2x16384xf32, #tpu.memory_space<vmem>> -> memref<1x4096xf32, #tpu.memory_space<vmem>>
      %dma_start3A_617 = tpu.memref_squeeze %dma_start3A_616 : memref<1x4096xf32, #tpu.memory_space<vmem>> -> memref<4096xf32, #tpu.memory_space<vmem>>
      tpu.enqueue_dma source(%dma_start3A_617 : memref<4096xf32, #tpu.memory_space<vmem>>) target(%dma_start3A_614 : memref<4096xf32, #tpu.memory_space<hbm>>) target_semaphore(%arg13 : memref<!tpu.dma_semaphore, #tpu.memory_space<semaphore_mem>>)
      %add3A_618 = arith.constant 1 : i32
      %add3A_619 = arith.addi %scan3A_220, %add3A_618 : i32
      %lt3A_620 = arith.constant 25 : i32
      %lt3A_621 = arith.cmpi slt, %add3A_619, %lt3A_620 : i32
      %convert_element_type3A_622 = arith.extui %lt3A_621 : i1 to i32
      %cond3A_623 = arith.constant 0 : i32
      %cond3A_624 = arith.cmpi ne, %convert_element_type3A_622, %cond3A_623 : i32
      scf.if %cond3A_624 {
        %add3A_625 = arith.constant 3 : i32
        %add3A_626 = arith.addi %add3A_223, %add3A_625 : i32
        %div3A_627 = arith.constant 32 : i32
        %div3A_628 = arith.divsi %add3A_626, %div3A_627 : i32
        %rem3A_629 = arith.constant 32 : i32
        %rem3A_630 = arith.remsi %add3A_626, %rem3A_629 : i32
        %mul3A_631 = arith.constant 512 : i32
        %mul3A_632 = arith.muli %rem3A_630, %mul3A_631 : i32
        %dma_start3A_633 = arith.constant 1 : i32
        %dma_start3A_634 = arith.constant 0 : i32
        %dma_start3A_635 = tpu.memref_slice %arg5[%dma_start3A_633, %dma_start3A_634] : memref<2x512xi32, #tpu.memory_space<vmem>> -> memref<1x512xi32, #tpu.memory_space<vmem>>
        %dma_start3A_636 = tpu.memref_squeeze %dma_start3A_635 : memref<1x512xi32, #tpu.memory_space<vmem>> -> memref<512xi32, #tpu.memory_space<vmem>>
        %dma_start3A_637 = tpu.memref_slice %arg3[%div3A_628, %mul3A_632] : memref<50x16384xi32, #tpu.memory_space<hbm>> -> memref<1x512xi32, #tpu.memory_space<hbm>>
        %dma_start3A_638 = tpu.memref_squeeze %dma_start3A_637 : memref<1x512xi32, #tpu.memory_space<hbm>> -> memref<512xi32, #tpu.memory_space<hbm>>
        %dma_start3A_639 = arith.constant 0 : i32
        %dma_start3A_640 = tpu.memref_slice %arg5[%dma_start3A_633, %dma_start3A_639] : memref<2x512xi32, #tpu.memory_space<vmem>> -> memref<1x512xi32, #tpu.memory_space<vmem>>
        %dma_start3A_641 = tpu.memref_squeeze %dma_start3A_640 : memref<1x512xi32, #tpu.memory_space<vmem>> -> memref<512xi32, #tpu.memory_space<vmem>>
        %dma_start3A_642 = tpu.memref_slice %arg3[%div3A_628, %mul3A_632] : memref<50x16384xi32, #tpu.memory_space<hbm>> -> memref<1x512xi32, #tpu.memory_space<hbm>>
        %dma_start3A_643 = tpu.memref_squeeze %dma_start3A_642 : memref<1x512xi32, #tpu.memory_space<hbm>> -> memref<512xi32, #tpu.memory_space<hbm>>
        tpu.enqueue_dma source(%dma_start3A_643 : memref<512xi32, #tpu.memory_space<hbm>>) target(%dma_start3A_641 : memref<512xi32, #tpu.memory_space<vmem>>) target_semaphore(%arg9 : memref<!tpu.dma_semaphore, #tpu.memory_space<semaphore_mem>>)
      } else {
      }
    }
    %scan3A_131 = arith.constant 25 : i32
    %dma_wait3A_132 = arith.constant 0 : i32
    %dma_wait3A_133 = arith.constant 0 : i32
    %dma_wait3A_134 = tpu.memref_slice %arg7[%dma_wait3A_132, %dma_wait3A_133] : memref<2x16384xf32, #tpu.memory_space<vmem>> -> memref<1x4096xf32, #tpu.memory_space<vmem>>
    %dma_wait3A_135 = tpu.memref_squeeze %dma_wait3A_134 : memref<1x4096xf32, #tpu.memory_space<vmem>> -> memref<4096xf32, #tpu.memory_space<vmem>>
    %dma_wait3A_136 = arith.constant 0 : i32
    %dma_wait3A_137 = tpu.memref_slice %arg4[%dma_wait3A_136] : memref<26214400xf32, #tpu.memory_space<hbm>> -> memref<4096xf32, #tpu.memory_space<hbm>>
    %dma_wait3A_138 = arith.constant 0 : i32
    %dma_wait3A_139 = tpu.memref_slice %arg4[%dma_wait3A_138] : memref<26214400xf32, #tpu.memory_space<hbm>> -> memref<4096xf32, #tpu.memory_space<hbm>>
    %dma_wait3A_140 = arith.constant 0 : i32
    %dma_wait3A_141 = tpu.memref_slice %arg7[%dma_wait3A_132, %dma_wait3A_140] : memref<2x16384xf32, #tpu.memory_space<vmem>> -> memref<1x4096xf32, #tpu.memory_space<vmem>>
    %dma_wait3A_142 = tpu.memref_squeeze %dma_wait3A_141 : memref<1x4096xf32, #tpu.memory_space<vmem>> -> memref<4096xf32, #tpu.memory_space<vmem>>
    tpu.wait_dma2 semaphore(%arg12 : memref<!tpu.dma_semaphore, #tpu.memory_space<semaphore_mem>>) src(%dma_wait3A_142 : memref<4096xf32, #tpu.memory_space<vmem>>) dst(%dma_wait3A_139 : memref<4096xf32, #tpu.memory_space<hbm>>)
    %dma_wait3A_143 = arith.constant 0 : i32
    %dma_wait3A_144 = arith.constant 0 : i32
    %dma_wait3A_145 = tpu.memref_slice %arg7[%dma_wait3A_143, %dma_wait3A_144] : memref<2x16384xf32, #tpu.memory_space<vmem>> -> memref<1x4096xf32, #tpu.memory_space<vmem>>
    %dma_wait3A_146 = tpu.memref_squeeze %dma_wait3A_145 : memref<1x4096xf32, #tpu.memory_space<vmem>> -> memref<4096xf32, #tpu.memory_space<vmem>>
    %dma_wait3A_147 = arith.constant 0 : i32
    %dma_wait3A_148 = tpu.memref_slice %arg4[%dma_wait3A_147] : memref<26214400xf32, #tpu.memory_space<hbm>> -> memref<4096xf32, #tpu.memory_space<hbm>>
    %dma_wait3A_149 = arith.constant 0 : i32
    %dma_wait3A_150 = tpu.memref_slice %arg4[%dma_wait3A_149] : memref<26214400xf32, #tpu.memory_space<hbm>> -> memref<4096xf32, #tpu.memory_space<hbm>>
    %dma_wait3A_151 = arith.constant 0 : i32
    %dma_wait3A_152 = tpu.memref_slice %arg7[%dma_wait3A_143, %dma_wait3A_151] : memref<2x16384xf32, #tpu.memory_space<vmem>> -> memref<1x4096xf32, #tpu.memory_space<vmem>>
    %dma_wait3A_153 = tpu.memref_squeeze %dma_wait3A_152 : memref<1x4096xf32, #tpu.memory_space<vmem>> -> memref<4096xf32, #tpu.memory_space<vmem>>
    tpu.wait_dma2 semaphore(%arg12 : memref<!tpu.dma_semaphore, #tpu.memory_space<semaphore_mem>>) src(%dma_wait3A_153 : memref<4096xf32, #tpu.memory_space<vmem>>) dst(%dma_wait3A_150 : memref<4096xf32, #tpu.memory_space<hbm>>)
    %dma_wait3A_154 = arith.constant 0 : i32
    %dma_wait3A_155 = arith.constant 0 : i32
    %dma_wait3A_156 = tpu.memref_slice %arg7[%dma_wait3A_154, %dma_wait3A_155] : memref<2x16384xf32, #tpu.memory_space<vmem>> -> memref<1x4096xf32, #tpu.memory_space<vmem>>
    %dma_wait3A_157 = tpu.memref_squeeze %dma_wait3A_156 : memref<1x4096xf32, #tpu.memory_space<vmem>> -> memref<4096xf32, #tpu.memory_space<vmem>>
    %dma_wait3A_158 = arith.constant 0 : i32
    %dma_wait3A_159 = tpu.memref_slice %arg4[%dma_wait3A_158] : memref<26214400xf32, #tpu.memory_space<hbm>> -> memref<4096xf32, #tpu.memory_space<hbm>>
    %dma_wait3A_160 = arith.constant 0 : i32
    %dma_wait3A_161 = tpu.memref_slice %arg4[%dma_wait3A_160] : memref<26214400xf32, #tpu.memory_space<hbm>> -> memref<4096xf32, #tpu.memory_space<hbm>>
    %dma_wait3A_162 = arith.constant 0 : i32
    %dma_wait3A_163 = tpu.memref_slice %arg7[%dma_wait3A_154, %dma_wait3A_162] : memref<2x16384xf32, #tpu.memory_space<vmem>> -> memref<1x4096xf32, #tpu.memory_space<vmem>>
    %dma_wait3A_164 = tpu.memref_squeeze %dma_wait3A_163 : memref<1x4096xf32, #tpu.memory_space<vmem>> -> memref<4096xf32, #tpu.memory_space<vmem>>
    tpu.wait_dma2 semaphore(%arg12 : memref<!tpu.dma_semaphore, #tpu.memory_space<semaphore_mem>>) src(%dma_wait3A_164 : memref<4096xf32, #tpu.memory_space<vmem>>) dst(%dma_wait3A_161 : memref<4096xf32, #tpu.memory_space<hbm>>)
    %dma_wait3A_165 = arith.constant 0 : i32
    %dma_wait3A_166 = arith.constant 0 : i32
    %dma_wait3A_167 = tpu.memref_slice %arg7[%dma_wait3A_165, %dma_wait3A_166] : memref<2x16384xf32, #tpu.memory_space<vmem>> -> memref<1x4096xf32, #tpu.memory_space<vmem>>
    %dma_wait3A_168 = tpu.memref_squeeze %dma_wait3A_167 : memref<1x4096xf32, #tpu.memory_space<vmem>> -> memref<4096xf32, #tpu.memory_space<vmem>>
    %dma_wait3A_169 = arith.constant 0 : i32
    %dma_wait3A_170 = tpu.memref_slice %arg4[%dma_wait3A_169] : memref<26214400xf32, #tpu.memory_space<hbm>> -> memref<4096xf32, #tpu.memory_space<hbm>>
    %dma_wait3A_171 = arith.constant 0 : i32
    %dma_wait3A_172 = tpu.memref_slice %arg4[%dma_wait3A_171] : memref<26214400xf32, #tpu.memory_space<hbm>> -> memref<4096xf32, #tpu.memory_space<hbm>>
    %dma_wait3A_173 = arith.constant 0 : i32
    %dma_wait3A_174 = tpu.memref_slice %arg7[%dma_wait3A_165, %dma_wait3A_173] : memref<2x16384xf32, #tpu.memory_space<vmem>> -> memref<1x4096xf32, #tpu.memory_space<vmem>>
    %dma_wait3A_175 = tpu.memref_squeeze %dma_wait3A_174 : memref<1x4096xf32, #tpu.memory_space<vmem>> -> memref<4096xf32, #tpu.memory_space<vmem>>
    tpu.wait_dma2 semaphore(%arg12 : memref<!tpu.dma_semaphore, #tpu.memory_space<semaphore_mem>>) src(%dma_wait3A_175 : memref<4096xf32, #tpu.memory_space<vmem>>) dst(%dma_wait3A_172 : memref<4096xf32, #tpu.memory_space<hbm>>)
    %dma_wait3A_176 = arith.constant 1 : i32
    %dma_wait3A_177 = arith.constant 0 : i32
    %dma_wait3A_178 = tpu.memref_slice %arg7[%dma_wait3A_176, %dma_wait3A_177] : memref<2x16384xf32, #tpu.memory_space<vmem>> -> memref<1x4096xf32, #tpu.memory_space<vmem>>
    %dma_wait3A_179 = tpu.memref_squeeze %dma_wait3A_178 : memref<1x4096xf32, #tpu.memory_space<vmem>> -> memref<4096xf32, #tpu.memory_space<vmem>>
    %dma_wait3A_180 = arith.constant 0 : i32
    %dma_wait3A_181 = tpu.memref_slice %arg4[%dma_wait3A_180] : memref<26214400xf32, #tpu.memory_space<hbm>> -> memref<4096xf32, #tpu.memory_space<hbm>>
    %dma_wait3A_182 = arith.constant 0 : i32
    %dma_wait3A_183 = tpu.memref_slice %arg4[%dma_wait3A_182] : memref<26214400xf32, #tpu.memory_space<hbm>> -> memref<4096xf32, #tpu.memory_space<hbm>>
    %dma_wait3A_184 = arith.constant 0 : i32
    %dma_wait3A_185 = tpu.memref_slice %arg7[%dma_wait3A_176, %dma_wait3A_184] : memref<2x16384xf32, #tpu.memory_space<vmem>> -> memref<1x4096xf32, #tpu.memory_space<vmem>>
    %dma_wait3A_186 = tpu.memref_squeeze %dma_wait3A_185 : memref<1x4096xf32, #tpu.memory_space<vmem>> -> memref<4096xf32, #tpu.memory_space<vmem>>
    tpu.wait_dma2 semaphore(%arg13 : memref<!tpu.dma_semaphore, #tpu.memory_space<semaphore_mem>>) src(%dma_wait3A_186 : memref<4096xf32, #tpu.memory_space<vmem>>) dst(%dma_wait3A_183 : memref<4096xf32, #tpu.memory_space<hbm>>)
    %dma_wait3A_187 = arith.constant 1 : i32
    %dma_wait3A_188 = arith.constant 0 : i32
    %dma_wait3A_189 = tpu.memref_slice %arg7[%dma_wait3A_187, %dma_wait3A_188] : memref<2x16384xf32, #tpu.memory_space<vmem>> -> memref<1x4096xf32, #tpu.memory_space<vmem>>
    %dma_wait3A_190 = tpu.memref_squeeze %dma_wait3A_189 : memref<1x4096xf32, #tpu.memory_space<vmem>> -> memref<4096xf32, #tpu.memory_space<vmem>>
    %dma_wait3A_191 = arith.constant 0 : i32
    %dma_wait3A_192 = tpu.memref_slice %arg4[%dma_wait3A_191] : memref<26214400xf32, #tpu.memory_space<hbm>> -> memref<4096xf32, #tpu.memory_space<hbm>>
    %dma_wait3A_193 = arith.constant 0 : i32
    %dma_wait3A_194 = tpu.memref_slice %arg4[%dma_wait3A_193] : memref<26214400xf32, #tpu.memory_space<hbm>> -> memref<4096xf32, #tpu.memory_space<hbm>>
    %dma_wait3A_195 = arith.constant 0 : i32
    %dma_wait3A_196 = tpu.memref_slice %arg7[%dma_wait3A_187, %dma_wait3A_195] : memref<2x16384xf32, #tpu.memory_space<vmem>> -> memref<1x4096xf32, #tpu.memory_space<vmem>>
    %dma_wait3A_197 = tpu.memref_squeeze %dma_wait3A_196 : memref<1x4096xf32, #tpu.memory_space<vmem>> -> memref<4096xf32, #tpu.memory_space<vmem>>
    tpu.wait_dma2 semaphore(%arg13 : memref<!tpu.dma_semaphore, #tpu.memory_space<semaphore_mem>>) src(%dma_wait3A_197 : memref<4096xf32, #tpu.memory_space<vmem>>) dst(%dma_wait3A_194 : memref<4096xf32, #tpu.memory_space<hbm>>)
    %dma_wait3A_198 = arith.constant 1 : i32
    %dma_wait3A_199 = arith.constant 0 : i32
    %dma_wait3A_200 = tpu.memref_slice %arg7[%dma_wait3A_198, %dma_wait3A_199] : memref<2x16384xf32, #tpu.memory_space<vmem>> -> memref<1x4096xf32, #tpu.memory_space<vmem>>
    %dma_wait3A_201 = tpu.memref_squeeze %dma_wait3A_200 : memref<1x4096xf32, #tpu.memory_space<vmem>> -> memref<4096xf32, #tpu.memory_space<vmem>>
    %dma_wait3A_202 = arith.constant 0 : i32
    %dma_wait3A_203 = tpu.memref_slice %arg4[%dma_wait3A_202] : memref<26214400xf32, #tpu.memory_space<hbm>> -> memref<4096xf32, #tpu.memory_space<hbm>>
    %dma_wait3A_204 = arith.constant 0 : i32
    %dma_wait3A_205 = tpu.memref_slice %arg4[%dma_wait3A_204] : memref<26214400xf32, #tpu.memory_space<hbm>> -> memref<4096xf32, #tpu.memory_space<hbm>>
    %dma_wait3A_206 = arith.constant 0 : i32
    %dma_wait3A_207 = tpu.memref_slice %arg7[%dma_wait3A_198, %dma_wait3A_206] : memref<2x16384xf32, #tpu.memory_space<vmem>> -> memref<1x4096xf32, #tpu.memory_space<vmem>>
    %dma_wait3A_208 = tpu.memref_squeeze %dma_wait3A_207 : memref<1x4096xf32, #tpu.memory_space<vmem>> -> memref<4096xf32, #tpu.memory_space<vmem>>
    tpu.wait_dma2 semaphore(%arg13 : memref<!tpu.dma_semaphore, #tpu.memory_space<semaphore_mem>>) src(%dma_wait3A_208 : memref<4096xf32, #tpu.memory_space<vmem>>) dst(%dma_wait3A_205 : memref<4096xf32, #tpu.memory_space<hbm>>)
    %dma_wait3A_209 = arith.constant 1 : i32
    %dma_wait3A_210 = arith.constant 0 : i32
    %dma_wait3A_211 = tpu.memref_slice %arg7[%dma_wait3A_209, %dma_wait3A_210] : memref<2x16384xf32, #tpu.memory_space<vmem>> -> memref<1x4096xf32, #tpu.memory_space<vmem>>
    %dma_wait3A_212 = tpu.memref_squeeze %dma_wait3A_211 : memref<1x4096xf32, #tpu.memory_space<vmem>> -> memref<4096xf32, #tpu.memory_space<vmem>>
    %dma_wait3A_213 = arith.constant 0 : i32
    %dma_wait3A_214 = tpu.memref_slice %arg4[%dma_wait3A_213] : memref<26214400xf32, #tpu.memory_space<hbm>> -> memref<4096xf32, #tpu.memory_space<hbm>>
    %dma_wait3A_215 = arith.constant 0 : i32
    %dma_wait3A_216 = tpu.memref_slice %arg4[%dma_wait3A_215] : memref<26214400xf32, #tpu.memory_space<hbm>> -> memref<4096xf32, #tpu.memory_space<hbm>>
    %dma_wait3A_217 = arith.constant 0 : i32
    %dma_wait3A_218 = tpu.memref_slice %arg7[%dma_wait3A_209, %dma_wait3A_217] : memref<2x16384xf32, #tpu.memory_space<vmem>> -> memref<1x4096xf32, #tpu.memory_space<vmem>>
    %dma_wait3A_219 = tpu.memref_squeeze %dma_wait3A_218 : memref<1x4096xf32, #tpu.memory_space<vmem>> -> memref<4096xf32, #tpu.memory_space<vmem>>
    tpu.wait_dma2 semaphore(%arg13 : memref<!tpu.dma_semaphore, #tpu.memory_space<semaphore_mem>>) src(%dma_wait3A_219 : memref<4096xf32, #tpu.memory_space<vmem>>) dst(%dma_wait3A_216 : memref<4096xf32, #tpu.memory_space<hbm>>)
    return
  }
}

</mosaic_0001>

<sc_bundles>
// kernel: kernel.3.cloned.1.call-start
scs
__scs_entry_jumppad:
0x0: {  	(pc) =	sbr.rel $0x88, $3  }
0x1: {  	(tag) =	ssettag $0x0;
	lr =	simm.s32 $0x1  }
0x2: {  	[smem:$0x3F9F] =	sst lr;
	_ =	strace $0xD0000000  }
0x3: {  	_ = 	snop  }
0x4: {  	_ = 	snop  }
0x5: {  	_ = 	snop  }
0x6: {  	_ = 	snop  }
0x7: {  	_ = 	snop  }
__scs_overlays_trampoline_lowered:
0x8: {  	[smem:$0x3FAE] =	sst s0  }
0x9: {  	[smem:$0x3FAF] =	sst s1  }
0xa: {  	[smem:$0x3FB0] =	sst s2  }
0xb: {  	[smem:$0x3FB1] =	sst s3  }
0xc: {  	[smem:$0x3FB2] =	sst s4  }
0xd: {  	[smem:$0x3FB3] =	sst s5  }
0xe: {  	[smem:$0x3FB4] =	sst s6  }
0xf: {  	[smem:$0x3FB5] =	sst s7  }
0x10: {  	[smem:$0x3FB6] =	sst s8  }
0x11: {  	[smem:$0x3FB7] =	sst s9;
	s0 =	simm.s32 @!p0 $0x0  }
0x12: {  	s1 =	sld [smem:$0x3F9D];
	s0 =	simm.s32 @p0 $0x1  }
0x13: {  	[smem:$0x3FB8] =	sst s0;
	s0 =	simm.s32 @!p1 $0x0  }
0x14: {  	s2 =	sld [smem:$0x3F9C];
	s0 =	simm.s32 @p1 $0x1  }
0x15: {  	[smem:$0x3FB9] =	sst s0;
	s0 =	simm.s32 @!p2 $0x0  }
0x16: {  	s3 =	sld [smem:$0x3FDB];
	s0 =	simm.s32 @p2 $0x1  }
0x17: {  	s4 =	simm.s32 $0x1BF5;
	[smem:$0x3FBB] =	sst s0  }
0x18: {  	s0 =	sld [smem:$0x3F9E];
	_ =	swait.ge [sflag:s4], $0x0  }
0x19: {  	s7 =	sld [smem:$0x3F9F]  }
0x1a: {  	s8 =	sadd.s32 $0xFFFFE003, lr  }
0x1b: {  	s9 =	sadd.s32 $0xFFFFFEF7, lr;
	s5 =	simm.s32 $0xFFFFFFFF;
	p2 =	slt.u32 s8, $0xFFFFF086  }
0x1c: {  	p1 =	slt.u32 s9, $0xF7A;
	s5 =	simm.s32 @!p2 $0x0  }
0x1d: {  	s5 =	simm.s32 @p1 $0x1;
	p0 =	seq.s32 s7, s2  }
0x1e: {  	s7 =	smul.u32 @!p0 $0xF7A, s2;
	p2 =	seq.s32 @!p0 s5, $0x0  }
0x1f: {  	s9 =	smul.u32 $0xF7A, s1;
	s8 =	simm.s32 @!p0 $0x1BF5;
	p2 =	por !p2, p0  }
0x20: {  	[sflag:s8] =	ssyncset.s32 @!p0 $0xFFFFF086;
	s6 =	sadd.s32 @!p0 s3, s7;
	s7 =	simm.s32 @!p0 $0x108  }
0x21: {  	s3 =	sadd.s32 s3, s9;
	s6 =	sadd.s32 @!p0 $0x88, s6;
	s7 =	simm.s32 @p2 $0x1082  }
0x22: {  	[simem:s7], [sflag:s8] =	dma.local @!p0 [hbm:s6], $0xF7A  }
0x23: {  	s9 =	sor.u32 $0xD0000000, s2;
	s6 =	simm.s32 $0x108;
	_ =	swait.ge @!p0 [sflag:s8], $0x0  }
0x24: {  	s3 =	sadd.s32 $0x88, s3;
	s6 =	simm.s32 @!p1 $0x1082;
	[sflag:s4] =	ssyncset.s32 $0xFFFFF086  }
0x25: {  	[simem:s6], [sflag:s4] =	dma.local [hbm:s3], $0xF7A  }
0x26: {  	[smem:$0x3F9F] =	sst s1;
	(tag) =	ssettag s2;
	_ =	strace s9  }
0x27: {  	s1 =	sld [smem:$0x3FAF]  }
0x28: {  	s2 =	sld [smem:$0x3FB0]  }
0x29: {  	s4 =	sld [smem:$0x3FB2]  }
0x2a: {  	p0 =	seq.s32 s5, $0x0;
	s5 =	sld [smem:$0x3FB3]  }
0x2b: {  	s6 =	sld [smem:$0x3FB4]  }
0x2c: {  	s7 =	sld [smem:$0x3FB5]  }
0x2d: {  	s3 =	simm.s32 $0x108;
	s8 =	sld [smem:$0x3FB6]  }
0x2e: {  	s3 =	simm.s32 @!p0 $0x1082;
	s9 =	sld [smem:$0x3FB7]  }
0x2f: {  	lr =	sadd.s32 s0, s3;
	s0 =	sld [smem:$0x3FAE]  }
0x30: {  	s3 =	sld [smem:$0x3FB1]  }
0x31: {  	[smem:$0x3FBA] =	sst s10  }
0x32: {  	s10 =	sld [smem:$0x3FB8];
	_ =	sdelay $0x3  }
0x33: {  	p0 =	seq.s32 s10, $0x1;
	s10 =	sld [smem:$0x3FBA];
	_ =	sdelay $0x3  }
0x34: {  	[smem:$0x3FBA] =	sst s10  }
0x35: {  	s10 =	sld [smem:$0x3FB9];
	_ =	sdelay $0x3  }
0x36: {  	p1 =	seq.s32 s10, $0x1;
	s10 =	sld [smem:$0x3FBA];
	_ =	sdelay $0x3  }
0x37: {  	[smem:$0x3FBA] =	sst s10  }
0x38: {  	s10 =	sld [smem:$0x3FBB]  }
0x39: {  	_ = 	snop;
	(pc) =	sbr.ind lr, $3  }
0x3a: {  	_ = 	snop  }
0x3b: {  	_ = 	snop  }
0x3c: {  	p2 =	seq.s32 s10, $0x1;
	s10 =	sld [smem:$0x3FBA]  }
0x3d: {  	_ =	shalt  }
0x3e: {  	_ =	shalt  }
0x3f: {  	_ =	shalt  }
0x40: {  	_ =	shalt  }
0x41: {  	_ =	shalt  }
0x42: {  	_ =	shalt  }
0x43: {  	_ =	shalt  }
0x44: {  	_ =	shalt  }
0x45: {  	_ =	shalt  }
0x46: {  	_ =	shalt  }
0x47: {  	_ =	shalt  }
0x48: {  	_ =	shalt  }
0x49: {  	_ =	shalt  }
0x4a: {  	_ =	shalt  }
0x4b: {  	_ =	shalt  }
0x4c: {  	_ =	shalt  }
0x4d: {  	_ =	shalt  }
0x4e: {  	_ =	shalt  }
0x4f: {  	_ =	shalt  }
0x50: {  	_ =	shalt  }
0x51: {  	_ =	shalt  }
0x52: {  	_ =	shalt  }
0x53: {  	_ =	shalt  }
0x54: {  	_ =	shalt  }
0x55: {  	_ =	shalt  }
0x56: {  	_ =	shalt  }
0x57: {  	_ =	shalt  }
0x58: {  	_ =	shalt  }
0x59: {  	_ =	shalt  }
0x5a: {  	_ =	shalt  }
0x5b: {  	_ =	shalt  }
0x5c: {  	_ =	shalt  }
0x5d: {  	_ =	shalt  }
0x5e: {  	_ =	shalt  }
0x5f: {  	_ =	shalt  }
0x60: {  	_ =	shalt  }
0x61: {  	_ =	shalt  }
0x62: {  	_ =	shalt  }
0x63: {  	_ =	shalt  }
0x64: {  	_ =	shalt  }
0x65: {  	_ =	shalt  }
0x66: {  	_ =	shalt  }
0x67: {  	_ =	shalt  }
0x68: {  	_ =	shalt  }
0x69: {  	_ =	shalt  }
0x6a: {  	_ =	shalt  }
0x6b: {  	_ =	shalt  }
0x6c: {  	_ =	shalt  }
0x6d: {  	_ =	shalt  }
0x6e: {  	_ =	shalt  }
0x6f: {  	_ =	shalt  }
0x70: {  	_ =	shalt  }
0x71: {  	_ =	shalt  }
0x72: {  	_ =	shalt  }
0x73: {  	_ =	shalt  }
0x74: {  	_ =	shalt  }
0x75: {  	_ =	shalt  }
0x76: {  	_ =	shalt  }
0x77: {  	_ =	shalt  }
0x78: {  	_ =	shalt  }
0x79: {  	_ =	shalt  }
0x7a: {  	_ =	shalt  }
0x7b: {  	_ =	shalt  }
0x7c: {  	_ =	shalt  }
0x7d: {  	_ =	shalt  }
0x7e: {  	_ =	shalt  }
0x7f: {  	_ =	shalt  }
0x80: {  	_ =	shalt  }
0x81: {  	_ =	shalt  }
0x82: {  	_ =	shalt  }
0x83: {  	_ =	shalt  }
0x84: {  	_ =	shalt  }
0x85: {  	_ =	shalt  }
0x86: {  	_ =	shalt  }
0x87: {  	_ =	shalt  }
.Lfunc_end0:
.L_simem_size_0:
called_computation.1_lowered:
.L_overlay_start_0:
0x88: {  	s2 =	sld [smem:$0x3FD9]  }
0x89: {  	s3 =	sld [smem:$0x3FFE];
	_ =	sdelay $0x1  }
0x8a: {  	s1 =	srdreg.scid  }
0x8b: {  	s0 =	sand.u32 $0x1, s1  }
0x8c: {  	s17 =	sshll.u32 s0, $0xA;
	s2 =	sadd.s32 s3, s2  }
0x8d: {  	s2 =	sadd.s32 s2, s17  }
0x8e: {  	[smem:$0x3FC6] =	sst s2  }
0x8f: {  	_ = 	snop  }
0x90: {  	s2 =	sld [smem:$0x3FD0];
	(tm) =	ssettm $0x1  }
0x91: {  	s18 =	sld [smem:$0x3FFB];
	_ =	sdelay $0x3  }
0x92: {  	_ =	strace s18  }
0x93: {  	s3 =	sld [smem:$0x3FFC];
	_ =	sdelay $0x3  }
0x94: {  	_ =	strace s3  }
0x95: {  	s3 =	sld [smem:$0x3FFD];
	_ =	sdelay $0x3  }
0x96: {  	_ =	strace s3  }
0x97: {  	_ =	strace $0x8FFFFFFF  }
0x98: {  	s19 =	sld [smem:$0x3FDB];
	_ =	sdelay $0x1  }
0x99: {  	s4 =	simm.s32 $_scs_section_size  }
0x9a: {  	s5 =	simm.s32 $_size__tile_overlayer_lowered;
	s6 =	simm.s32 $_tile_overlayer_lowered  }
0x9b: {  	s22 =	simm.s32 $0x1BFF;
	s21 =	sshll.u32 s6, $0x1;
	s3 =	sadd.s32 s4, s19  }
0x9c: {  	s7 =	simm.s32 $0x0;
	s20 =	sshll.u32 s5, $0x1;
	s5 =	sadd.s32 s21, s3  }
0x9d: {  	[timem:s7], [sflag:s22] =	dma.local [hbm:s5], s20  }
0x9e: {  	_ =	swait.ge [sflag:s22], s20  }
0x9f: {  	s4 =	ssub.s32 $0x0, s20;
	[sflag:s22] =	ssyncset.done $0x0  }
0xa0: {  	[sflag:s22] =	ssyncadd.s32 s4;
	_ =	sdelay $0x1  }
0xa1: {  	s23 =	simm.s32 $0x1B8B  }
0xa2: {  	_ =	swait.ge [sflag:s23], $0x1  }
0xa3: {  	[sflag:s23] =	ssyncset.done $0x0  }
0xa4: {  	s25 =	simm.s32 $0x1B8E;
	s24 =	sld [smem:$0x3FFE];
	[sflag:s23] =	ssyncadd.s32 $0xFFFFFFFF  }
0xa5: {  	s26 =	simm.s32 $execute0_lowered;
	[smem:$0x3FD2] =	sst s25  }
0xa6: {  	s5 =	sshll.u32 s26, $0x1;
	_ =	strace $0x80000049;
	[dreg:$0x1] =	wrdreg $0xFFFFFFFF  }
0xa7: {  	s28 =	simm.s32 $_size_execute0_lowered;
	s3 =	sadd.s32 s3, s5;
	[dreg:$0x0] =	wrdreg $0x0  }
0xa8: {  	s5 =	sshll.u32 s28, $0x1;
	[dreg:$0x2] =	wrdreg s3  }
0xa9: {  	[dreg:$0x3] =	wrdreg s5  }
0xaa: {  	[dreg:$0x4] =	wrdreg $0xC0  }
0xab: {  	_ =	task [dreg:s7], $0x5FFFF  }
0xac: {  	[dreg:$0x1] =	wrdreg $0xFFFFFFFF  }
0xad: {  	[dreg:$0x0] =	wrdreg $0x60  }
0xae: {  	[dreg:$0x2] =	wrdreg s24  }
0xaf: {  	[dreg:$0x3] =	wrdreg s2  }
0xb0: {  	[dreg:$0x4] =	wrdreg $0x9  }
0xb1: {  	_ =	task.clear_ibuf [dreg:s7], $0x5FFFF;
	_ =	strace $0x90000049  }
0xb2: {  	s29 =	simm.s32 $0x9;
	_ =	strace $0x8000004B  }
0xb3: {  	_ =	swait.ge [sflag:s29], $0x1  }
0xb4: {  	[sflag:s29] =	ssyncadd.s32 $0xFFFFFFFF  }
0xb5: {  	_ =	strace $0x9000004B  }
0xb6: {  	_ =	sfence  }
0xb7: {  	s30 =	sld [smem:$0x0];
	_ =	sdelay $0x2  }
0xb8: {  	s31 =	sshll.u32 s1, $0xD;
	s1 =	sshrl.u32 s1, $0x2  }
0xb9: {  	s3 =	sand.u32 $0x4000, s31;
	s1 =	sadd.s32 s1, s30  }
0xba: {  	s0 =	sor.u32 s3, s0;
	s1 =	sshll.u32 s1, $0x11  }
0xbb: {  	s0 =	sor.u32 s1, s0  }
0xbc: {  	s0 =	sadd.s32 $0x8F2B, s0  }
0xbd: {  	[sflag:s0] =	ssyncadd.remote.s32 $0x1  }
0xbe: {  	_ =	sfence.sel $0xFFFF  }
0xbf: {  	[dreg:$0x0] =	wrdreg $0xFFFFFFFF;
	(pc) =	sbr.abs _section_cstart, $3  }
0xc0: {  	[dreg:$0x1] =	wrdreg $0xFFFFFFFF  }
0xc1: {  	_ =	task.clear_ibuf [dreg:s7], $0x2FFFF;
	_ =	strace $0x9FFFFFFF  }
0xc2: {  	(tm) =	ssettm $0x7FFFFFFF  }
0xc3: {  	_ =	shalt  }
tec
execute0_lowered:
.L_overlay_start_1:
0x0: {  	(tag) =	ssettag $0x1  }
0x1: {  	v0 =	vimm.s32 $0x1380;
	vm14 =	vcmask $0x300  }
0x2: {  	v1 =	vimm.s32 $0x3380;
	vm13 =	vcmask $0x704;
	vm12 =	vcmask $0xB08  }
0x3: {  	vm11 =	vcmask $0xF0C;
	vm10 =	vcmask $0x1310;
	vm9 =	vcmask $0x1714  }
0x4: {  	vm8 =	vcmask $0x1B18;
	vm7 =	vcmask $0x1F1C;
	vm5 =	vcmask $0x2320  }
0x5: {  	vm6 =	vcmask $0x2724;
	vm4 =	vcmask $0x2B28;
	vm3 =	vcmask $0x2F2C  }
0x6: {  	vm2 =	vcmask $0x3330;
	vm1 =	vcmask $0x3734;
	vm0 =	vcmask $0x3B38  }
0x7: {  	v2 =	vimm.s32 $0x1780;
	v3 =	vimm.s32 $0x3780;
	v4 =	vimm.s32 $0x1B80  }
0x8: {  	v5 =	vimm.s32 $0x3B80;
	v6 =	vimm.s32 $0x1F80;
	v7 =	vimm.s32 $0x3F80  }
0x9: {  	v0 =	vsel vm14, $0x0, v0;
	v1 =	vsel vm14, $0x2000, v1;
	v2 =	vsel vm14, $0x400, v2  }
0xa: {  	v3 =	vsel vm14, $0x2400, v3;
	v4 =	vsel vm14, $0x800, v4;
	v5 =	vsel vm14, $0x2800, v5  }
0xb: {  	v6 =	vsel vm14, $0xC00, v6;
	v7 =	vsel vm14, $0x2C00, v7;
	v0 =	vsel vm13, $0x80, v0  }
0xc: {  	v1 =	vsel vm13, $0x2080, v1;
	v2 =	vsel vm13, $0x480, v2;
	v3 =	vsel vm13, $0x2480, v3  }
0xd: {  	v4 =	vsel vm13, $0x880, v4;
	v5 =	vsel vm13, $0x2880, v5;
	v6 =	vsel vm13, $0xC80, v6  }
0xe: {  	v7 =	vsel vm13, $0x2C80, v7;
	v0 =	vsel vm12, $0x100, v0;
	v1 =	vsel vm12, $0x2100, v1  }
0xf: {  	v2 =	vsel vm12, $0x500, v2;
	v3 =	vsel vm12, $0x2500, v3;
	v4 =	vsel vm12, $0x900, v4  }
0x10: {  	v5 =	vsel vm12, $0x2900, v5;
	v6 =	vsel vm12, $0xD00, v6;
	v7 =	vsel vm12, $0x2D00, v7  }
0x11: {  	v0 =	vsel vm11, $0x180, v0;
	v1 =	vsel vm11, $0x2180, v1;
	v2 =	vsel vm11, $0x580, v2  }
0x12: {  	v3 =	vsel vm11, $0x2580, v3;
	v4 =	vsel vm11, $0x980, v4;
	v5 =	vsel vm11, $0x2980, v5  }
0x13: {  	v6 =	vsel vm11, $0xD80, v6;
	v7 =	vsel vm11, $0x2D80, v7;
	v0 =	vsel vm10, $0x200, v0  }
0x14: {  	v1 =	vsel vm10, $0x2200, v1;
	v2 =	vsel vm10, $0x600, v2;
	v3 =	vsel vm10, $0x2600, v3  }
0x15: {  	v4 =	vsel vm10, $0xA00, v4;
	v5 =	vsel vm10, $0x2A00, v5;
	v6 =	vsel vm10, $0xE00, v6  }
0x16: {  	v7 =	vsel vm10, $0x2E00, v7;
	v0 =	vsel vm9, $0x280, v0;
	v1 =	vsel vm9, $0x2280, v1  }
0x17: {  	v2 =	vsel vm9, $0x680, v2;
	v3 =	vsel vm9, $0x2680, v3;
	v4 =	vsel vm9, $0xA80, v4  }
0x18: {  	v5 =	vsel vm9, $0x2A80, v5;
	v6 =	vsel vm9, $0xE80, v6;
	v7 =	vsel vm9, $0x2E80, v7  }
0x19: {  	v0 =	vsel vm8, $0x300, v0;
	v1 =	vsel vm8, $0x2300, v1;
	v2 =	vsel vm8, $0x700, v2  }
0x1a: {  	v3 =	vsel vm8, $0x2700, v3;
	v4 =	vsel vm8, $0xB00, v4;
	v5 =	vsel vm8, $0x2B00, v5  }
0x1b: {  	v6 =	vsel vm8, $0xF00, v6;
	v7 =	vsel vm8, $0x2F00, v7;
	v0 =	vsel vm7, $0x380, v0  }
0x1c: {  	v1 =	vsel vm7, $0x2380, v1;
	v2 =	vsel vm7, $0x780, v2;
	v3 =	vsel vm7, $0x2780, v3  }
0x1d: {  	v4 =	vsel vm7, $0xB80, v4;
	v5 =	vsel vm7, $0x2B80, v5;
	v6 =	vsel vm7, $0xF80, v6  }
0x1e: {  	v7 =	vsel vm7, $0x2F80, v7;
	v0 =	vsel vm5, $0x1000, v0;
	v1 =	vsel vm5, $0x3000, v1  }
0x1f: {  	s0 =	srdreg.scid;
	s6 =	rddreg [dreg:$0x0];
	v2 =	vsel vm5, $0x1400, v2;
	v3 =	vsel vm5, $0x3400, v3;
	v4 =	vsel vm5, $0x1800, v4  }
0x20: {  	s1 =	stileid.u32;
	s2 =	rddreg [dreg:$0x1];
	v5 =	vsel vm5, $0x3800, v5;
	v6 =	vsel vm5, $0x1C00, v6;
	v7 =	vsel vm5, $0x3C00, v7  }
0x21: {  	s3 =	simm.s32 $0x0;
	s14 =	simm.s32 $0x1;
	s15 =	simm.s32 $0x80;
	v0 =	vsel vm6, $0x1080, v0;
	v1 =	vsel vm6, $0x3080, v1;
	v2 =	vsel vm6, $0x1480, v2  }
0x22: {  	s22 =	simm.s32 $0x200;
	s23 =	simm.s32 $0x2;
	s31 =	simm.s32 $0x7400;
	v3 =	vsel vm6, $0x3480, v3;
	v4 =	vsel vm6, $0x1880, v4;
	v5 =	vsel vm6, $0x3880, v5  }
0x23: {  	s12 =	simm.s32 $0xB400;
	s16 =	simm.s32 $0x4;
	s17 =	simm.s32 $0x6;
	v6 =	vsel vm6, $0x1C80, v6;
	v7 =	vsel vm6, $0x3C80, v7;
	v0 =	vsel vm4, $0x1100, v0  }
0x24: {  	s18 =	simm.s32 $0xC400;
	s19 =	simm.s32 $0xD400;
	s20 =	simm.s32 $0xE400;
	v1 =	vsel vm4, $0x3100, v1;
	v2 =	vsel vm4, $0x1500, v2;
	v3 =	vsel vm4, $0x3500, v3  }
0x25: {  	s21 =	simm.s32 $0xF400;
	s0 =	sand.u32 $0x1, s0;
	s1 =	sshll.u32 s1, $0x1;
	v4 =	vsel vm4, $0x1900, v4;
	v5 =	vsel vm4, $0x3900, v5;
	v6 =	vsel vm4, $0x1D00, v6  }
0x26: {  	s24 =	simm.s32 $0x0;
	[smem:$0x7FF] =	sst s3;
	s1 =	sor.u32 s0, s1;
	v7 =	vsel vm4, $0x3D00, v7;
	v0 =	vsel vm3, $0x1180, v0;
	v1 =	vsel vm3, $0x3180, v1  }
0x27: {  	s8 =	sadd.s32 $0x4000, s2;
	s9 =	sadd.s32 $0x8000, s2;
	s4 =	smul.u32 $0x6400, s1;
	v2 =	vsel vm3, $0x1580, v2;
	v3 =	vsel vm3, $0x3580, v3;
	v4 =	vsel vm3, $0x1980, v4  }
0x28: {  	s30 =	sadd.s32 $0xF42E80, s6;
	s0 =	ssub.s32 $0x2, s0;
	s5 =	smul.u32 $0x2400, s1;
	v5 =	vsel vm3, $0x3980, v5;
	v6 =	vsel vm3, $0x1D80, v6;
	v7 =	vsel vm3, $0x3D80, v7  }
0x29: {  	s11 =	sadd.s32 $0xC000, s2;
	s13 =	sadd.s32 $0xF42EC0, s6;
	s29 =	sshrl.u32 s0, $0x1;
	v0 =	vsel vm2, $0x1200, v0;
	v1 =	vsel vm2, $0x3200, v1;
	v2 =	vsel vm2, $0x1600, v2  }
0x2a: {  	s0 =	ssub.s32 s0, s29;
	s4 =	sand.u32 $0xFC000, s4;
	s5 =	sand.u32 $0x3C00, s5;
	v3 =	vsel vm2, $0x3600, v3;
	v4 =	vsel vm2, $0x1A00, v4;
	v5 =	vsel vm2, $0x3A00, v5  }
0x2b: {  	_ =	strace $0x8000004A;
	s0 =	smax.u32 s0, $0x1;
	s4 =	sor.u32 s5, s4;
	v6 =	vsel vm2, $0x1E00, v6;
	v7 =	vsel vm2, $0x3E00, v7;
	v0 =	vsel vm1, $0x1280, v0  }
.Ltmp0:
0x2c: {  	[dreg:$0x6] =	wrdreg s0;
	s5 =	sshrl.u32 s4, $0x3;
	v1 =	vsel vm1, $0x3280, v1;
	v2 =	vsel vm1, $0x1680, v2;
	v3 =	vsel vm1, $0x3680, v3;
	(pc) =	sbr.rel .LBB2_1-.Ltmp0, $4  }
0x2d: {  	s0 =	simm.s32 $0x8400;
	s4 =	sadd.s32 $0xF5BE00, s6;
	s7 =	sadd.s32 s5, s6;
	v4 =	vsel vm1, $0x1A80, v4;
	v5 =	vsel vm1, $0x3A80, v5;
	v6 =	vsel vm1, $0x1E80, v6  }
0x2e: {  	[dreg:$0x5] =	wrdreg s30;
	s5 =	smul.u32 $0x32, s1;
	s28 =	sadd.s32 $0xF42E00, s7;
	v7 =	vsel vm1, $0x3E80, v7;
	v0 =	vsel vm0, $0x1300, v0;
	v1 =	vsel vm0, $0x3300, v1  }
0x2f: {  	s1 =	simm.s32 $0x3;
	s7 =	sadd.s32 $0xF42E40, s7;
	[dreg:$0x3] =	wrdreg s28;
	v2 =	vsel vm0, $0x1700, v2;
	v3 =	vsel vm0, $0x3700, v3;
	v4 =	vsel vm0, $0x1B00, v4  }
0x30: {  	s6 =	simm.s32 $0x9400;
	[dreg:$0x4] =	wrdreg s7;
	s7 =	simm.s32 $0xA400;
	v5 =	vsel vm0, $0x3B00, v5;
	v6 =	vsel vm0, $0x1F00, v6;
	v7 =	vsel vm0, $0x3F00, v7  }
.LBB2_33:
0x31: {  	s10 =	simm.s32 $0x5  }
0x32: {  	_ =	swait.ge [sflag:s10], $0x1000  }
0x33: {  	[sflag:s10] =	ssyncset.done $0x0  }
0x34: {  	[sflag:s10] =	ssyncadd.s32 $0xFFFFF000  }
0x35: {  	_ =	swait.ge [sflag:s10], $0x1000  }
0x36: {  	[sflag:s10] =	ssyncset.done $0x0  }
0x37: {  	[sflag:s10] =	ssyncadd.s32 $0xFFFFF000  }
0x38: {  	_ =	swait.ge [sflag:s10], $0x1000  }
0x39: {  	[sflag:s10] =	ssyncset.done $0x0  }
0x3a: {  	[sflag:s10] =	ssyncadd.s32 $0xFFFFF000  }
0x3b: {  	_ =	swait.ge [sflag:s10], $0x1000  }
0x3c: {  	[sflag:s10] =	ssyncset.done $0x0  }
0x3d: {  	[sflag:s10] =	ssyncadd.s32 $0xFFFFF000  }
0x3e: {  	_ =	swait.ge [sflag:s17], $0x1000  }
0x3f: {  	[sflag:s17] =	ssyncset.done $0x0  }
0x40: {  	[sflag:s17] =	ssyncadd.s32 $0xFFFFF000  }
0x41: {  	_ =	swait.ge [sflag:s17], $0x1000  }
0x42: {  	[sflag:s17] =	ssyncset.done $0x0  }
0x43: {  	[sflag:s17] =	ssyncadd.s32 $0xFFFFF000  }
0x44: {  	_ =	swait.ge [sflag:s17], $0x1000  }
0x45: {  	[sflag:s17] =	ssyncset.done $0x0  }
0x46: {  	[sflag:s17] =	ssyncadd.s32 $0xFFFFF000  }
0x47: {  	_ =	swait.ge [sflag:s17], $0x1000  }
0x48: {  	s24 =	rddreg [dreg:$0x7]  }
0x49: {  	s30 =	rddreg [dreg:$0x6];
	s24 =	sadd.s32 $0x1, s24  }
0x4a: {  	p0 =	sne.s32 s24, s30  }
.Ltmp1:
0x4b: {  	_ = 	snop;
	(pc) =	sbr.rel @!p0 .LBB2_34-.Ltmp1, $3  }
0x4c: {  	_ =	sdelay $0x1  }
0x4d: {  	[sflag:s17] =	ssyncset.done $0x0  }
0x4e: {  	[sflag:s17] =	ssyncadd.s32 $0xFFFFF000  }
.LBB2_1:
0x4f: {  	[dreg:$0x7] =	wrdreg s24  }
0x50: {  	s10 =	rddreg [dreg:$0x3]  }
0x51: {  	[tilespmem:s3], [sflag:$0x1] =	stream.linear.gather [hbm4b:s10+s3], $0x200, $0x38;
	[tilespmem:$0x10400] =	vst v63  }
0x52: {  	_ =	swait.ge [sflag:s14], $0x200  }
0x53: {  	[sflag:s14] =	ssyncset.done $0x0  }
0x54: {  	s30 =	simm.s32 $0x400;
	[sflag:s14] =	ssyncadd.s32 $0xFFFFFE00  }
0x55: {  	[tilespmem:s30], [sflag:$0x3] =	stream.indirect.gather [hbm4b:s4+s15], $0x20, s3, s15, $0xb8;
	[tilespmem:$0x10400] =	vst v63  }
0x56: {  	s24 =	simm.s32 $0x1400  }
0x57: {  	[tilespmem:s24], [sflag:$0x3] =	stream.indirect.gather [hbm4b:s4+s15], $0x20, s15, s15, $0xb8;
	[tilespmem:$0x10400] =	vst v63  }
0x58: {  	s25 =	simm.s32 $0x100;
	s26 =	simm.s32 $0x2400  }
0x59: {  	[tilespmem:s26], [sflag:$0x3] =	stream.indirect.gather [hbm4b:s4+s15], $0x20, s25, s15, $0xb8;
	[tilespmem:$0x10400] =	vst v63  }
0x5a: {  	s28 =	simm.s32 $0x180;
	s29 =	simm.s32 $0x3400  }
0x5b: {  	[tilespmem:s29], [sflag:$0x3] =	stream.indirect.gather [hbm4b:s4+s15], $0x20, s28, s15, $0xb8;
	[tilespmem:$0x10400] =	vst v63  }
0x5c: {  	s10 =	simm.s32 $0x0;
	s30 =	rddreg [dreg:$0x4]  }
0x5d: {  	[tilespmem:s22], [sflag:$0x2] =	stream.linear.gather [hbm4b:s30+s3], $0x200, $0x38;
	[tilespmem:$0x10400] =	vst v63  }
.LBB2_2:
0x5e: {  	_ =	swait.ge [sflag:s23], $0x200  }
0x5f: {  	[sflag:s23] =	ssyncset.done $0x0  }
0x60: {  	s24 =	simm.s32 $0x4400;
	[sflag:s23] =	ssyncadd.s32 $0xFFFFFE00  }
0x61: {  	[tilespmem:s24], [sflag:$0x4] =	stream.indirect.gather [hbm4b:s4+s15], $0x20, s22, s15, $0xb8;
	[tilespmem:$0x10400] =	vst v63  }
0x62: {  	s30 =	simm.s32 $0x280;
	s25 =	simm.s32 $0x5400  }
0x63: {  	[tilespmem:s25], [sflag:$0x4] =	stream.indirect.gather [hbm4b:s4+s15], $0x20, s30, s15, $0xb8;
	[tilespmem:$0x10400] =	vst v63  }
0x64: {  	s26 =	simm.s32 $0x6400;
	s25 =	simm.s32 $0x300  }
0x65: {  	[tilespmem:s26], [sflag:$0x4] =	stream.indirect.gather [hbm4b:s4+s15], $0x20, s25, s15, $0xb8;
	[tilespmem:$0x10400] =	vst v63  }
0x66: {  	s29 =	simm.s32 $0x380  }
0x67: {  	[tilespmem:s31], [sflag:$0x4] =	stream.indirect.gather [hbm4b:s4+s15], $0x20, s29, s15, $0xb8;
	[tilespmem:$0x10400] =	vst v63  }
0x68: {  	_ =	swait.ge [sflag:s1], $0x4000  }
0x69: {  	p0 =	seq.s32 s10, $0x0;
	[sflag:s1] =	ssyncset.done $0x0  }
0x6a: {  	s26 =	smov.u32 s10;
	s10 =	simm.s32 @!p0 $0x5;
	[sflag:s1] =	ssyncadd.s32 $0xFFFFC000  }
0x6b: {  	_ =	swait.ge @!p0 [sflag:s10], $0x1000  }
0x6c: {  	[sflag:s10] =	ssyncset.done @!p0 $0x0  }
0x6d: {  	[sflag:s10] =	ssyncadd.s32 @!p0 $0xFFFFF000  }
0x6e: {  	_ =	swait.ge @!p0 [sflag:s10], $0x1000  }
0x6f: {  	[sflag:s10] =	ssyncset.done @!p0 $0x0  }
0x70: {  	[sflag:s10] =	ssyncadd.s32 @!p0 $0xFFFFF000  }
0x71: {  	_ =	swait.ge @!p0 [sflag:s10], $0x1000  }
0x72: {  	[sflag:s10] =	ssyncset.done @!p0 $0x0  }
0x73: {  	[sflag:s10] =	ssyncadd.s32 @!p0 $0xFFFFF000  }
0x74: {  	_ =	swait.ge @!p0 [sflag:s10], $0x1000  }
0x75: {  	[sflag:s10] =	ssyncset.done @!p0 $0x0  }
0x76: {  	[sflag:s10] =	ssyncadd.s32 @!p0 $0xFFFFF000;
	s10 =	simm.s32 $0x0  }
0x77: {  	v8 =	vld [tilespmem:s10+$0x400];
	_ =	sdelay $0x4  }
0x78: {  	[tilespmem:v0+s0+$0x0] =	vst.idx.msk $0xffff, v8  }
0x79: {  	v8 =	vld [tilespmem:s10+$0x410];
	_ =	sdelay $0x4  }
0x7a: {  	[tilespmem:v1+s0+$0x0] =	vst.idx.msk $0xffff, v8  }
0x7b: {  	v8 =	vor.u32 $0x1, v0;
	v9 =	vld [tilespmem:s10+$0x420];
	_ =	sdelay $0x4  }
0x7c: {  	[tilespmem:v8+s0+$0x0] =	vst.idx.msk $0xffff, v9  }
0x7d: {  	v9 =	vor.u32 $0x1, v1;
	v10 =	vld [tilespmem:s10+$0x430];
	_ =	sdelay $0x4  }
0x7e: {  	[tilespmem:v9+s0+$0x0] =	vst.idx.msk $0xffff, v10  }
0x7f: {  	v10 =	vor.u32 $0x2, v0;
	v11 =	vld [tilespmem:s10+$0x440];
	_ =	sdelay $0x4  }
0x80: {  	[tilespmem:v10+s0+$0x0] =	vst.idx.msk $0xffff, v11  }
0x81: {  	v12 =	vor.u32 $0x2, v1;
	v11 =	vld [tilespmem:s10+$0x450];
	_ =	sdelay $0x4  }
0x82: {  	[tilespmem:v12+s0+$0x0] =	vst.idx.msk $0xffff, v11  }
0x83: {  	v13 =	vor.u32 $0x3, v0;
	v11 =	vld [tilespmem:s10+$0x460];
	_ =	sdelay $0x4  }
0x84: {  	[tilespmem:v13+s0+$0x0] =	vst.idx.msk $0xffff, v11  }
0x85: {  	v11 =	vor.u32 $0x3, v1;
	v14 =	vld [tilespmem:s10+$0x470];
	_ =	sdelay $0x3  }
0x86: {  	s30 =	sshll.u32 s26, $0x1  }
0x87: {  	s28 =	simm.s32 $0x400;
	v15 =	vmov v0;
	s25 =	simm.s32 $0x80;
	s24 =	sadd.s32 s5, s30;
	[tilespmem:v11+s0+$0x0] =	vst.idx.msk $0xffff, v14;
	v14 =	vmov v1  }
.LBB2_3:
0x88: {  	p1 =	sne.s32 s28, $0x3E00;
	v16 =	vld [tilespmem:s25+$0x400];
	v15 =	vadd.s32 $0x4, v15;
	_ =	sdelay $0x4  }
0x89: {  	[tilespmem:v15+s0+$0x0] =	vst.idx.msk $0xffff, v16  }
0x8a: {  	v14 =	vadd.s32 $0x4, v14;
	v16 =	vld [tilespmem:s25+$0x410];
	_ =	sdelay $0x4  }
0x8b: {  	[tilespmem:v14+s0+$0x0] =	vst.idx.msk $0xffff, v16  }
0x8c: {  	v16 =	vor.u32 $0x1, v15;
	v17 =	vld [tilespmem:s25+$0x420];
	_ =	sdelay $0x4  }
0x8d: {  	[tilespmem:v16+s0+$0x0] =	vst.idx.msk $0xffff, v17  }
0x8e: {  	v16 =	vor.u32 $0x1, v14;
	v17 =	vld [tilespmem:s25+$0x430];
	_ =	sdelay $0x4  }
0x8f: {  	[tilespmem:v16+s0+$0x0] =	vst.idx.msk $0xffff, v17  }
0x90: {  	v16 =	vor.u32 $0x2, v15;
	v17 =	vld [tilespmem:s25+$0x440];
	_ =	sdelay $0x4  }
0x91: {  	[tilespmem:v16+s0+$0x0] =	vst.idx.msk $0xffff, v17  }
0x92: {  	v16 =	vor.u32 $0x2, v14;
	v17 =	vld [tilespmem:s25+$0x450];
	_ =	sdelay $0x4  }
0x93: {  	[tilespmem:v16+s0+$0x0] =	vst.idx.msk $0xffff, v17  }
0x94: {  	v16 =	vor.u32 $0x3, v15;
	v17 =	vld [tilespmem:s25+$0x460];
	_ =	sdelay $0x4  }
0x95: {  	[tilespmem:v16+s0+$0x0] =	vst.idx.msk $0xffff, v17  }
0x96: {  	v16 =	vor.u32 $0x3, v14;
	v17 =	vld [tilespmem:s25+$0x470]  }
.Ltmp2:
0x97: {  	(pc) =	sbr.rel @p1 .LBB2_3-.Ltmp2, $2  }
0x98: {  	_ =	sdelay $0x2  }
0x99: {  	s25 =	sshra.s32 s28, $0x2;
	s28 =	sadd.s32 $0x200, s28;
	[tilespmem:v16+s0+$0x0] =	vst.idx.msk $0xffff, v17  }
0x9a: {  	v16 =	vld [tilespmem:s25+$0x400];
	v15 =	vadd.s32 $0x4, v15;
	_ =	sdelay $0x4  }
0x9b: {  	[tilespmem:v15+s0+$0x0] =	vst.idx.msk $0xffff, v16  }
0x9c: {  	v14 =	vadd.s32 $0x4, v14;
	v16 =	vld [tilespmem:s25+$0x410];
	_ =	sdelay $0x4  }
0x9d: {  	[tilespmem:v14+s0+$0x0] =	vst.idx.msk $0xffff, v16  }
0x9e: {  	v16 =	vor.u32 $0x1, v15;
	v17 =	vld [tilespmem:s25+$0x420];
	_ =	sdelay $0x4  }
0x9f: {  	[tilespmem:v16+s0+$0x0] =	vst.idx.msk $0xffff, v17  }
0xa0: {  	v16 =	vor.u32 $0x1, v14;
	v17 =	vld [tilespmem:s25+$0x430];
	_ =	sdelay $0x4  }
0xa1: {  	[tilespmem:v16+s0+$0x0] =	vst.idx.msk $0xffff, v17  }
0xa2: {  	v16 =	vor.u32 $0x2, v15;
	v17 =	vld [tilespmem:s25+$0x440];
	_ =	sdelay $0x4  }
0xa3: {  	[tilespmem:v16+s0+$0x0] =	vst.idx.msk $0xffff, v17  }
0xa4: {  	v16 =	vor.u32 $0x2, v14;
	v17 =	vld [tilespmem:s25+$0x450];
	_ =	sdelay $0x4  }
0xa5: {  	[tilespmem:v16+s0+$0x0] =	vst.idx.msk $0xffff, v17  }
0xa6: {  	v15 =	vor.u32 $0x3, v15;
	v16 =	vld [tilespmem:s25+$0x460];
	_ =	sdelay $0x4  }
0xa7: {  	[tilespmem:v15+s0+$0x0] =	vst.idx.msk $0xffff, v16  }
0xa8: {  	v14 =	vor.u32 $0x3, v14;
	v15 =	vld [tilespmem:s25+$0x470];
	_ =	sdelay $0x4  }
0xa9: {  	[tilespmem:v14+s0+$0x0] =	vst.idx.msk $0xffff, v15  }
0xaa: {  	v14 =	vld [tilespmem:s10+$0x1400];
	_ =	sdelay $0x4  }
0xab: {  	[tilespmem:v2+s0+$0x0] =	vst.idx.msk $0xffff, v14  }
0xac: {  	v14 =	vld [tilespmem:s10+$0x1410];
	_ =	sdelay $0x4  }
0xad: {  	[tilespmem:v3+s0+$0x0] =	vst.idx.msk $0xffff, v14  }
0xae: {  	v14 =	vor.u32 $0x1, v2;
	v15 =	vld [tilespmem:s10+$0x1420];
	_ =	sdelay $0x4  }
0xaf: {  	[tilespmem:v14+s0+$0x0] =	vst.idx.msk $0xffff, v15  }
0xb0: {  	v15 =	vor.u32 $0x1, v3;
	v16 =	vld [tilespmem:s10+$0x1430];
	_ =	sdelay $0x4  }
0xb1: {  	[tilespmem:v15+s0+$0x0] =	vst.idx.msk $0xffff, v16  }
0xb2: {  	v16 =	vor.u32 $0x2, v2;
	v17 =	vld [tilespmem:s10+$0x1440];
	_ =	sdelay $0x4  }
0xb3: {  	[tilespmem:v16+s0+$0x0] =	vst.idx.msk $0xffff, v17  }
0xb4: {  	v17 =	vor.u32 $0x2, v3;
	v18 =	vld [tilespmem:s10+$0x1450];
	_ =	sdelay $0x4  }
0xb5: {  	[tilespmem:v17+s0+$0x0] =	vst.idx.msk $0xffff, v18  }
0xb6: {  	v19 =	vor.u32 $0x3, v2;
	v18 =	vld [tilespmem:s10+$0x1460];
	_ =	sdelay $0x4  }
0xb7: {  	[tilespmem:v19+s0+$0x0] =	vst.idx.msk $0xffff, v18  }
0xb8: {  	v18 =	vor.u32 $0x3, v3;
	v20 =	vld [tilespmem:s10+$0x1470];
	_ =	sdelay $0x4  }
0xb9: {  	v21 =	vmov v2;
	s25 =	simm.s32 $0x400;
	s10 =	simm.s32 $0x80;
	[tilespmem:v18+s0+$0x0] =	vst.idx.msk $0xffff, v20;
	v20 =	vmov v3  }
.LBB2_5:
0xba: {  	p1 =	sne.s32 s25, $0x3E00;
	v22 =	vld [tilespmem:s10+$0x1400];
	v21 =	vadd.s32 $0x4, v21;
	_ =	sdelay $0x4  }
0xbb: {  	[tilespmem:v21+s0+$0x0] =	vst.idx.msk $0xffff, v22  }
0xbc: {  	v20 =	vadd.s32 $0x4, v20;
	v22 =	vld [tilespmem:s10+$0x1410];
	_ =	sdelay $0x4  }
0xbd: {  	[tilespmem:v20+s0+$0x0] =	vst.idx.msk $0xffff, v22  }
0xbe: {  	v22 =	vor.u32 $0x1, v21;
	v23 =	vld [tilespmem:s10+$0x1420];
	_ =	sdelay $0x4  }
0xbf: {  	[tilespmem:v22+s0+$0x0] =	vst.idx.msk $0xffff, v23  }
0xc0: {  	v22 =	vor.u32 $0x1, v20;
	v23 =	vld [tilespmem:s10+$0x1430];
	_ =	sdelay $0x4  }
0xc1: {  	[tilespmem:v22+s0+$0x0] =	vst.idx.msk $0xffff, v23  }
0xc2: {  	v22 =	vor.u32 $0x2, v21;
	v23 =	vld [tilespmem:s10+$0x1440];
	_ =	sdelay $0x4  }
0xc3: {  	[tilespmem:v22+s0+$0x0] =	vst.idx.msk $0xffff, v23  }
0xc4: {  	v22 =	vor.u32 $0x2, v20;
	v23 =	vld [tilespmem:s10+$0x1450];
	_ =	sdelay $0x4  }
0xc5: {  	[tilespmem:v22+s0+$0x0] =	vst.idx.msk $0xffff, v23  }
0xc6: {  	v22 =	vor.u32 $0x3, v21;
	v23 =	vld [tilespmem:s10+$0x1460];
	_ =	sdelay $0x4  }
0xc7: {  	[tilespmem:v22+s0+$0x0] =	vst.idx.msk $0xffff, v23  }
0xc8: {  	v22 =	vor.u32 $0x3, v20;
	v23 =	vld [tilespmem:s10+$0x1470]  }
.Ltmp3:
0xc9: {  	(pc) =	sbr.rel @p1 .LBB2_5-.Ltmp3, $2  }
0xca: {  	_ =	sdelay $0x2  }
0xcb: {  	s10 =	sshra.s32 s25, $0x2;
	s25 =	sadd.s32 $0x200, s25;
	[tilespmem:v22+s0+$0x0] =	vst.idx.msk $0xffff, v23  }
0xcc: {  	v22 =	vld [tilespmem:s10+$0x1400];
	v21 =	vadd.s32 $0x4, v21;
	_ =	sdelay $0x4  }
0xcd: {  	[tilespmem:v21+s0+$0x0] =	vst.idx.msk $0xffff, v22  }
0xce: {  	v20 =	vadd.s32 $0x4, v20;
	v22 =	vld [tilespmem:s10+$0x1410];
	_ =	sdelay $0x4  }
0xcf: {  	[tilespmem:v20+s0+$0x0] =	vst.idx.msk $0xffff, v22  }
0xd0: {  	v22 =	vor.u32 $0x1, v21;
	v23 =	vld [tilespmem:s10+$0x1420];
	_ =	sdelay $0x4  }
0xd1: {  	[tilespmem:v22+s0+$0x0] =	vst.idx.msk $0xffff, v23  }
0xd2: {  	v22 =	vor.u32 $0x1, v20;
	v23 =	vld [tilespmem:s10+$0x1430];
	_ =	sdelay $0x4  }
0xd3: {  	[tilespmem:v22+s0+$0x0] =	vst.idx.msk $0xffff, v23  }
0xd4: {  	v22 =	vor.u32 $0x2, v21;
	v23 =	vld [tilespmem:s10+$0x1440];
	_ =	sdelay $0x4  }
0xd5: {  	[tilespmem:v22+s0+$0x0] =	vst.idx.msk $0xffff, v23  }
0xd6: {  	v22 =	vor.u32 $0x2, v20;
	v23 =	vld [tilespmem:s10+$0x1450];
	_ =	sdelay $0x4  }
0xd7: {  	[tilespmem:v22+s0+$0x0] =	vst.idx.msk $0xffff, v23  }
0xd8: {  	v21 =	vor.u32 $0x3, v21;
	v22 =	vld [tilespmem:s10+$0x1460];
	_ =	sdelay $0x4  }
0xd9: {  	[tilespmem:v21+s0+$0x0] =	vst.idx.msk $0xffff, v22  }
0xda: {  	p2 =	por $0x1, $0x1;
	v20 =	vor.u32 $0x3, v20;
	v21 =	vld [tilespmem:s10+$0x1470]  }
.Ltmp4:
0xdb: {  	_ = 	snop;
	(pc) =	sbr.rel @!p2 .LBB2_10-.Ltmp4, $3  }
0xdc: {  	_ =	sdelay $0x1  }
0xdd: {  	p1 =	por $0x0, $0x0  }
0xde: {  	s25 =	simm.s32 $0x0;
	p3 =	por $0x0, $0x0;
	s10 =	simm.s32 $0x0;
	[tilespmem:v20+s0+$0x0] =	vst.idx.msk $0xffff, v21;
	v21 =	vmov v4;
	v20 =	vmov v5  }
0xdf: {  	v20 =	vld [tilespmem:s10+$0x2400];
	_ =	sdelay $0x4  }
0xe0: {  	[tilespmem:v4+s0+$0x0] =	vst.idx.msk $0xffff, v20  }
0xe1: {  	v20 =	vld [tilespmem:s10+$0x2410];
	_ =	sdelay $0x4  }
0xe2: {  	[tilespmem:v5+s0+$0x0] =	vst.idx.msk $0xffff, v20  }
0xe3: {  	v20 =	vor.u32 $0x1, v4;
	v21 =	vld [tilespmem:s10+$0x2420];
	_ =	sdelay $0x4  }
0xe4: {  	[tilespmem:v20+s0+$0x0] =	vst.idx.msk $0xffff, v21  }
0xe5: {  	v20 =	vor.u32 $0x1, v5;
	v21 =	vld [tilespmem:s10+$0x2430];
	_ =	sdelay $0x4  }
0xe6: {  	[tilespmem:v20+s0+$0x0] =	vst.idx.msk $0xffff, v21  }
0xe7: {  	v20 =	vor.u32 $0x2, v4;
	v21 =	vld [tilespmem:s10+$0x2440];
	_ =	sdelay $0x4  }
0xe8: {  	[tilespmem:v20+s0+$0x0] =	vst.idx.msk $0xffff, v21  }
0xe9: {  	v20 =	vor.u32 $0x2, v5;
	v21 =	vld [tilespmem:s10+$0x2450];
	_ =	sdelay $0x4  }
0xea: {  	[tilespmem:v20+s0+$0x0] =	vst.idx.msk $0xffff, v21  }
0xeb: {  	v20 =	vor.u32 $0x3, v4;
	v21 =	vld [tilespmem:s10+$0x2460];
	_ =	sdelay $0x4  }
0xec: {  	[tilespmem:v20+s0+$0x0] =	vst.idx.msk $0xffff, v21  }
0xed: {  	p4 =	por $0x1, $0x1;
	v20 =	vor.u32 $0x3, v5;
	v21 =	vld [tilespmem:s10+$0x2470]  }
.Ltmp5:
0xee: {  	_ = 	snop;
	(pc) =	sbr.rel @!p4 .LBB2_8-.Ltmp5, $2  }
0xef: {  	_ =	sdelay $0x2  }
0xf0: {  	s25 =	simm.s32 $0x80;
	s28 =	simm.s32 $0x400;
	p3 =	por $0x1, $0x1;
	[tilespmem:v20+s0+$0x0] =	vst.idx.msk $0xffff, v21;
	v21 =	vmov v4;
	v20 =	vmov v5  }
.LBB2_9:
0xf1: {  	p4 =	sne.s32 s28, $0x3E00;
	v22 =	vld [tilespmem:s25+$0x2400];
	v21 =	vadd.s32 $0x4, v21;
	_ =	sdelay $0x4  }
0xf2: {  	[tilespmem:v21+s0+$0x0] =	vst.idx.msk $0xffff, v22  }
0xf3: {  	v20 =	vadd.s32 $0x4, v20;
	v22 =	vld [tilespmem:s25+$0x2410];
	_ =	sdelay $0x4  }
0xf4: {  	[tilespmem:v20+s0+$0x0] =	vst.idx.msk $0xffff, v22  }
0xf5: {  	v22 =	vor.u32 $0x1, v21;
	v23 =	vld [tilespmem:s25+$0x2420];
	_ =	sdelay $0x4  }
0xf6: {  	[tilespmem:v22+s0+$0x0] =	vst.idx.msk $0xffff, v23  }
0xf7: {  	v22 =	vor.u32 $0x1, v20;
	v23 =	vld [tilespmem:s25+$0x2430];
	_ =	sdelay $0x4  }
0xf8: {  	[tilespmem:v22+s0+$0x0] =	vst.idx.msk $0xffff, v23  }
0xf9: {  	v22 =	vor.u32 $0x2, v21;
	v23 =	vld [tilespmem:s25+$0x2440];
	_ =	sdelay $0x4  }
0xfa: {  	[tilespmem:v22+s0+$0x0] =	vst.idx.msk $0xffff, v23  }
0xfb: {  	v22 =	vor.u32 $0x2, v20;
	v23 =	vld [tilespmem:s25+$0x2450];
	_ =	sdelay $0x4  }
0xfc: {  	[tilespmem:v22+s0+$0x0] =	vst.idx.msk $0xffff, v23  }
0xfd: {  	v22 =	vor.u32 $0x3, v21;
	v23 =	vld [tilespmem:s25+$0x2460];
	_ =	sdelay $0x4  }
0xfe: {  	[tilespmem:v22+s0+$0x0] =	vst.idx.msk $0xffff, v23  }
0xff: {  	v22 =	vor.u32 $0x3, v20;
	v23 =	vld [tilespmem:s25+$0x2470]  }
.Ltmp6:
0x100: {  	(pc) =	sbr.rel @p4 .LBB2_9-.Ltmp6, $2  }
0x101: {  	_ =	sdelay $0x2  }
0x102: {  	s25 =	sshra.s32 s28, $0x2;
	s28 =	sadd.s32 $0x200, s28;
	[tilespmem:v22+s0+$0x0] =	vst.idx.msk $0xffff, v23  }
.LBB2_10:
0x103: {  	v21 =	vadd.s32 @p3 $0x4, v21  }
0x104: {  	v22 =	vld [tilespmem:s25+$0x2400];
	v21 =	vpsel p3, v21, v4;
	_ =	sdelay $0x4  }
0x105: {  	v20 =	vadd.s32 @p3 $0x4, v20;
	[tilespmem:v21+s0+$0x0] =	vst.idx.msk $0xffff, v22  }
0x106: {  	v20 =	vpsel p3, v20, v5;
	v22 =	vld [tilespmem:s25+$0x2410];
	_ =	sdelay $0x4  }
0x107: {  	[tilespmem:v20+s0+$0x0] =	vst.idx.msk $0xffff, v22  }
0x108: {  	v60 =	vor.u32 $0x1, v21;
	v23 =	vld [tilespmem:s25+$0x2420];
	_ =	sdelay $0x4  }
0x109: {  	[tilespmem:v60+s0+$0x0] =	vst.idx.msk $0xffff, v23  }
0x10a: {  	v61 =	vor.u32 $0x1, v20;
	v23 =	vld [tilespmem:s25+$0x2430];
	_ =	sdelay $0x4  }
0x10b: {  	[tilespmem:v61+s0+$0x0] =	vst.idx.msk $0xffff, v23  }
0x10c: {  	v62 =	vor.u32 $0x2, v21;
	v23 =	vld [tilespmem:s25+$0x2440];
	_ =	sdelay $0x4  }
0x10d: {  	[tilespmem:v62+s0+$0x0] =	vst.idx.msk $0xffff, v23  }
0x10e: {  	v63 =	vor.u32 $0x2, v20;
	v23 =	vld [tilespmem:s25+$0x2450];
	_ =	sdelay $0x4  }
0x10f: {  	[tilespmem:v63+s0+$0x0] =	vst.idx.msk $0xffff, v23  }
0x110: {  	v21 =	vor.u32 $0x3, v21;
	v22 =	vld [tilespmem:s25+$0x2460];
	_ =	sdelay $0x4  }
0x111: {  	[tilespmem:v21+s0+$0x0] =	vst.idx.msk $0xffff, v22  }
0x112: {  	v20 =	vor.u32 $0x3, v20;
	v21 =	vld [tilespmem:s25+$0x2470]  }
.Ltmp7:
0x113: {  	_ = 	snop;
	(pc) =	sbr.rel @!p2 .LBB2_11-.Ltmp7, $2  }
0x114: {  	_ =	sdelay $0x2  }
0x115: {  	[tilespmem:v20+s0+$0x0] =	vst.idx.msk $0xffff, v21  }
0x116: {  	v20 =	vld [tilespmem:s10+$0x3400];
	_ =	sdelay $0x4  }
0x117: {  	[tilespmem:v6+s0+$0x0] =	vst.idx.msk $0xffff, v20  }
0x118: {  	v20 =	vld [tilespmem:s10+$0x3410];
	_ =	sdelay $0x4  }
0x119: {  	[tilespmem:v7+s0+$0x0] =	vst.idx.msk $0xffff, v20  }
0x11a: {  	v20 =	vor.u32 $0x1, v6;
	v21 =	vld [tilespmem:s10+$0x3420];
	_ =	sdelay $0x4  }
0x11b: {  	[tilespmem:v20+s0+$0x0] =	vst.idx.msk $0xffff, v21  }
0x11c: {  	v20 =	vor.u32 $0x1, v7;
	v21 =	vld [tilespmem:s10+$0x3430];
	_ =	sdelay $0x4  }
0x11d: {  	[tilespmem:v20+s0+$0x0] =	vst.idx.msk $0xffff, v21  }
0x11e: {  	v20 =	vor.u32 $0x2, v6;
	v21 =	vld [tilespmem:s10+$0x3440];
	_ =	sdelay $0x4  }
0x11f: {  	[tilespmem:v20+s0+$0x0] =	vst.idx.msk $0xffff, v21  }
0x120: {  	v20 =	vor.u32 $0x2, v7;
	v21 =	vld [tilespmem:s10+$0x3450];
	_ =	sdelay $0x4  }
0x121: {  	[tilespmem:v20+s0+$0x0] =	vst.idx.msk $0xffff, v21  }
0x122: {  	v20 =	vor.u32 $0x3, v6;
	v21 =	vld [tilespmem:s10+$0x3460];
	_ =	sdelay $0x4  }
0x123: {  	[tilespmem:v20+s0+$0x0] =	vst.idx.msk $0xffff, v21  }
0x124: {  	p2 =	por $0x1, $0x1;
	v20 =	vor.u32 $0x3, v7;
	v21 =	vld [tilespmem:s10+$0x3470]  }
.Ltmp8:
0x125: {  	_ = 	snop;
	(pc) =	sbr.rel @!p2 .LBB2_13-.Ltmp8, $2  }
0x126: {  	_ =	sdelay $0x2  }
0x127: {  	s25 =	simm.s32 $0x400;
	p1 =	por $0x1, $0x1;
	s10 =	simm.s32 $0x80;
	[tilespmem:v20+s0+$0x0] =	vst.idx.msk $0xffff, v21;
	v21 =	vmov v6;
	v20 =	vmov v7  }
.LBB2_14:
0x128: {  	p2 =	sne.s32 s25, $0x3E00;
	v22 =	vld [tilespmem:s10+$0x3400];
	v21 =	vadd.s32 $0x4, v21;
	_ =	sdelay $0x4  }
0x129: {  	[tilespmem:v21+s0+$0x0] =	vst.idx.msk $0xffff, v22  }
0x12a: {  	v20 =	vadd.s32 $0x4, v20;
	v22 =	vld [tilespmem:s10+$0x3410];
	_ =	sdelay $0x4  }
0x12b: {  	[tilespmem:v20+s0+$0x0] =	vst.idx.msk $0xffff, v22  }
0x12c: {  	v22 =	vor.u32 $0x1, v21;
	v23 =	vld [tilespmem:s10+$0x3420];
	_ =	sdelay $0x4  }
0x12d: {  	[tilespmem:v22+s0+$0x0] =	vst.idx.msk $0xffff, v23  }
0x12e: {  	v22 =	vor.u32 $0x1, v20;
	v23 =	vld [tilespmem:s10+$0x3430];
	_ =	sdelay $0x4  }
0x12f: {  	[tilespmem:v22+s0+$0x0] =	vst.idx.msk $0xffff, v23  }
0x130: {  	v22 =	vor.u32 $0x2, v21;
	v23 =	vld [tilespmem:s10+$0x3440];
	_ =	sdelay $0x4  }
0x131: {  	[tilespmem:v22+s0+$0x0] =	vst.idx.msk $0xffff, v23  }
0x132: {  	v22 =	vor.u32 $0x2, v20;
	v23 =	vld [tilespmem:s10+$0x3450];
	_ =	sdelay $0x4  }
0x133: {  	[tilespmem:v22+s0+$0x0] =	vst.idx.msk $0xffff, v23  }
0x134: {  	v22 =	vor.u32 $0x3, v21;
	v23 =	vld [tilespmem:s10+$0x3460];
	_ =	sdelay $0x4  }
0x135: {  	[tilespmem:v22+s0+$0x0] =	vst.idx.msk $0xffff, v23  }
0x136: {  	v22 =	vor.u32 $0x3, v20;
	v23 =	vld [tilespmem:s10+$0x3470]  }
.Ltmp9:
0x137: {  	(pc) =	sbr.rel @p2 .LBB2_14-.Ltmp9, $2  }
0x138: {  	_ =	sdelay $0x2  }
0x139: {  	s10 =	sshra.s32 s25, $0x2;
	s25 =	sadd.s32 $0x200, s25;
	[tilespmem:v22+s0+$0x0] =	vst.idx.msk $0xffff, v23  }
.LBB2_15:
0x13a: {  	v21 =	vadd.s32 @p1 $0x4, v21  }
0x13b: {  	v22 =	vld [tilespmem:s10+$0x3400];
	v21 =	vpsel p1, v21, v6;
	_ =	sdelay $0x4  }
0x13c: {  	v20 =	vadd.s32 @p1 $0x4, v20;
	[tilespmem:v21+s0+$0x0] =	vst.idx.msk $0xffff, v22  }
0x13d: {  	v20 =	vpsel p1, v20, v7;
	v22 =	vld [tilespmem:s10+$0x3410];
	_ =	sdelay $0x4  }
0x13e: {  	[tilespmem:v20+s0+$0x0] =	vst.idx.msk $0xffff, v22  }
0x13f: {  	v60 =	vor.u32 $0x1, v21;
	v23 =	vld [tilespmem:s10+$0x3420];
	_ =	sdelay $0x4  }
0x140: {  	[tilespmem:v60+s0+$0x0] =	vst.idx.msk $0xffff, v23  }
0x141: {  	v61 =	vor.u32 $0x1, v20;
	v23 =	vld [tilespmem:s10+$0x3430];
	_ =	sdelay $0x4  }
0x142: {  	[tilespmem:v61+s0+$0x0] =	vst.idx.msk $0xffff, v23  }
0x143: {  	v62 =	vor.u32 $0x2, v21;
	v23 =	vld [tilespmem:s10+$0x3440];
	_ =	sdelay $0x4  }
0x144: {  	[tilespmem:v62+s0+$0x0] =	vst.idx.msk $0xffff, v23  }
0x145: {  	v63 =	vor.u32 $0x2, v20;
	v23 =	vld [tilespmem:s10+$0x3450];
	_ =	sdelay $0x4  }
0x146: {  	[tilespmem:v63+s0+$0x0] =	vst.idx.msk $0xffff, v23  }
0x147: {  	v21 =	vor.u32 $0x3, v21;
	v22 =	vld [tilespmem:s10+$0x3460];
	_ =	sdelay $0x4  }
0x148: {  	[tilespmem:v21+s0+$0x0] =	vst.idx.msk $0xffff, v22  }
0x149: {  	v20 =	vor.u32 $0x3, v20;
	v21 =	vld [tilespmem:s10+$0x3470]  }
0x14a: {  	s30 =	sshll.u32 s24, $0xC;
	s25 =	sshll.u32 s24, $0xE  }
0x14b: {  	s25 =	sand.u32 $0x7FF80000, s25;
	s10 =	sand.u32 $0x1E000, s30  }
0x14c: {  	s10 =	sor.u32 s10, s25  }
0x14d: {  	s25 =	sshrl.u32 s10, $0x3  }
0x14e: {  	s10 =	sadd.s32 s2, s25;
	[tilespmem:v20+s0+$0x0] =	vst.idx.msk $0xffff, v21  }
0x14f: {  	[hbm4b:s10+s3] =	stream.linear.scatter [tilespmem:s0], [sflag:$0x5], $0x1000, $0x38;
	[tilespmem:$0x10400] =	vst v63  }
0x150: {  	p1 =	sne.s32 s26, $0x18;
	s28 =	sadd.s32 s25, s8  }
0x151: {  	[hbm4b:s28+s3] =	stream.linear.scatter [tilespmem:s6], [sflag:$0x5], $0x1000, $0x38;
	[tilespmem:$0x10400] =	vst v63  }
.Ltmp10:
0x152: {  	_ = 	snop;
	(pc) =	sbr.rel @p1 .LBB2_17-.Ltmp10, $4  }
0x153: {  	s29 =	sadd.s32 s25, s9  }
0x154: {  	[hbm4b:s29+s3] =	stream.linear.scatter [tilespmem:s7], [sflag:$0x5], $0x1000, $0x38;
	[tilespmem:$0x10400] =	vst v63  }
0x155: {  	s30 =	sadd.s32 s25, s11  }
0x156: {  	[hbm4b:s30+s3] =	stream.linear.scatter [tilespmem:s12], [sflag:$0x5], $0x1000, $0x38;
	[tilespmem:$0x10400] =	vst v63  }
.Ltmp11:
0x157: {  	(pc) =	sbr.rel .LBB2_18-.Ltmp11, $4  }
0x158: {  	_ = 	snop  }
0x159: {  	_ =	swait.ge [sflag:s16], $0x4000  }
0x15a: {  	[sflag:s16] =	ssyncset.done $0x0  }
0x15b: {  	[sflag:s16] =	ssyncadd.s32 $0xFFFFC000  }
.LBB2_17:
0x15c: {  	s10 =	sshll.u32 s24, $0x6;
	s28 =	rddreg [dreg:$0x5]  }
0x15d: {  	s10 =	sadd.s32 s28, s10  }
0x15e: {  	[tilespmem:s3], [sflag:$0x1] =	stream.linear.gather [hbm4b:s10+s3], $0x200, $0x38;
	[tilespmem:$0x10400] =	vst v63  }
0x15f: {  	_ =	swait.ge [sflag:s14], $0x200  }
0x160: {  	[sflag:s14] =	ssyncset.done $0x0  }
0x161: {  	s30 =	simm.s32 $0x400;
	[sflag:s14] =	ssyncadd.s32 $0xFFFFFE00  }
0x162: {  	[tilespmem:s30], [sflag:$0x3] =	stream.indirect.gather [hbm4b:s4+s15], $0x20, s3, s15, $0xb8;
	[tilespmem:$0x10400] =	vst v63  }
0x163: {  	s28 =	simm.s32 $0x1400  }
0x164: {  	[tilespmem:s28], [sflag:$0x3] =	stream.indirect.gather [hbm4b:s4+s15], $0x20, s15, s15, $0xb8;
	[tilespmem:$0x10400] =	vst v63  }
0x165: {  	s29 =	simm.s32 $0x100;
	s30 =	simm.s32 $0x2400  }
0x166: {  	[tilespmem:s30], [sflag:$0x3] =	stream.indirect.gather [hbm4b:s4+s15], $0x20, s29, s15, $0xb8;
	[tilespmem:$0x10400] =	vst v63  }
.Ltmp12:
0x167: {  	s29 =	simm.s32 $0x180;
	s30 =	simm.s32 $0x3400;
	(pc) =	sbr.rel @p0 .LBB2_19-.Ltmp12, $4  }
0x168: {  	[tilespmem:s30], [sflag:$0x3] =	stream.indirect.gather [hbm4b:s4+s15], $0x20, s29, s15, $0xb8;
	[tilespmem:$0x10400] =	vst v63  }
0x169: {  	_ =	swait.ge [sflag:s16], $0x4000  }
0x16a: {  	[sflag:s16] =	ssyncset.done $0x0  }
0x16b: {  	[sflag:s16] =	ssyncadd.s32 $0xFFFFC000  }
.LBB2_18:
0x16c: {  	_ =	swait.ge [sflag:s17], $0x1000  }
0x16d: {  	[sflag:s17] =	ssyncset.done $0x0  }
0x16e: {  	[sflag:s17] =	ssyncadd.s32 $0xFFFFF000  }
0x16f: {  	_ =	swait.ge [sflag:s17], $0x1000  }
0x170: {  	[sflag:s17] =	ssyncset.done $0x0  }
0x171: {  	[sflag:s17] =	ssyncadd.s32 $0xFFFFF000  }
0x172: {  	_ =	swait.ge [sflag:s17], $0x1000  }
0x173: {  	[sflag:s17] =	ssyncset.done $0x0  }
0x174: {  	[sflag:s17] =	ssyncadd.s32 $0xFFFFF000  }
0x175: {  	_ =	swait.ge [sflag:s17], $0x1000  }
0x176: {  	[sflag:s17] =	ssyncset.done $0x0  }
0x177: {  	[sflag:s17] =	ssyncadd.s32 $0xFFFFF000  }
.LBB2_19:
0x178: {  	s28 =	simm.s32 $0x0  }
0x179: {  	v20 =	vld [tilespmem:s28+$0x4400];
	_ =	sdelay $0x4  }
0x17a: {  	[tilespmem:v0+s18+$0x0] =	vst.idx.msk $0xffff, v20  }
0x17b: {  	v20 =	vld [tilespmem:s28+$0x4410];
	_ =	sdelay $0x4  }
0x17c: {  	[tilespmem:v1+s18+$0x0] =	vst.idx.msk $0xffff, v20  }
0x17d: {  	v20 =	vld [tilespmem:s28+$0x4420];
	_ =	sdelay $0x4  }
0x17e: {  	[tilespmem:v8+s18+$0x0] =	vst.idx.msk $0xffff, v20  }
0x17f: {  	v8 =	vld [tilespmem:s28+$0x4430];
	_ =	sdelay $0x4  }
0x180: {  	[tilespmem:v9+s18+$0x0] =	vst.idx.msk $0xffff, v8  }
0x181: {  	v8 =	vld [tilespmem:s28+$0x4440];
	_ =	sdelay $0x4  }
0x182: {  	[tilespmem:v10+s18+$0x0] =	vst.idx.msk $0xffff, v8  }
0x183: {  	v8 =	vld [tilespmem:s28+$0x4450];
	_ =	sdelay $0x4  }
0x184: {  	[tilespmem:v12+s18+$0x0] =	vst.idx.msk $0xffff, v8  }
0x185: {  	v8 =	vld [tilespmem:s28+$0x4460];
	_ =	sdelay $0x4  }
0x186: {  	[tilespmem:v13+s18+$0x0] =	vst.idx.msk $0xffff, v8  }
0x187: {  	v8 =	vld [tilespmem:s28+$0x4470];
	_ =	sdelay $0x4  }
0x188: {  	s10 =	sadd.s32 $0x1, s26;
	s29 =	simm.s32 $0x80;
	s30 =	simm.s32 $0x400;
	v9 =	vmov v0;
	[tilespmem:v11+s18+$0x0] =	vst.idx.msk $0xffff, v8;
	v8 =	vmov v1  }
.LBB2_20:
0x189: {  	p0 =	sne.s32 s30, $0x3E00;
	v10 =	vld [tilespmem:s29+$0x4400];
	v9 =	vadd.s32 $0x4, v9;
	_ =	sdelay $0x4  }
0x18a: {  	[tilespmem:v9+s18+$0x0] =	vst.idx.msk $0xffff, v10  }
0x18b: {  	v8 =	vadd.s32 $0x4, v8;
	v10 =	vld [tilespmem:s29+$0x4410];
	_ =	sdelay $0x4  }
0x18c: {  	[tilespmem:v8+s18+$0x0] =	vst.idx.msk $0xffff, v10  }
0x18d: {  	v10 =	vor.u32 $0x1, v9;
	v11 =	vld [tilespmem:s29+$0x4420];
	_ =	sdelay $0x4  }
0x18e: {  	[tilespmem:v10+s18+$0x0] =	vst.idx.msk $0xffff, v11  }
0x18f: {  	v10 =	vor.u32 $0x1, v8;
	v11 =	vld [tilespmem:s29+$0x4430];
	_ =	sdelay $0x4  }
0x190: {  	[tilespmem:v10+s18+$0x0] =	vst.idx.msk $0xffff, v11  }
0x191: {  	v10 =	vor.u32 $0x2, v9;
	v11 =	vld [tilespmem:s29+$0x4440];
	_ =	sdelay $0x4  }
0x192: {  	[tilespmem:v10+s18+$0x0] =	vst.idx.msk $0xffff, v11  }
0x193: {  	v10 =	vor.u32 $0x2, v8;
	v11 =	vld [tilespmem:s29+$0x4450];
	_ =	sdelay $0x4  }
0x194: {  	[tilespmem:v10+s18+$0x0] =	vst.idx.msk $0xffff, v11  }
0x195: {  	v10 =	vor.u32 $0x3, v9;
	v11 =	vld [tilespmem:s29+$0x4460];
	_ =	sdelay $0x4  }
0x196: {  	[tilespmem:v10+s18+$0x0] =	vst.idx.msk $0xffff, v11  }
0x197: {  	v10 =	vor.u32 $0x3, v8;
	v11 =	vld [tilespmem:s29+$0x4470]  }
.Ltmp13:
0x198: {  	(pc) =	sbr.rel @p0 .LBB2_20-.Ltmp13, $2  }
0x199: {  	_ =	sdelay $0x2  }
0x19a: {  	s29 =	sshra.s32 s30, $0x2;
	s30 =	sadd.s32 $0x200, s30;
	[tilespmem:v10+s18+$0x0] =	vst.idx.msk $0xffff, v11  }
0x19b: {  	v10 =	vld [tilespmem:s29+$0x4400];
	v9 =	vadd.s32 $0x4, v9;
	_ =	sdelay $0x4  }
0x19c: {  	[tilespmem:v9+s18+$0x0] =	vst.idx.msk $0xffff, v10  }
0x19d: {  	v8 =	vadd.s32 $0x4, v8;
	v10 =	vld [tilespmem:s29+$0x4410];
	_ =	sdelay $0x4  }
0x19e: {  	[tilespmem:v8+s18+$0x0] =	vst.idx.msk $0xffff, v10  }
0x19f: {  	v10 =	vor.u32 $0x1, v9;
	v11 =	vld [tilespmem:s29+$0x4420];
	_ =	sdelay $0x4  }
0x1a0: {  	[tilespmem:v10+s18+$0x0] =	vst.idx.msk $0xffff, v11  }
0x1a1: {  	v10 =	vor.u32 $0x1, v8;
	v11 =	vld [tilespmem:s29+$0x4430];
	_ =	sdelay $0x4  }
0x1a2: {  	[tilespmem:v10+s18+$0x0] =	vst.idx.msk $0xffff, v11  }
0x1a3: {  	v10 =	vor.u32 $0x2, v9;
	v11 =	vld [tilespmem:s29+$0x4440];
	_ =	sdelay $0x4  }
0x1a4: {  	[tilespmem:v10+s18+$0x0] =	vst.idx.msk $0xffff, v11  }
0x1a5: {  	v10 =	vor.u32 $0x2, v8;
	v11 =	vld [tilespmem:s29+$0x4450];
	_ =	sdelay $0x4  }
0x1a6: {  	[tilespmem:v10+s18+$0x0] =	vst.idx.msk $0xffff, v11  }
0x1a7: {  	v9 =	vor.u32 $0x3, v9;
	v10 =	vld [tilespmem:s29+$0x4460];
	_ =	sdelay $0x4  }
0x1a8: {  	[tilespmem:v9+s18+$0x0] =	vst.idx.msk $0xffff, v10  }
0x1a9: {  	v8 =	vor.u32 $0x3, v8;
	v9 =	vld [tilespmem:s29+$0x4470];
	_ =	sdelay $0x4  }
0x1aa: {  	[tilespmem:v8+s18+$0x0] =	vst.idx.msk $0xffff, v9  }
0x1ab: {  	v8 =	vld [tilespmem:s28+$0x5400];
	_ =	sdelay $0x4  }
0x1ac: {  	[tilespmem:v2+s18+$0x0] =	vst.idx.msk $0xffff, v8  }
0x1ad: {  	v8 =	vld [tilespmem:s28+$0x5410];
	_ =	sdelay $0x4  }
0x1ae: {  	[tilespmem:v3+s18+$0x0] =	vst.idx.msk $0xffff, v8  }
0x1af: {  	v8 =	vld [tilespmem:s28+$0x5420];
	_ =	sdelay $0x4  }
0x1b0: {  	[tilespmem:v14+s18+$0x0] =	vst.idx.msk $0xffff, v8  }
0x1b1: {  	v8 =	vld [tilespmem:s28+$0x5430];
	_ =	sdelay $0x4  }
0x1b2: {  	[tilespmem:v15+s18+$0x0] =	vst.idx.msk $0xffff, v8  }
0x1b3: {  	v8 =	vld [tilespmem:s28+$0x5440];
	_ =	sdelay $0x4  }
0x1b4: {  	[tilespmem:v16+s18+$0x0] =	vst.idx.msk $0xffff, v8  }
0x1b5: {  	v8 =	vld [tilespmem:s28+$0x5450];
	_ =	sdelay $0x4  }
0x1b6: {  	[tilespmem:v17+s18+$0x0] =	vst.idx.msk $0xffff, v8  }
0x1b7: {  	v8 =	vld [tilespmem:s28+$0x5460];
	_ =	sdelay $0x4  }
0x1b8: {  	[tilespmem:v19+s18+$0x0] =	vst.idx.msk $0xffff, v8  }
0x1b9: {  	v8 =	vld [tilespmem:s28+$0x5470];
	_ =	sdelay $0x4  }
0x1ba: {  	s29 =	simm.s32 $0x400;
	v9 =	vmov v2;
	s28 =	simm.s32 $0x80;
	[tilespmem:v18+s18+$0x0] =	vst.idx.msk $0xffff, v8;
	v8 =	vmov v3  }
.LBB2_22:
0x1bb: {  	p0 =	sne.s32 s29, $0x3E00;
	v10 =	vld [tilespmem:s28+$0x5400];
	v9 =	vadd.s32 $0x4, v9;
	_ =	sdelay $0x4  }
0x1bc: {  	[tilespmem:v9+s18+$0x0] =	vst.idx.msk $0xffff, v10  }
0x1bd: {  	v8 =	vadd.s32 $0x4, v8;
	v10 =	vld [tilespmem:s28+$0x5410];
	_ =	sdelay $0x4  }
0x1be: {  	[tilespmem:v8+s18+$0x0] =	vst.idx.msk $0xffff, v10  }
0x1bf: {  	v10 =	vor.u32 $0x1, v9;
	v11 =	vld [tilespmem:s28+$0x5420];
	_ =	sdelay $0x4  }
0x1c0: {  	[tilespmem:v10+s18+$0x0] =	vst.idx.msk $0xffff, v11  }
0x1c1: {  	v10 =	vor.u32 $0x1, v8;
	v11 =	vld [tilespmem:s28+$0x5430];
	_ =	sdelay $0x4  }
0x1c2: {  	[tilespmem:v10+s18+$0x0] =	vst.idx.msk $0xffff, v11  }
0x1c3: {  	v10 =	vor.u32 $0x2, v9;
	v11 =	vld [tilespmem:s28+$0x5440];
	_ =	sdelay $0x4  }
0x1c4: {  	[tilespmem:v10+s18+$0x0] =	vst.idx.msk $0xffff, v11  }
0x1c5: {  	v10 =	vor.u32 $0x2, v8;
	v11 =	vld [tilespmem:s28+$0x5450];
	_ =	sdelay $0x4  }
0x1c6: {  	[tilespmem:v10+s18+$0x0] =	vst.idx.msk $0xffff, v11  }
0x1c7: {  	v10 =	vor.u32 $0x3, v9;
	v11 =	vld [tilespmem:s28+$0x5460];
	_ =	sdelay $0x4  }
0x1c8: {  	[tilespmem:v10+s18+$0x0] =	vst.idx.msk $0xffff, v11  }
0x1c9: {  	v10 =	vor.u32 $0x3, v8;
	v11 =	vld [tilespmem:s28+$0x5470]  }
.Ltmp14:
0x1ca: {  	(pc) =	sbr.rel @p0 .LBB2_22-.Ltmp14, $2  }
0x1cb: {  	_ =	sdelay $0x2  }
0x1cc: {  	s28 =	sshra.s32 s29, $0x2;
	s29 =	sadd.s32 $0x200, s29;
	[tilespmem:v10+s18+$0x0] =	vst.idx.msk $0xffff, v11  }
0x1cd: {  	v10 =	vld [tilespmem:s28+$0x5400];
	v9 =	vadd.s32 $0x4, v9;
	_ =	sdelay $0x4  }
0x1ce: {  	[tilespmem:v9+s18+$0x0] =	vst.idx.msk $0xffff, v10  }
0x1cf: {  	v8 =	vadd.s32 $0x4, v8;
	v10 =	vld [tilespmem:s28+$0x5410];
	_ =	sdelay $0x4  }
0x1d0: {  	[tilespmem:v8+s18+$0x0] =	vst.idx.msk $0xffff, v10  }
0x1d1: {  	v10 =	vor.u32 $0x1, v9;
	v11 =	vld [tilespmem:s28+$0x5420];
	_ =	sdelay $0x4  }
0x1d2: {  	[tilespmem:v10+s18+$0x0] =	vst.idx.msk $0xffff, v11  }
0x1d3: {  	v10 =	vor.u32 $0x1, v8;
	v11 =	vld [tilespmem:s28+$0x5430];
	_ =	sdelay $0x4  }
0x1d4: {  	[tilespmem:v10+s18+$0x0] =	vst.idx.msk $0xffff, v11  }
0x1d5: {  	v10 =	vor.u32 $0x2, v9;
	v11 =	vld [tilespmem:s28+$0x5440];
	_ =	sdelay $0x4  }
0x1d6: {  	[tilespmem:v10+s18+$0x0] =	vst.idx.msk $0xffff, v11  }
0x1d7: {  	v10 =	vor.u32 $0x2, v8;
	v11 =	vld [tilespmem:s28+$0x5450];
	_ =	sdelay $0x4  }
0x1d8: {  	[tilespmem:v10+s18+$0x0] =	vst.idx.msk $0xffff, v11  }
0x1d9: {  	v9 =	vor.u32 $0x3, v9;
	v10 =	vld [tilespmem:s28+$0x5460];
	_ =	sdelay $0x4  }
0x1da: {  	[tilespmem:v9+s18+$0x0] =	vst.idx.msk $0xffff, v10  }
0x1db: {  	p1 =	por $0x1, $0x1;
	v8 =	vor.u32 $0x3, v8;
	v9 =	vld [tilespmem:s28+$0x5470]  }
.Ltmp15:
0x1dc: {  	_ = 	snop;
	(pc) =	sbr.rel @!p1 .LBB2_27-.Ltmp15, $3  }
0x1dd: {  	_ =	sdelay $0x1  }
0x1de: {  	p0 =	por $0x0, $0x0  }
0x1df: {  	s29 =	simm.s32 $0x0;
	p2 =	por $0x0, $0x0;
	s28 =	simm.s32 $0x0;
	[tilespmem:v8+s18+$0x0] =	vst.idx.msk $0xffff, v9;
	v9 =	vmov v4;
	v8 =	vmov v5  }
0x1e0: {  	v8 =	vld [tilespmem:s28+$0x6400];
	_ =	sdelay $0x4  }
0x1e1: {  	[tilespmem:v4+s18+$0x0] =	vst.idx.msk $0xffff, v8  }
0x1e2: {  	v8 =	vld [tilespmem:s28+$0x6410];
	_ =	sdelay $0x4  }
0x1e3: {  	[tilespmem:v5+s18+$0x0] =	vst.idx.msk $0xffff, v8  }
0x1e4: {  	v8 =	vor.u32 $0x1, v4;
	v9 =	vld [tilespmem:s28+$0x6420];
	_ =	sdelay $0x4  }
0x1e5: {  	[tilespmem:v8+s18+$0x0] =	vst.idx.msk $0xffff, v9  }
0x1e6: {  	v8 =	vor.u32 $0x1, v5;
	v9 =	vld [tilespmem:s28+$0x6430];
	_ =	sdelay $0x4  }
0x1e7: {  	[tilespmem:v8+s18+$0x0] =	vst.idx.msk $0xffff, v9  }
0x1e8: {  	v8 =	vor.u32 $0x2, v4;
	v9 =	vld [tilespmem:s28+$0x6440];
	_ =	sdelay $0x4  }
0x1e9: {  	[tilespmem:v8+s18+$0x0] =	vst.idx.msk $0xffff, v9  }
0x1ea: {  	v8 =	vor.u32 $0x2, v5;
	v9 =	vld [tilespmem:s28+$0x6450];
	_ =	sdelay $0x4  }
0x1eb: {  	[tilespmem:v8+s18+$0x0] =	vst.idx.msk $0xffff, v9  }
0x1ec: {  	v8 =	vor.u32 $0x3, v4;
	v9 =	vld [tilespmem:s28+$0x6460];
	_ =	sdelay $0x4  }
0x1ed: {  	[tilespmem:v8+s18+$0x0] =	vst.idx.msk $0xffff, v9  }
0x1ee: {  	p3 =	por $0x1, $0x1;
	v8 =	vor.u32 $0x3, v5;
	v9 =	vld [tilespmem:s28+$0x6470]  }
.Ltmp16:
0x1ef: {  	_ = 	snop;
	(pc) =	sbr.rel @!p3 .LBB2_25-.Ltmp16, $2  }
0x1f0: {  	_ =	sdelay $0x2  }
0x1f1: {  	s29 =	simm.s32 $0x80;
	s30 =	simm.s32 $0x400;
	p2 =	por $0x1, $0x1;
	[tilespmem:v8+s18+$0x0] =	vst.idx.msk $0xffff, v9;
	v9 =	vmov v4;
	v8 =	vmov v5  }
.LBB2_26:
0x1f2: {  	p3 =	sne.s32 s30, $0x3E00;
	v10 =	vld [tilespmem:s29+$0x6400];
	v9 =	vadd.s32 $0x4, v9;
	_ =	sdelay $0x4  }
0x1f3: {  	[tilespmem:v9+s18+$0x0] =	vst.idx.msk $0xffff, v10  }
0x1f4: {  	v8 =	vadd.s32 $0x4, v8;
	v10 =	vld [tilespmem:s29+$0x6410];
	_ =	sdelay $0x4  }
0x1f5: {  	[tilespmem:v8+s18+$0x0] =	vst.idx.msk $0xffff, v10  }
0x1f6: {  	v10 =	vor.u32 $0x1, v9;
	v11 =	vld [tilespmem:s29+$0x6420];
	_ =	sdelay $0x4  }
0x1f7: {  	[tilespmem:v10+s18+$0x0] =	vst.idx.msk $0xffff, v11  }
0x1f8: {  	v10 =	vor.u32 $0x1, v8;
	v11 =	vld [tilespmem:s29+$0x6430];
	_ =	sdelay $0x4  }
0x1f9: {  	[tilespmem:v10+s18+$0x0] =	vst.idx.msk $0xffff, v11  }
0x1fa: {  	v10 =	vor.u32 $0x2, v9;
	v11 =	vld [tilespmem:s29+$0x6440];
	_ =	sdelay $0x4  }
0x1fb: {  	[tilespmem:v10+s18+$0x0] =	vst.idx.msk $0xffff, v11  }
0x1fc: {  	v10 =	vor.u32 $0x2, v8;
	v11 =	vld [tilespmem:s29+$0x6450];
	_ =	sdelay $0x4  }
0x1fd: {  	[tilespmem:v10+s18+$0x0] =	vst.idx.msk $0xffff, v11  }
0x1fe: {  	v10 =	vor.u32 $0x3, v9;
	v11 =	vld [tilespmem:s29+$0x6460];
	_ =	sdelay $0x4  }
0x1ff: {  	[tilespmem:v10+s18+$0x0] =	vst.idx.msk $0xffff, v11  }
0x200: {  	v10 =	vor.u32 $0x3, v8;
	v11 =	vld [tilespmem:s29+$0x6470]  }
.Ltmp17:
0x201: {  	(pc) =	sbr.rel @p3 .LBB2_26-.Ltmp17, $2  }
0x202: {  	_ =	sdelay $0x2  }
0x203: {  	s29 =	sshra.s32 s30, $0x2;
	s30 =	sadd.s32 $0x200, s30;
	[tilespmem:v10+s18+$0x0] =	vst.idx.msk $0xffff, v11  }
.LBB2_27:
0x204: {  	v9 =	vadd.s32 @p2 $0x4, v9  }
0x205: {  	v10 =	vld [tilespmem:s29+$0x6400];
	v9 =	vpsel p2, v9, v4;
	_ =	sdelay $0x4  }
0x206: {  	v8 =	vadd.s32 @p2 $0x4, v8;
	[tilespmem:v9+s18+$0x0] =	vst.idx.msk $0xffff, v10  }
0x207: {  	v8 =	vpsel p2, v8, v5;
	v10 =	vld [tilespmem:s29+$0x6410];
	_ =	sdelay $0x4  }
0x208: {  	[tilespmem:v8+s18+$0x0] =	vst.idx.msk $0xffff, v10  }
0x209: {  	v60 =	vor.u32 $0x1, v9;
	v11 =	vld [tilespmem:s29+$0x6420];
	_ =	sdelay $0x4  }
0x20a: {  	[tilespmem:v60+s18+$0x0] =	vst.idx.msk $0xffff, v11  }
0x20b: {  	v61 =	vor.u32 $0x1, v8;
	v11 =	vld [tilespmem:s29+$0x6430];
	_ =	sdelay $0x4  }
0x20c: {  	[tilespmem:v61+s18+$0x0] =	vst.idx.msk $0xffff, v11  }
0x20d: {  	v62 =	vor.u32 $0x2, v9;
	v11 =	vld [tilespmem:s29+$0x6440];
	_ =	sdelay $0x4  }
0x20e: {  	[tilespmem:v62+s18+$0x0] =	vst.idx.msk $0xffff, v11  }
0x20f: {  	v63 =	vor.u32 $0x2, v8;
	v11 =	vld [tilespmem:s29+$0x6450];
	_ =	sdelay $0x4  }
0x210: {  	[tilespmem:v63+s18+$0x0] =	vst.idx.msk $0xffff, v11  }
0x211: {  	v9 =	vor.u32 $0x3, v9;
	v10 =	vld [tilespmem:s29+$0x6460];
	_ =	sdelay $0x4  }
0x212: {  	[tilespmem:v9+s18+$0x0] =	vst.idx.msk $0xffff, v10  }
0x213: {  	v8 =	vor.u32 $0x3, v8;
	v9 =	vld [tilespmem:s29+$0x6470]  }
.Ltmp18:
0x214: {  	_ = 	snop;
	(pc) =	sbr.rel @!p1 .LBB2_28-.Ltmp18, $2  }
0x215: {  	_ =	sdelay $0x2  }
0x216: {  	[tilespmem:v8+s18+$0x0] =	vst.idx.msk $0xffff, v9  }
0x217: {  	v8 =	vld [tilespmem:s28+$0x7400];
	_ =	sdelay $0x4  }
0x218: {  	[tilespmem:v6+s18+$0x0] =	vst.idx.msk $0xffff, v8  }
0x219: {  	v8 =	vld [tilespmem:s28+$0x7410];
	_ =	sdelay $0x4  }
0x21a: {  	[tilespmem:v7+s18+$0x0] =	vst.idx.msk $0xffff, v8  }
0x21b: {  	v8 =	vor.u32 $0x1, v6;
	v9 =	vld [tilespmem:s28+$0x7420];
	_ =	sdelay $0x4  }
0x21c: {  	[tilespmem:v8+s18+$0x0] =	vst.idx.msk $0xffff, v9  }
0x21d: {  	v8 =	vor.u32 $0x1, v7;
	v9 =	vld [tilespmem:s28+$0x7430];
	_ =	sdelay $0x4  }
0x21e: {  	[tilespmem:v8+s18+$0x0] =	vst.idx.msk $0xffff, v9  }
0x21f: {  	v8 =	vor.u32 $0x2, v6;
	v9 =	vld [tilespmem:s28+$0x7440];
	_ =	sdelay $0x4  }
0x220: {  	[tilespmem:v8+s18+$0x0] =	vst.idx.msk $0xffff, v9  }
0x221: {  	v8 =	vor.u32 $0x2, v7;
	v9 =	vld [tilespmem:s28+$0x7450];
	_ =	sdelay $0x4  }
0x222: {  	[tilespmem:v8+s18+$0x0] =	vst.idx.msk $0xffff, v9  }
0x223: {  	v8 =	vor.u32 $0x3, v6;
	v9 =	vld [tilespmem:s28+$0x7460];
	_ =	sdelay $0x4  }
0x224: {  	[tilespmem:v8+s18+$0x0] =	vst.idx.msk $0xffff, v9  }
0x225: {  	p1 =	por $0x1, $0x1;
	v8 =	vor.u32 $0x3, v7;
	v9 =	vld [tilespmem:s28+$0x7470]  }
.Ltmp19:
0x226: {  	_ = 	snop;
	(pc) =	sbr.rel @!p1 .LBB2_30-.Ltmp19, $2  }
0x227: {  	_ =	sdelay $0x2  }
0x228: {  	s29 =	simm.s32 $0x400;
	p0 =	por $0x1, $0x1;
	s28 =	simm.s32 $0x80;
	[tilespmem:v8+s18+$0x0] =	vst.idx.msk $0xffff, v9;
	v9 =	vmov v6;
	v8 =	vmov v7  }
.LBB2_31:
0x229: {  	p1 =	sne.s32 s29, $0x3E00;
	v10 =	vld [tilespmem:s28+$0x7400];
	v9 =	vadd.s32 $0x4, v9;
	_ =	sdelay $0x4  }
0x22a: {  	[tilespmem:v9+s18+$0x0] =	vst.idx.msk $0xffff, v10  }
0x22b: {  	v8 =	vadd.s32 $0x4, v8;
	v10 =	vld [tilespmem:s28+$0x7410];
	_ =	sdelay $0x4  }
0x22c: {  	[tilespmem:v8+s18+$0x0] =	vst.idx.msk $0xffff, v10  }
0x22d: {  	v10 =	vor.u32 $0x1, v9;
	v11 =	vld [tilespmem:s28+$0x7420];
	_ =	sdelay $0x4  }
0x22e: {  	[tilespmem:v10+s18+$0x0] =	vst.idx.msk $0xffff, v11  }
0x22f: {  	v10 =	vor.u32 $0x1, v8;
	v11 =	vld [tilespmem:s28+$0x7430];
	_ =	sdelay $0x4  }
0x230: {  	[tilespmem:v10+s18+$0x0] =	vst.idx.msk $0xffff, v11  }
0x231: {  	v10 =	vor.u32 $0x2, v9;
	v11 =	vld [tilespmem:s28+$0x7440];
	_ =	sdelay $0x4  }
0x232: {  	[tilespmem:v10+s18+$0x0] =	vst.idx.msk $0xffff, v11  }
0x233: {  	v10 =	vor.u32 $0x2, v8;
	v11 =	vld [tilespmem:s28+$0x7450];
	_ =	sdelay $0x4  }
0x234: {  	[tilespmem:v10+s18+$0x0] =	vst.idx.msk $0xffff, v11  }
0x235: {  	v10 =	vor.u32 $0x3, v9;
	v11 =	vld [tilespmem:s28+$0x7460];
	_ =	sdelay $0x4  }
0x236: {  	[tilespmem:v10+s18+$0x0] =	vst.idx.msk $0xffff, v11  }
0x237: {  	v10 =	vor.u32 $0x3, v8;
	v11 =	vld [tilespmem:s28+$0x7470]  }
.Ltmp20:
0x238: {  	(pc) =	sbr.rel @p1 .LBB2_31-.Ltmp20, $2  }
0x239: {  	_ =	sdelay $0x2  }
0x23a: {  	s28 =	sshra.s32 s29, $0x2;
	s29 =	sadd.s32 $0x200, s29;
	[tilespmem:v10+s18+$0x0] =	vst.idx.msk $0xffff, v11  }
.LBB2_32:
0x23b: {  	v9 =	vadd.s32 @p0 $0x4, v9  }
0x23c: {  	v10 =	vld [tilespmem:s28+$0x7400];
	v9 =	vpsel p0, v9, v6;
	_ =	sdelay $0x4  }
0x23d: {  	v8 =	vadd.s32 @p0 $0x4, v8;
	[tilespmem:v9+s18+$0x0] =	vst.idx.msk $0xffff, v10  }
0x23e: {  	v8 =	vpsel p0, v8, v7;
	v10 =	vld [tilespmem:s28+$0x7410];
	_ =	sdelay $0x4  }
0x23f: {  	[tilespmem:v8+s18+$0x0] =	vst.idx.msk $0xffff, v10  }
0x240: {  	v60 =	vor.u32 $0x1, v9;
	v11 =	vld [tilespmem:s28+$0x7420];
	_ =	sdelay $0x4  }
0x241: {  	[tilespmem:v60+s18+$0x0] =	vst.idx.msk $0xffff, v11  }
0x242: {  	v61 =	vor.u32 $0x1, v8;
	v11 =	vld [tilespmem:s28+$0x7430];
	_ =	sdelay $0x4  }
0x243: {  	[tilespmem:v61+s18+$0x0] =	vst.idx.msk $0xffff, v11  }
0x244: {  	v62 =	vor.u32 $0x2, v9;
	v11 =	vld [tilespmem:s28+$0x7440];
	_ =	sdelay $0x4  }
0x245: {  	[tilespmem:v62+s18+$0x0] =	vst.idx.msk $0xffff, v11  }
0x246: {  	v63 =	vor.u32 $0x2, v8;
	v11 =	vld [tilespmem:s28+$0x7450];
	_ =	sdelay $0x4  }
0x247: {  	[tilespmem:v63+s18+$0x0] =	vst.idx.msk $0xffff, v11  }
0x248: {  	v9 =	vor.u32 $0x3, v9;
	v10 =	vld [tilespmem:s28+$0x7460];
	_ =	sdelay $0x4  }
0x249: {  	[tilespmem:v9+s18+$0x0] =	vst.idx.msk $0xffff, v10  }
0x24a: {  	v8 =	vor.u32 $0x3, v8;
	v9 =	vld [tilespmem:s28+$0x7470];
	_ =	sdelay $0x3  }
0x24b: {  	s25 =	sor.u32 $0x200, s25  }
0x24c: {  	s30 =	sadd.s32 s2, s25;
	[tilespmem:v8+s18+$0x0] =	vst.idx.msk $0xffff, v9  }
0x24d: {  	[hbm4b:s30+s3] =	stream.linear.scatter [tilespmem:s18], [sflag:$0x6], $0x1000, $0x38;
	[tilespmem:$0x10400] =	vst v63  }
0x24e: {  	s29 =	sadd.s32 s25, s8  }
0x24f: {  	[hbm4b:s29+s3] =	stream.linear.scatter [tilespmem:s19], [sflag:$0x6], $0x1000, $0x38;
	[tilespmem:$0x10400] =	vst v63  }
0x250: {  	p0 =	seq.s32 s26, $0x18;
	s30 =	sadd.s32 s25, s9  }
0x251: {  	[hbm4b:s30+s3] =	stream.linear.scatter [tilespmem:s20], [sflag:$0x6], $0x1000, $0x38;
	[tilespmem:$0x10400] =	vst v63  }
0x252: {  	s24 =	sshll.u32 @!p0 s24, $0x6;
	s26 =	simm.s32 @!p0 $0x200;
	s25 =	sadd.s32 s25, s11  }
0x253: {  	[hbm4b:s25+s3] =	stream.linear.scatter [tilespmem:s21], [sflag:$0x6], $0x1000, $0x38;
	[tilespmem:$0x10400] =	vst v63  }
0x254: {  	p1 =	sne.s32 @!p0 s10, $0x19;
	s24 =	sadd.s32 @!p0 s13, s24;
	s25 =	simm.s32 @!p0 $0x0  }
0x255: {  	[tilespmem:s26], [sflag:$0x2] =	stream.linear.gather @!p0 [hbm4b:s24+s25], $0x200, $0x38;
	[tilespmem:$0x10400] =	vst v63  }
0x256: {  	p0 =	por p0, !p1  }
.Ltmp21:
0x257: {  	_ = 	snop;
	(pc) =	sbr.rel @!p0 .LBB2_2-.Ltmp21, $4  }
.Ltmp22:
0x258: {  	_ = 	snop;
	(pc) =	sbr.rel @p0 .LBB2_33-.Ltmp22, $4  }
0x259: {  	_ = 	snop  }
0x25a: {  	_ = 	snop  }
0x25b: {  	_ = 	snop  }
0x25c: {  	_ = 	snop  }
.LBB2_11:
.Ltmp23:
0x25d: {  	(pc) =	sbr.rel .LBB2_15-.Ltmp23, $2  }
0x25e: {  	_ =	sdelay $0x2  }
0x25f: {  	v21 =	vmov v6;
	v20 =	vmov v7  }
.LBB2_28:
.Ltmp24:
0x260: {  	(pc) =	sbr.rel .LBB2_32-.Ltmp24, $2  }
0x261: {  	_ =	sdelay $0x2  }
0x262: {  	v9 =	vmov v6;
	v8 =	vmov v7  }
.LBB2_8:
.Ltmp25:
0x263: {  	(pc) =	sbr.rel .LBB2_10-.Ltmp25, $2  }
0x264: {  	_ =	sdelay $0x2  }
0x265: {  	v21 =	vmov v4;
	v20 =	vmov v5  }
.LBB2_13:
.Ltmp26:
0x266: {  	(pc) =	sbr.rel .LBB2_15-.Ltmp26, $2  }
0x267: {  	_ =	sdelay $0x2  }
0x268: {  	v21 =	vmov v6;
	v20 =	vmov v7  }
.LBB2_25:
.Ltmp27:
0x269: {  	(pc) =	sbr.rel .LBB2_27-.Ltmp27, $2  }
0x26a: {  	_ =	sdelay $0x2  }
0x26b: {  	v9 =	vmov v4;
	v8 =	vmov v5  }
.LBB2_30:
.Ltmp28:
0x26c: {  	(pc) =	sbr.rel .LBB2_32-.Ltmp28, $2  }
0x26d: {  	_ =	sdelay $0x2  }
0x26e: {  	v9 =	vmov v6;
	v8 =	vmov v7  }
.LBB2_34:
0x26f: {  	_ =	sfence.sel $0x180000  }
0x270: {  	[bflag:$0x0] =	sbarrier.arrive $0xFFFF  }
0x271: {  	_ =	strace $0x9000004A  }
0x272: {  	s0 =	stileid.u32;
	[bflag:$0x2] =	sbarrier.arrive $0xFFFF  }
0x273: {  	p0 =	sne.s32 s0, $0x0;
	s0 =	rddreg [dreg:$0x2]  }
0x274: {  	s0 =	sadd.s32 @!p0 $0x100000, s0  }
0x275: {  	[sflag:s0] =	ssyncadd.tile.s32 @!p0 $0x1;
	_ =	shalt  }
.Lfunc_end2:
_tile_overlayer_lowered:
.L_overlay_start_2:
0x276: {  	(tag) =	ssettag $0x2  }
0x277: {  	s0 =	rddreg [dreg:$0x0];
	s2 =	stileid.u32  }
0x278: {  	s1 =	rddreg [dreg:$0x1];
	p0 =	sne.s32 s2, $0x0  }
0x279: {  	s3 =	rddreg [dreg:$0x2];
	[bflag:$0x3] =	sbarrier.arrive $0xFFFF;
	s2 =	simm.s32 @!p0 $0x1C07  }
0x27a: {  	[timem:s3], [sflag:s2] =	dma.local @!p0 [hbm:s0], s1  }
0x27b: {  	s0 =	simm.s32 @!p0 $0x7  }
0x27c: {  	_ =	swait.ge @!p0 [sflag:s0], s1  }
0x27d: {  	s1 =	ssub.s32 @!p0 $0x0, s1;
	[sflag:s0] =	ssyncset.done @!p0 $0x0  }
0x27e: {  	[sflag:s0] =	ssyncadd.s32 @!p0 s1  }
0x27f: {  	[bflag:$0x3] =	sbarrier.arrive $0xFFFF  }
0x280: {  	_ =	shalt  }

// kernel: sparse-core-data-format-call.cloned.1.call-start
scs
called_computation_lowered:
.L_overlay_start_0:
0x0: {  	s2 =	sld [smem:$0x3FD9]  }
0x1: {  	s3 =	sld [smem:$0x3FFE];
	_ =	sdelay $0x1  }
0x2: {  	s1 =	srdreg.scid  }
0x3: {  	s0 =	sand.u32 $0x1, s1  }
0x4: {  	s18 =	sshll.u32 s0, $0xA;
	s2 =	sadd.s32 s3, s2  }
0x5: {  	s2 =	sadd.s32 s2, s18  }
0x6: {  	[smem:$0x3FC6] =	sst s2  }
0x7: {  	_ = 	snop  }
0x8: {  	s2 =	sld [smem:$0x3FC8];
	(tm) =	ssettm $0x1  }
0x9: {  	s19 =	sld [smem:$0x3FFB];
	_ =	sdelay $0x3  }
0xa: {  	_ =	strace s19  }
0xb: {  	s3 =	sld [smem:$0x3FFC];
	_ =	sdelay $0x3  }
0xc: {  	_ =	strace s3  }
0xd: {  	s3 =	sld [smem:$0x3FFD];
	_ =	sdelay $0x3  }
0xe: {  	_ =	strace s3  }
0xf: {  	_ =	strace $0x8FFFFFFF  }
0x10: {  	s20 =	sld [smem:$0x3FDB];
	_ =	sdelay $0x1  }
0x11: {  	s4 =	simm.s32 $_scs_section_size  }
0x12: {  	s5 =	simm.s32 $_size__tile_overlayer_lowered;
	s6 =	simm.s32 $_tile_overlayer_lowered  }
0x13: {  	s23 =	simm.s32 $0x1BFF;
	s22 =	sshll.u32 s6, $0x1;
	s3 =	sadd.s32 s4, s20  }
0x14: {  	s7 =	simm.s32 $0x0;
	s21 =	sshll.u32 s5, $0x1;
	s5 =	sadd.s32 s22, s3  }
0x15: {  	[timem:s7], [sflag:s23] =	dma.local [hbm:s5], s21  }
0x16: {  	_ =	swait.ge [sflag:s23], s21  }
0x17: {  	s4 =	ssub.s32 $0x0, s21;
	[sflag:s23] =	ssyncset.done $0x0  }
0x18: {  	[sflag:s23] =	ssyncadd.s32 s4;
	_ =	sdelay $0x1  }
0x19: {  	s24 =	simm.s32 $0x1B8B  }
0x1a: {  	_ =	swait.ge [sflag:s24], $0x1  }
0x1b: {  	[sflag:s24] =	ssyncset.done $0x0  }
0x1c: {  	s26 =	simm.s32 $0x1B8E;
	s25 =	sld [smem:$0x3FFE];
	[sflag:s24] =	ssyncadd.s32 $0xFFFFFFFF  }
0x1d: {  	s27 =	simm.s32 $execute0_lowered;
	[smem:$0x3FD2] =	sst s26  }
0x1e: {  	s5 =	sshll.u32 s27, $0x1;
	_ =	strace $0x80000046;
	[dreg:$0x1] =	wrdreg $0xFFFFFFFF  }
0x1f: {  	s28 =	simm.s32 $_size_execute0_lowered;
	s3 =	sadd.s32 s3, s5;
	[dreg:$0x0] =	wrdreg $0x0  }
0x20: {  	s5 =	sshll.u32 s28, $0x1;
	[dreg:$0x2] =	wrdreg s3  }
0x21: {  	[dreg:$0x3] =	wrdreg s5  }
0x22: {  	[dreg:$0x4] =	wrdreg $0xC0  }
0x23: {  	_ =	task [dreg:s7], $0x5FFFF  }
0x24: {  	[dreg:$0x1] =	wrdreg $0xFFFFFFFF  }
0x25: {  	[dreg:$0x0] =	wrdreg $0x60  }
0x26: {  	[dreg:$0x2] =	wrdreg s2  }
0x27: {  	[dreg:$0x3] =	wrdreg s25  }
0x28: {  	[dreg:$0x4] =	wrdreg $0x9  }
0x29: {  	_ =	task.clear_ibuf [dreg:s7], $0x5FFFF;
	_ =	strace $0x90000046  }
0x2a: {  	s29 =	simm.s32 $0x9;
	_ =	strace $0x80000048  }
0x2b: {  	_ =	swait.ge [sflag:s29], $0x1  }
0x2c: {  	[sflag:s29] =	ssyncadd.s32 $0xFFFFFFFF  }
0x2d: {  	_ =	strace $0x90000048  }
0x2e: {  	_ =	sfence  }
0x2f: {  	s30 =	sld [smem:$0x0];
	_ =	sdelay $0x2  }
0x30: {  	s31 =	sshll.u32 s1, $0xD;
	s1 =	sshrl.u32 s1, $0x2  }
0x31: {  	s3 =	sand.u32 $0x4000, s31;
	s1 =	sadd.s32 s1, s30  }
0x32: {  	s0 =	sor.u32 s3, s0;
	s1 =	sshll.u32 s1, $0x11  }
0x33: {  	s0 =	sor.u32 s1, s0  }
0x34: {  	s0 =	sadd.s32 $0x8F2B, s0  }
0x35: {  	[sflag:s0] =	ssyncadd.remote.s32 $0x1  }
0x36: {  	_ =	sfence.sel $0xFFFF  }
0x37: {  	[dreg:$0x0] =	wrdreg $0xFFFFFFFF;
	(pc) =	sbr.abs _section_cstart, $3  }
0x38: {  	[dreg:$0x1] =	wrdreg $0xFFFFFFFF  }
0x39: {  	_ =	task.clear_ibuf [dreg:s7], $0x2FFFF;
	_ =	strace $0x9FFFFFFF  }
0x3a: {  	(tm) =	ssettm $0x7FFFFFFF  }
0x3b: {  	_ =	shalt  }
tec
execute0_lowered:
.L_overlay_start_1:
0x0: {  	(tag) =	ssettag $0x1  }
0x1: {  	s0 =	srdreg.scid;
	s2 =	rddreg [dreg:$0x0]  }
0x2: {  	s5 =	rddreg [dreg:$0x1];
	s1 =	stileid.u32  }
0x3: {  	s4 =	simm.s32 $0x1;
	s6 =	simm.s32 $0x2;
	s15 =	simm.s32 $0x0  }
0x4: {  	p0 =	por $0x0, $0x0;
	s8 =	simm.s32 $0x80;
	s0 =	sshll.u32 s0, $0x4  }
0x5: {  	s14 =	simm.s32 $0x0;
	s9 =	simm.s32 $0x0;
	s3 =	sand.u32 $0x10, s0  }
.Ltmp0:
0x6: {  	s10 =	simm.s32 $0x0;
	s3 =	sor.u32 s1, s3;
	(pc) =	sbr.rel .LBB1_1-.Ltmp0, $4  }
0x7: {  	s0 =	rddreg [dreg:$0x2];
	_ =	strace $0x80000047;
	s3 =	sshll.u32 s3, $0x7  }
0x8: {  	s12 =	simm.s32 $0x0;
	[sflag:s4] =	ssyncpa.u1 $0x0;
	s7 =	ssub.s32 $0xF4200, s3  }
0x9: {  	s13 =	simm.s32 $0x0;
	[sflag:s6] =	ssyncpa.u1 $0x0;
	s6 =	sshrl.u32 s7, $0xC  }
0xa: {  	s5 =	sadd.s32 $0xA00, s5;
	s11 =	smov.u32 s3;
	s7 =	sadd.s32 $0x2, s6  }
.LBB1_5:
0xb: {  	p1 =	slt.u32 s13, $0x2  }
0xc: {  	s17 =	smov.u32 s15;
	p2 =	sgt.s32 @!p1 s15, $0xF41C0;
	s16 =	sshra.s32 @!p1 s15, $0x1F  }
0xd: {  	p3 =	sgt.s32 @!p1 s14, $0x60;
	s18 =	sshra.s32 @!p1 s14, $0x1F;
	p2 =	por !p2, p1  }
0xe: {  	s15 =	sand.u32 @!p1 s16, s15;
	p3 =	por !p3, p1;
	s16 =	smov.u32 s14  }
0xf: {  	s14 =	sand.u32 @!p1 s18, s14;
	s17 =	simm.s32 @p2 $0xF41C0;
	s16 =	simm.s32 @p3 $0x60  }
0x10: {  	s15 =	ssub.s32 @!p1 s17, s15;
	s14 =	ssub.s32 @!p1 s16, s14  }
0x11: {  	s18 =	smov.u32 s12;
	s16 =	sadd.s32 @!p1 $0xFFF0BE40, s15;
	s17 =	sadd.s32 @!p1 $0xFFFFFFA0, s14  }
0x12: {  	s15 =	ssub.s32 @!p1 $0xF4240, s15;
	p2 =	sgt.s32 @!p1 s16, $0x7F;
	p3 =	sgt.s32 @!p1 s17, $0x1F  }
0x13: {  	s14 =	ssub.s32 @!p1 $0x80, s14;
	p2 =	por !p2, p1;
	p3 =	por !p3, p1  }
0x14: {  	s16 =	sadd.s32 $0x1000, s11;
	s15 =	simm.s32 @!p2 $0x0;
	s14 =	simm.s32 @!p3 $0x0  }
0x15: {  	p2 =	sgt.s32 s16, $0xF423F;
	s14 =	smul.u32 @!p1 s14, s15;
	s15 =	sadd.s32 $0x20, s12  }
0x16: {  	s18 =	smov.u32 @p2 s15  }
0x17: {  	s16 =	smov.u32 @p2 s3;
	p2 =	sgt.s32 s18, $0x1F  }
0x18: {  	s18 =	simm.s32 @p2 $0x0;
	p2 =	sne.s32 s13, s7  }
.Ltmp1:
0x19: {  	p0 =	por !p0, !p0;
	s17 =	simm.s32 @!p1 $0x2;
	(pc) =	sbr.rel @!p2 .LBB1_6-.Ltmp1, $4  }
0x1a: {  	s15 =	smov.u32 s9;
	s9 =	smov.u32 s11;
	s14 =	sand.u32 @!p1 $0x3FFFFFFF, s14  }
0x1b: {  	s11 =	smov.u32 s16;
	_ =	swait.ge @!p1 [sflag:s17], s14;
	s19 =	ssub.s32 @!p1 $0x0, s14  }
0x1c: {  	s14 =	smov.u32 s10;
	s13 =	sadd.s32 $0x1, s13;
	[sflag:s17] =	ssyncset.done @!p1 $0x0  }
0x1d: {  	s10 =	smov.u32 s12;
	s12 =	smov.u32 s18;
	[sflag:s17] =	ssyncadd.s32 @!p1 s19  }
.LBB1_1:
0x1e: {  	p1 =	sgt.u32 s13, s6  }
0x1f: {  	s16 =	sshrl.u32 @!p1 s12, $0x3  }
0x20: {  	s17 =	sshll.u32 @!p1 s11, $0x3;
	s16 =	smul.u32 @!p1 $0x7A1400, s16  }
0x21: {  	s18 =	sshll.u32 @!p1 s12, $0x7;
	s17 =	sand.u32 @!p1 $0xFFFFFC00, s17  }
0x22: {  	s16 =	sadd.s32 @!p1 s16, s17;
	s17 =	sand.u32 @!p1 $0x380, s18  }
0x23: {  	s18 =	sand.u32 @!p1 $0x7F, s11;
	s16 =	sor.u32 @!p1 s17, s16  }
0x24: {  	s17 =	sor.u32 @!p1 s18, s16  }
0x25: {  	s18 =	smulhi.u32 @!p1 $0x218D6287, s17;
	_ =	sdelay $0x1  }
0x26: {  	s16 =	smulhi.u32 @!p1 $0x218D6287, s16;
	s18 =	sshrl.u32 @!p1 s18, $0x11  }
0x27: {  	s18 =	smul.u32 @!p1 $0xF4280, s18  }
0x28: {  	s19 =	sxor.u32 @!p1 $0xFFFFFFFF, s13;
	s16 =	sshrl.u32 @!p1 s16, $0x11  }
0x29: {  	s19 =	sshll.u32 @!p1 s19, $0xC;
	s16 =	sand.u32 @!p1 $0x1F, s16;
	s17 =	ssub.s32 @!p1 s17, s18  }
0x2a: {  	s16 =	smul.u32 @!p1 $0x1E850, s16;
	s18 =	sshrl.u32 @!p1 s17, $0x3;
	s17 =	sand.u32 @!p1 $0x7, s17  }
0x2b: {  	s19 =	sand.u32 @!p1 $0x1000, s19;
	s18 =	sadd.s32 @!p1 s2, s18;
	s17 =	sshll.u32 @!p1 s17, $0x12  }
0x2c: {  	s16 =	sadd.s32 @!p1 s16, s18;
	s17 =	sor.u32 @!p1 $0x400, s17;
	s18 =	simm.s32 @!p1 $0x7A1400  }
0x2d: {  	[tilespmem:s19], [sflag:$0x1] =	stream.strided.gather @!p1 [hbm4b:s16+s17], $0x1000, s18, s17, $0x38;
	[tilespmem:$0x4100] =	vst v63  }
0x2e: {  	p1 =	seq.s32 s13, $0x0  }
0x2f: {  	p2 =	sge.u32 @!p1 s13, s7  }
0x30: {  	p1 =	por p1, p2  }
.Ltmp2:
0x31: {  	_ = 	snop;
	(pc) =	sbr.rel @p1 .LBB1_5-.Ltmp2, $1  }
0x32: {  	_ =	sdelay $0x3  }
0x33: {  	s16 =	simm.s32 $0x1  }
0x34: {  	_ =	swait.ge [sflag:s4], $0x1000;
	s16 =	simm.s32 @!p0 $0x0  }
0x35: {  	[sflag:s4] =	ssyncset.done $0x0;
	s17 =	sshll.u32 s16, $0xC  }
0x36: {  	[sflag:s4] =	ssyncadd.s32 $0xFFFFF000;
	s17 =	sor.u32 $0x40, s17  }
0x37: {  	s16 =	smul.u32 $0x4200, s16;
	v0 =	vld [tilespmem:s17+$0x30]  }
0x38: {  	v1 =	vld [tilespmem:s17+$0xFFFFFFD0]  }
0x39: {  	s16 =	sshrl.u32 s16, $0x2;
	v5 =	vld [tilespmem:s17+$0xFFFFFFE0]  }
0x3a: {  	v6 =	vld [tilespmem:s17+$0xFFFFFFF0];
	s19 =	sor.u32 $0x2000, s16  }
0x3b: {  	s31 =	sand.u32 $0x1, s13;
	v4 =	vld [tilespmem:s17+$0x0];
	s18 =	sadd.s32 $0x0, s19  }
0x3c: {  	v3 =	vld [tilespmem:s17+$0x10];
	s16 =	smul.u32 $0x4200, s31;
	[tilespmem:s18+$0xE70 ss:$0x21] =	vst.msk $0xffff, v0  }
0x3d: {  	v2 =	vld [tilespmem:s17+$0x20];
	[tilespmem:s18+$0x210 ss:$0x21] =	vst.msk $0xffff, v1  }
0x3e: {  	s16 =	sshrl.u32 s16, $0x2;
	v1 =	vld [tilespmem:s17+$0xFFFFFFC0];
	[tilespmem:s18+$0x420 ss:$0x21] =	vst.msk $0xffff, v5;
	s17 =	sadd.s32 $0x80, s17  }
0x3f: {  	s20 =	simm.s32 $0x4;
	s21 =	simm.s32 $0x8;
	s16 =	sor.u32 $0x2000, s16;
	[tilespmem:s18+$0x630 ss:$0x21] =	vst.msk $0xffff, v6;
	v0 =	vld [tilespmem:s17+$0x30]  }
.LBB1_3:
0x40: {  	p1 =	sne.s32 s21, $0x7C;
	v5 =	vld [tilespmem:s17+$0xFFFFFFD0];
	[tilespmem:s18+$0x840 ss:$0x21] =	vst.msk $0xffff, v4  }
0x41: {  	v6 =	vld [tilespmem:s17+$0xFFFFFFE0];
	[tilespmem:s18+$0xA50 ss:$0x21] =	vst.msk $0xffff, v3  }
0x42: {  	s22 =	sshra.s32 s20, $0x2;
	s20 =	smov.u32 s21;
	v7 =	vld [tilespmem:s17+$0xFFFFFFF0];
	[tilespmem:s18+$0xC60 ss:$0x21] =	vst.msk $0xffff, v2  }
.Ltmp3:
0x43: {  	v4 =	vld [tilespmem:s17+$0x0];
	[tilespmem:s18+$0x0 ss:$0x21] =	vst.msk $0xffff, v1;
	s18 =	sadd.s32 s22, s19;
	(pc) =	sbr.rel @p1 .LBB1_3-.Ltmp3, $4  }
0x44: {  	v3 =	vld [tilespmem:s17+$0x10];
	[tilespmem:s18+$0xE70 ss:$0x21] =	vst.msk $0xffff, v0  }
0x45: {  	[tilespmem:s18+$0x210 ss:$0x21] =	vst.msk $0xffff, v5;
	v2 =	vld [tilespmem:s17+$0x20]  }
0x46: {  	v1 =	vld [tilespmem:s17+$0xFFFFFFC0];
	[tilespmem:s18+$0x420 ss:$0x21] =	vst.msk $0xffff, v6;
	s17 =	sadd.s32 $0x80, s17  }
0x47: {  	s21 =	sadd.s32 $0x4, s21;
	v0 =	vld [tilespmem:s17+$0x30];
	[tilespmem:s18+$0x630 ss:$0x21] =	vst.msk $0xffff, v7  }
0x48: {  	s21 =	sshll.u32 s9, $0x7;
	s22 =	sshll.u32 s10, $0x3;
	s20 =	sshra.s32 s20, $0x2  }
0x49: {  	p1 =	sgt.s32 s9, $0xF41C0;
	s30 =	sshra.s32 s9, $0x1F;
	s25 =	sshra.s32 s10, $0x1F  }
0x4a: {  	v5 =	vld [tilespmem:s17+$0xFFFFFFD0];
	s28 =	sshrl.u32 s10, $0x3;
	s23 =	sand.u32 $0xFFFFFC00, s21;
	s22 =	sand.u32 $0xFFFFFC00, s22  }
0x4b: {  	[tilespmem:s18+$0x840 ss:$0x21] =	vst.msk $0xffff, v4;
	v58 =	vld [tilespmem:s17+$0xFFFFFFE0];
	s21 =	sand.u32 $0x380, s21;
	s19 =	sadd.s32 s20, s19;
	s22 =	sadd.s32 s22, s23  }
0x4c: {  	v59 =	vld [tilespmem:s17+$0xFFFFFFF0];
	[tilespmem:s18+$0xA50 ss:$0x21] =	vst.msk $0xffff, v3;
	s29 =	sor.u32 s21, s22;
	s21 =	smov.u32 s9;
	s22 =	sand.u32 s30, s9  }
0x4d: {  	v60 =	vld [tilespmem:s17+$0x0];
	[tilespmem:s18+$0xC60 ss:$0x21] =	vst.msk $0xffff, v2;
	s30 =	sand.u32 $0x7, s10;
	s20 =	sshrl.u32 s29, $0x7;
	s21 =	simm.s32 @!p1 $0xF41C0  }
0x4e: {  	v61 =	vld [tilespmem:s17+$0x10];
	[tilespmem:s18+$0x0 ss:$0x21] =	vst.msk $0xffff, v1;
	p1 =	sgt.s32 s10, $0x60;
	s24 =	ssub.s32 s21, s22;
	s21 =	smov.u32 s10  }
0x4f: {  	v62 =	vld [tilespmem:s17+$0x20];
	[tilespmem:s19+$0xE70 ss:$0x21] =	vst.msk $0xffff, v0;
	s31 =	smulhi.u32 $0x218DEF5, s20;
	s22 =	sand.u32 s25, s10;
	s21 =	simm.s32 @!p1 $0x60  }
0x50: {  	v63 =	vld [tilespmem:s17+$0xFFFFFFC0];
	[tilespmem:s19+$0x210 ss:$0x21] =	vst.msk $0xffff, v5;
	s26 =	sadd.s32 $0xFFF0BE40, s24;
	s17 =	ssub.s32 $0xF4240, s24;
	s21 =	ssub.s32 s21, s22  }
0x51: {  	[tilespmem:s19+$0x420 ss:$0x21] =	vst.msk $0xffff, v58;
	s23 =	sshrl.u32 s31, $0xD;
	p1 =	sgt.s32 s26, $0x7F;
	s27 =	sadd.s32 $0xFFFFFFA0, s21  }
0x52: {  	[tilespmem:s19+$0x630 ss:$0x21] =	vst.msk $0xffff, v59;
	s23 =	smul.u32 $0xF4240, s23;
	s18 =	ssub.s32 $0x80, s21;
	p2 =	sgt.s32 s27, $0x1F  }
.Ltmp4:
0x53: {  	[tilespmem:s19+$0x840 ss:$0x21] =	vst.msk $0xffff, v60;
	s17 =	simm.s32 @p1 $0x0;
	s18 =	simm.s32 @p2 $0x0;
	(pc) =	sbr.rel .LBB1_5-.Ltmp4, $4  }
0x54: {  	s29 =	sand.u32 $0xF, s28;
	[tilespmem:s19+$0xA50 ss:$0x21] =	vst.msk $0xffff, v61;
	s20 =	ssub.s32 s20, s23;
	s17 =	smul.u32 s18, s17  }
0x55: {  	[tilespmem:s19+$0xC60 ss:$0x21] =	vst.msk $0xffff, v62;
	s21 =	sshll.u32 s30, $0x12;
	s20 =	sshll.u32 s20, $0x4;
	s18 =	sadd.s32 s5, s29  }
0x56: {  	[tilespmem:s19+$0x0 ss:$0x21] =	vst.msk $0xffff, v63;
	s31 =	sor.u32 $0x20, s21;
	s18 =	sadd.s32 s20, s18;
	s17 =	sand.u32 $0x3FFFFFFF, s17  }
0x57: {  	[hbm4b:s18+s31] =	stream.strided.scatter [tilespmem:s16], [sflag:$0x2], s17, s8, s31, $0x10;
	[tilespmem:$0x4100] =	vst v63  }
.LBB1_6:
0x58: {  	_ =	sfence.sel $0x180000  }
0x59: {  	s2 =	simm.s32 $0x1;
	[bflag:$0x0] =	sbarrier.arrive $0xFFFF  }
0x5a: {  	s31 =	simm.s32 $0x2;
	[sflag:s2] =	ssyncpa.u1 $0x1  }
0x5b: {  	[sflag:s31] =	ssyncpa.u1 $0x1  }
0x5c: {  	p0 =	sne.s32 s1, $0x0;
	_ =	strace $0x90000047  }
0x5d: {  	s0 =	sadd.s32 @!p0 $0x100000, s0;
	[bflag:$0x2] =	sbarrier.arrive $0xFFFF  }
0x5e: {  	[sflag:s0] =	ssyncadd.tile.s32 @!p0 $0x1;
	_ =	shalt  }
.Lfunc_end1:
_tile_overlayer_lowered:
.L_overlay_start_2:
0x5f: {  	(tag) =	ssettag $0x2  }
0x60: {  	s0 =	rddreg [dreg:$0x0];
	s2 =	stileid.u32  }
0x61: {  	s1 =	rddreg [dreg:$0x1];
	p0 =	sne.s32 s2, $0x0  }
0x62: {  	s3 =	rddreg [dreg:$0x2];
	[bflag:$0x3] =	sbarrier.arrive $0xFFFF;
	s2 =	simm.s32 @!p0 $0x1C01  }
0x63: {  	[timem:s3], [sflag:s2] =	dma.local @!p0 [hbm:s0], s1  }
0x64: {  	s0 =	simm.s32 @!p0 $0x1  }
0x65: {  	_ =	swait.ge @!p0 [sflag:s0], s1  }
0x66: {  	s1 =	ssub.s32 @!p0 $0x0, s1;
	[sflag:s0] =	ssyncset.done @!p0 $0x0  }
0x67: {  	[sflag:s0] =	ssyncadd.s32 @!p0 s1  }
0x68: {  	[bflag:$0x3] =	sbarrier.arrive $0xFFFF  }
0x69: {  	_ =	shalt  }

</sc_bundles>
